<compile_context>
chip_gen: v7x
topology: tpu7x:2x2x1
jax: 0.10.2.dev20260603
libtpu: 0.0.44.dev20260713+nightly
codegen_flags: <defaults>
</compile_context>

<pallas_src>
import functools

import jax
import jax.numpy as jnp
from jax import lax
from jax.experimental import pallas as pl
from jax.experimental.pallas import tpu as pltpu
from jax.experimental.pallas import tpu_sc as plsc

N = 320000
D = 128
NSEG = 10000
NWORK = 32
SPT = 320
NSEG_PAD = NWORK * SPT
CH = 320
NV = D // 16


def _sc_segment_softmax_sum(x_flat, ids32, row_bounds, w_flat):
    mesh = plsc.VectorSubcoreMesh(core_axis_name="c", subcore_axis_name="s")

    @functools.partial(
        pl.kernel,
        mesh=mesh,
        out_type=jax.ShapeDtypeStruct((NSEG_PAD * D,), jnp.float32),
        scratch_types=[
            pltpu.VMEM((CH * D,), jnp.float32),
            pltpu.VMEM((CH * D,), jnp.float32),
            pltpu.VMEM((CH + 16,), jnp.int32),
            pltpu.VMEM((CH + 16,), jnp.int32),
            pltpu.VMEM((48,), jnp.int32),
            pltpu.VMEM((D,), jnp.float32),
            pltpu.VMEM((SPT * D,), jnp.float32),
            pltpu.VMEM((SPT * 16,), jnp.float32),
            pltpu.VMEM((8 * D,), jnp.float32),
            pltpu.SemaphoreType.DMA,
            pltpu.SemaphoreType.DMA,
        ],
    )
    def k(x_hbm, ids_hbm, rb_hbm, w_hbm, out_hbm,
          xbuf0, xbuf1, idb0, idb1, rb, wbuf, outb, dacc, basebuf, sem0, sem1):
        wid = lax.axis_index("s") * 2 + lax.axis_index("c")
        pltpu.sync_copy(rb_hbm, rb)
        pltpu.sync_copy(w_hbm, wbuf)

        seg_lo = wid * SPT
        rbv = rb[pl.ds(wid, 16)]
        row_lo = rbv[0]
        row_hi = rbv[1]

        zero16 = jnp.zeros((16,), jnp.float32)

        @plsc.parallel_loop(0, SPT * NV, unroll=8)
        def _(i):
            outb[pl.ds(i * 16, 16)] = zero16

        @plsc.parallel_loop(0, SPT, unroll=8)
        def _(i):
            dacc[pl.ds(i * 16, 16)] = zero16

        ws = [wbuf[pl.ds(kk * 16, 16)] for kk in range(NV)]
        lane = lax.iota(jnp.int32, 16)
        perms = [lane ^ st for st in (8, 4, 2, 1)]

        aligned_lo = (row_lo // 8) * 8
        nchunks = (row_hi - aligned_lo + CH - 1) // CH

        def score_of(xvecs):
            p = [xvecs[kk] * ws[kk] for kk in range(NV)]
            t4 = [p[2 * kk] + p[2 * kk + 1] for kk in range(NV // 2)]
            t2 = [t4[0] + t4[1], t4[2] + t4[3]]
            tt = t2[0] + t2[1]
            for pm in perms:
                tt = tt + tt.at[pm].get(mode="promise_in_bounds")
            return tt

        bl = jnp.minimum(aligned_lo, N - 8)
        pltpu.sync_copy(x_hbm.at[pl.ds(bl * D, 8 * D)], basebuf)
        fo = (row_lo - bl) * D
        base = score_of([basebuf[pl.ds(fo + kk * 16, 16)] for kk in range(NV)])

        xbufs = [xbuf0, xbuf1]
        idbs = [idb0, idb1]
        sems = [sem0, sem1]

        def issue(g, b):
            s_g = jnp.minimum(aligned_lo + g * CH, N - CH)
            pltpu.async_copy(x_hbm.at[pl.ds(s_g * D, CH * D)], xbufs[b], sems[b])
            pltpu.async_copy(
                ids_hbm.at[pl.ds(s_g, CH)], idbs[b].at[pl.ds(0, CH)], sems[b]
            )

        def wait(b):
            pltpu.make_async_copy(
                x_hbm.at[pl.ds(0, CH * D)], xbufs[b], sems[b]
            ).wait()
            pltpu.make_async_copy(
                ids_hbm.at[pl.ds(0, CH)], idbs[b].at[pl.ds(0, CH)], sems[b]
            ).wait()

        def process(g, b, carry):
            start = aligned_lo + g * CH
            s_g = jnp.minimum(start, N - CH)
            lo_g = jnp.maximum(row_lo, start)
            hi_g = jnp.maximum(jnp.minimum(start + CH, row_hi), lo_g)
            xb = xbufs[b]
            ib = idbs[b]

            @plsc.parallel_loop(lo_g, hi_g, unroll=16)
            def _(r):
                off = r - s_g
                xbase = off * D
                xs = [xb[pl.ds(xbase + kk * 16, 16)] for kk in range(NV)]
                sv = score_of(xs)
                wgt = jnp.exp(sv - base)
                sid = ib[pl.ds(off, 16)][0]
                loc = sid - seg_lo
                plsc.addupdate(dacc.at[pl.ds(loc * 16, 16)], wgt)
                obase = loc * D
                for kk in range(NV):
                    plsc.addupdate(
                        outb.at[pl.ds(obase + kk * 16, 16)], wgt * xs[kk]
                    )

            return carry

        init = jnp.int32(0)

        issue(0, 0)
        npairs = (nchunks + 1) // 2

        def pair(gp, carry):
            g0 = gp * 2
            issue(g0 + 1, 1)
            wait(0)
            carry = process(g0, 0, carry)
            issue(g0 + 2, 0)
            wait(1)
            carry = process(g0 + 1, 1, carry)
            return carry

        lax.fori_loop(0, npairs, pair, init)
        wait(0)

        @plsc.parallel_loop(0, SPT, unroll=4)
        def _(i):
            dvec = dacc[pl.ds(i * 16, 16)]
            inv = jnp.where(dvec > 0.0, 1.0 / dvec, jnp.float32(0.0))
            obase = i * D
            for kk in range(NV):
                outb[pl.ds(obase + kk * 16, 16)] = (
                    outb[pl.ds(obase + kk * 16, 16)] * inv
                )

        pltpu.sync_copy(outb, out_hbm.at[pl.ds(seg_lo * D, SPT * D)])

    return k(x_flat, ids32, row_bounds, w_flat)


def _tc_readout(sx, W_read, b_row):
    def mm(sx_ref, w_ref, b_ref, o_ref):
        o_ref[...] = (
            jnp.dot(sx_ref[...], w_ref[...], preferred_element_type=jnp.float32)
            + b_ref[...]
        )

    return pl.pallas_call(
        mm,
        out_shape=jax.ShapeDtypeStruct((NSEG, D), jnp.float32),
        grid=(25,),
        in_specs=[
            pl.BlockSpec((400, D), lambda i: (i, 0)),
            pl.BlockSpec((D, D), lambda i: (0, 0)),
            pl.BlockSpec((1, D), lambda i: (0, 0)),
        ],
        out_specs=pl.BlockSpec((400, D), lambda i: (i, 0)),
    )(sx, W_read, b_row)


@jax.jit
def kernel(x, segment_ids, W_score, b_score, W_read, b_read):
    del b_score
    ids32 = segment_ids.astype(jnp.int32)
    seg_bounds = jnp.minimum(jnp.arange(48, dtype=jnp.int32) * SPT, NSEG)
    rb = jnp.sum(
        ids32[None, :] < seg_bounds[:, None], axis=1, dtype=jnp.int32
    )
    sx_flat = _sc_segment_softmax_sum(
        x.reshape(N * D), ids32, rb, W_score.reshape(D)
    )
    sx = sx_flat.reshape(NSEG_PAD, D)
    return _tc_readout(sx, W_read, b_read.reshape(1, D))

# --- scband reference (transcript-rebuilt; emitter-appended) ---
"""Pipeline reference for scband-set2-vec-readout-40003325395257 (READ-ONLY COPY).

The authoritative reference and input builder live on the scoring server;
editing this copy changes nothing except your own understanding.
"""

import jax, jax.numpy as jnp
import numpy as np

N = 320000
D = 128
NUM_SEGMENTS = 10000


def setup_inputs(seed: int = 0) -> dict:
    key = jax.random.key(seed)
    k_x, k_idx, k_ws, k_bs, k_wr, k_br = jax.random.split(key, 6)
    x = jax.random.normal(k_x, (N, D), dtype=jnp.float32)
    segment_ids = jnp.sort(jax.random.randint(k_idx, (N,), 0, NUM_SEGMENTS, dtype=jnp.int64))
    # score_net: Linear(D, 1)
    W_score = jax.random.normal(k_ws, (D, 1), dtype=jnp.float32) * (1.0 / np.sqrt(D))
    b_score = jax.random.normal(k_bs, (1,), dtype=jnp.float32) * 0.01
    # readout_net: Linear(D, D)
    W_read = jax.random.normal(k_wr, (D, D), dtype=jnp.float32) * (1.0 / np.sqrt(D))
    b_read = jax.random.normal(k_br, (D,), dtype=jnp.float32) * 0.01
    return {
        "x": x,
        "segment_ids": segment_ids,
        "W_score": W_score,
        "b_score": b_score,
        "W_read": W_read,
        "b_read": b_read,
    }


def reference(x, segment_ids, W_score, b_score, W_read, b_read):
    # score_net
    s = x @ W_score + b_score  # [N, 1]
    # scatter_softmax over segments (dim=0)
    seg_max = jax.ops.segment_max(s, segment_ids, num_segments=NUM_SEGMENTS)  # [NS, 1]
    s_exp = jnp.exp(s - seg_max[segment_ids])  # [N, 1]
    denom = jax.ops.segment_sum(s_exp, segment_ids, num_segments=NUM_SEGMENTS)  # [NS, 1]
    attn = s_exp / denom[segment_ids]  # [N, 1]
    # sum_splits(s * x, splits) == segment-wise sum of weighted features
    sx = jax.ops.segment_sum(attn * x, segment_ids, num_segments=NUM_SEGMENTS)  # [NS, D]
    # readout_net
    out = sx @ W_read + b_read  # [NS, D]
    return out

if __name__ == "__main__":
    import jax
    _d = setup_inputs()
    print(jax.jit(kernel)(*tuple(_d.values())))

</pallas_src>

<mosaic_0001>
#map = affine_map<(d0, d1) -> (0)>
module attributes {stable_mosaic.version = 14 : i64} {
  func.func @k(%arg0: i32, %arg1: i32, %arg2: memref<40960000xf32, #tpu.memory_space<hbm>>, %arg3: memref<320000xi32, #tpu.memory_space<hbm>>, %arg4: memref<48xi32, #tpu.memory_space<hbm>>, %arg5: memref<128xf32, #tpu.memory_space<hbm>>, %arg6: memref<1310720xf32, #tpu.memory_space<hbm>>, %arg7: memref<40960xf32, #tpu.memory_space<vmem>>, %arg8: memref<40960xf32, #tpu.memory_space<vmem>>, %arg9: memref<336xi32, #tpu.memory_space<vmem>>, %arg10: memref<336xi32, #tpu.memory_space<vmem>>, %arg11: memref<48xi32, #tpu.memory_space<vmem>>, %arg12: memref<128xf32, #tpu.memory_space<vmem>>, %arg13: memref<40960xf32, #tpu.memory_space<vmem>>, %arg14: memref<5120xf32, #tpu.memory_space<vmem>>, %arg15: memref<1024xf32, #tpu.memory_space<vmem>>, %arg16: memref<!tpu.dma_semaphore, #tpu.memory_space<semaphore_mem>>, %arg17: memref<!tpu.dma_semaphore, #tpu.memory_space<semaphore_mem>>) attributes {dimension_semantics = [#tpu.dimension_semantics<core_parallel>, #tpu.dimension_semantics<subcore_parallel>], iteration_bounds = array<i64: 2, 16>, scalar_prefetch = 0 : i64, scratch_operands = 11 : i64, tpu.core_type = #tpu.core_type<sc_vector_subcore>, window_params = [{transform_indices = #map}, {transform_indices = #map}, {transform_indices = #map}, {transform_indices = #map}, {transform_indices = #map}]} {
    %mul3A = arith.constant 2 : i32
    %mul3A_0 = arith.muli %arg1, %mul3A : i32
    %add3A = arith.addi %mul3A_0, %arg0 : i32
    "tpu.region"() ({
      %run_scoped3A = tpu.sem_alloc : memref<!tpu.dma_semaphore, #tpu.memory_space<semaphore_mem>>
      tpu.enqueue_dma source(%arg4 : memref<48xi32, #tpu.memory_space<hbm>>) target(%arg11 : memref<48xi32, #tpu.memory_space<vmem>>) target_semaphore(%run_scoped3A : memref<!tpu.dma_semaphore, #tpu.memory_space<semaphore_mem>>)
      tpu.wait_dma2 semaphore(%run_scoped3A : memref<!tpu.dma_semaphore, #tpu.memory_space<semaphore_mem>>) src(%arg4 : memref<48xi32, #tpu.memory_space<hbm>>) dst(%arg11 : memref<48xi32, #tpu.memory_space<vmem>>)
      tpu.yield
    }) : () -> ()
    "tpu.region"() ({
      %run_scoped3A = tpu.sem_alloc : memref<!tpu.dma_semaphore, #tpu.memory_space<semaphore_mem>>
      tpu.enqueue_dma source(%arg5 : memref<128xf32, #tpu.memory_space<hbm>>) target(%arg12 : memref<128xf32, #tpu.memory_space<vmem>>) target_semaphore(%run_scoped3A : memref<!tpu.dma_semaphore, #tpu.memory_space<semaphore_mem>>)
      tpu.wait_dma2 semaphore(%run_scoped3A : memref<!tpu.dma_semaphore, #tpu.memory_space<semaphore_mem>>) src(%arg5 : memref<128xf32, #tpu.memory_space<hbm>>) dst(%arg12 : memref<128xf32, #tpu.memory_space<vmem>>)
      tpu.yield
    }) : () -> ()
    %mul3A_1 = arith.constant 320 : i32
    %mul3A_2 = arith.muli %add3A, %mul3A_1 : i32
    %get3A = arith.index_cast %add3A : i32 to index
    %get3A_3 = tpu.vector_load %arg11[%get3A] {strides = array<i32>} : memref<48xi32, #tpu.memory_space<vmem>>, vector<16xi32>,
    %get3A_4 = vector.shape_cast %get3A_3 : vector<16xi32> to vector<16xi32>
    %slice3A = vector.extract_strided_slice %get3A_4 {offsets = [0], sizes = [1], strides = [1]} : vector<16xi32> to vector<1xi32>
    %squeeze3A = vector.extract %slice3A[0] : i32 from vector<1xi32>
    %slice3A_5 = vector.extract_strided_slice %get3A_4 {offsets = [1], sizes = [1], strides = [1]} : vector<16xi32> to vector<1xi32>
    %squeeze3A_6 = vector.extract %slice3A_5[0] : i32 from vector<1xi32>
    %broadcast_in_dim3A = arith.constant 0.000000e+00 : f32
    %broadcast_in_dim3A_7 = vector.broadcast %broadcast_in_dim3A : f32 to vector<16xf32>
    %parallel_loop3A = arith.constant 0 : i32
    %parallel_loop3A_8 = arith.constant 2560 : i32
    %parallel_loop3A_9 = arith.constant 1 : i32
    scf.for %parallel_loop3A_262 = %parallel_loop3A to %parallel_loop3A_8 step %parallel_loop3A_9  : i32 {
      %parallel_loop3A_263 = arith.constant 16 : i32
      %parallel_loop3A_264 = arith.muli %parallel_loop3A_262, %parallel_loop3A_263 : i32
      %parallel_loop3A_265 = arith.index_cast %parallel_loop3A_264 : i32 to index
      %parallel_loop3A_266 = tpu.vector_load %arg13[%parallel_loop3A_265] {strides = array<i32>} : memref<40960xf32, #tpu.memory_space<vmem>>, vector<16xf32>,
      %parallel_loop3A_267 = vector.shape_cast %parallel_loop3A_266 : vector<16xf32> to vector<16xf32>
      %parallel_loop3A_268 = vector.shape_cast %broadcast_in_dim3A_7 : vector<16xf32> to vector<16xf32>
      tpu.vector_store %arg13[%parallel_loop3A_265], %parallel_loop3A_268 {strides = array<i32>} : memref<40960xf32, #tpu.memory_space<vmem>>, vector<16xf32>,
    } {sc.loop_unroll_factor = 8 : i64, sc.parallel_access}
    %parallel_loop3A_10 = arith.constant 0 : i32
    %parallel_loop3A_11 = arith.constant 320 : i32
    %parallel_loop3A_12 = arith.constant 1 : i32
    scf.for %parallel_loop3A_262 = %parallel_loop3A_10 to %parallel_loop3A_11 step %parallel_loop3A_12  : i32 {
      %parallel_loop3A_263 = arith.constant 16 : i32
      %parallel_loop3A_264 = arith.muli %parallel_loop3A_262, %parallel_loop3A_263 : i32
      %parallel_loop3A_265 = arith.index_cast %parallel_loop3A_264 : i32 to index
      %parallel_loop3A_266 = tpu.vector_load %arg14[%parallel_loop3A_265] {strides = array<i32>} : memref<5120xf32, #tpu.memory_space<vmem>>, vector<16xf32>,
      %parallel_loop3A_267 = vector.shape_cast %parallel_loop3A_266 : vector<16xf32> to vector<16xf32>
      %parallel_loop3A_268 = vector.shape_cast %broadcast_in_dim3A_7 : vector<16xf32> to vector<16xf32>
      tpu.vector_store %arg14[%parallel_loop3A_265], %parallel_loop3A_268 {strides = array<i32>} : memref<5120xf32, #tpu.memory_space<vmem>>, vector<16xf32>,
    } {sc.loop_unroll_factor = 8 : i64, sc.parallel_access}
    %get3A_13 = arith.constant 0 : index
    %get3A_14 = tpu.vector_load %arg12[%get3A_13] {strides = array<i32>} : memref<128xf32, #tpu.memory_space<vmem>>, vector<16xf32>,
    %get3A_15 = vector.shape_cast %get3A_14 : vector<16xf32> to vector<16xf32>
    %get3A_16 = arith.constant 16 : index
    %get3A_17 = tpu.vector_load %arg12[%get3A_16] {strides = array<i32>} : memref<128xf32, #tpu.memory_space<vmem>>, vector<16xf32>,
    %get3A_18 = vector.shape_cast %get3A_17 : vector<16xf32> to vector<16xf32>
    %get3A_19 = arith.constant 32 : index
    %get3A_20 = tpu.vector_load %arg12[%get3A_19] {strides = array<i32>} : memref<128xf32, #tpu.memory_space<vmem>>, vector<16xf32>,
    %get3A_21 = vector.shape_cast %get3A_20 : vector<16xf32> to vector<16xf32>
    %get3A_22 = arith.constant 48 : index
    %get3A_23 = tpu.vector_load %arg12[%get3A_22] {strides = array<i32>} : memref<128xf32, #tpu.memory_space<vmem>>, vector<16xf32>,
    %get3A_24 = vector.shape_cast %get3A_23 : vector<16xf32> to vector<16xf32>
    %get3A_25 = arith.constant 64 : index
    %get3A_26 = tpu.vector_load %arg12[%get3A_25] {strides = array<i32>} : memref<128xf32, #tpu.memory_space<vmem>>, vector<16xf32>,
    %get3A_27 = vector.shape_cast %get3A_26 : vector<16xf32> to vector<16xf32>
    %get3A_28 = arith.constant 80 : index
    %get3A_29 = tpu.vector_load %arg12[%get3A_28] {strides = array<i32>} : memref<128xf32, #tpu.memory_space<vmem>>, vector<16xf32>,
    %get3A_30 = vector.shape_cast %get3A_29 : vector<16xf32> to vector<16xf32>
    %get3A_31 = arith.constant 96 : index
    %get3A_32 = tpu.vector_load %arg12[%get3A_31] {strides = array<i32>} : memref<128xf32, #tpu.memory_space<vmem>>, vector<16xf32>,
    %get3A_33 = vector.shape_cast %get3A_32 : vector<16xf32> to vector<16xf32>
    %get3A_34 = arith.constant 112 : index
    %get3A_35 = tpu.vector_load %arg12[%get3A_34] {strides = array<i32>} : memref<128xf32, #tpu.memory_space<vmem>>, vector<16xf32>,
    %get3A_36 = vector.shape_cast %get3A_35 : vector<16xf32> to vector<16xf32>
    %iota3A = tpu.iota {dimensions = array<i32: 0>} : vector<16xi32>
    %xor3A = arith.constant 8 : i32
    %xor3A_37 = vector.broadcast %xor3A : i32 to vector<16xi32>
    %xor3A_38 = arith.xori %iota3A, %xor3A_37 : vector<16xi32>
    %xor3A_39 = arith.constant 4 : i32
    %xor3A_40 = vector.broadcast %xor3A_39 : i32 to vector<16xi32>
    %xor3A_41 = arith.xori %iota3A, %xor3A_40 : vector<16xi32>
    %xor3A_42 = arith.constant 2 : i32
    %xor3A_43 = vector.broadcast %xor3A_42 : i32 to vector<16xi32>
    %xor3A_44 = arith.xori %iota3A, %xor3A_43 : vector<16xi32>
    %xor3A_45 = arith.constant 1 : i32
    %xor3A_46 = vector.broadcast %xor3A_45 : i32 to vector<16xi32>
    %xor3A_47 = arith.xori %iota3A, %xor3A_46 : vector<16xi32>
    %jit3A = arith.constant 8 : i32
    %div3A = arith.divsi %squeeze3A, %jit3A : i32
    %sign3A = arith.constant 0 : i32
    %sign3A_48 = arith.cmpi sgt, %squeeze3A, %sign3A : i32
    %sign3A_49 = arith.extui %sign3A_48 : i1 to i32
    %sign3A_50 = arith.constant 0 : i32
    %sign3A_51 = arith.cmpi slt, %squeeze3A, %sign3A_50 : i32
    %sign3A_52 = arith.extui %sign3A_51 : i1 to i32
    %sign3A_53 = arith.subi %sign3A_49, %sign3A_52 : i32
    %sign3A_54 = arith.constant 0 : i32
    %sign3A_55 = arith.cmpi sgt, %jit3A, %sign3A_54 : i32
    %sign3A_56 = arith.extui %sign3A_55 : i1 to i32
    %sign3A_57 = arith.constant 0 : i32
    %sign3A_58 = arith.cmpi slt, %jit3A, %sign3A_57 : i32
    %sign3A_59 = arith.extui %sign3A_58 : i1 to i32
    %sign3A_60 = arith.subi %sign3A_56, %sign3A_59 : i32
    %ne3A = arith.cmpi ne, %sign3A_53, %sign3A_60 : i32
    %rem3A = arith.remsi %squeeze3A, %jit3A : i32
    %ne3A_61 = arith.constant 0 : i32
    %ne3A_62 = arith.cmpi ne, %rem3A, %ne3A_61 : i32
    %and3A = arith.andi %ne3A, %ne3A_62 : i1
    %sub3A = arith.constant 1 : i32
    %sub3A_63 = arith.subi %div3A, %sub3A : i32
    %select_n3A = arith.select %and3A, %sub3A_63, %div3A : i32
    %mul3A_64 = arith.constant 8 : i32
    %mul3A_65 = arith.muli %select_n3A, %mul3A_64 : i32
    %sub3A_66 = arith.subi %squeeze3A_6, %mul3A_65 : i32
    %add3A_67 = arith.constant 320 : i32
    %add3A_68 = arith.addi %sub3A_66, %add3A_67 : i32
    %sub3A_69 = arith.constant 1 : i32
    %sub3A_70 = arith.subi %add3A_68, %sub3A_69 : i32
    %jit3A_71 = arith.constant 320 : i32
    %div3A_72 = arith.divsi %sub3A_70, %jit3A_71 : i32
    %sign3A_73 = arith.constant 0 : i32
    %sign3A_74 = arith.cmpi sgt, %sub3A_70, %sign3A_73 : i32
    %sign3A_75 = arith.extui %sign3A_74 : i1 to i32
    %sign3A_76 = arith.constant 0 : i32
    %sign3A_77 = arith.cmpi slt, %sub3A_70, %sign3A_76 : i32
    %sign3A_78 = arith.extui %sign3A_77 : i1 to i32
    %sign3A_79 = arith.subi %sign3A_75, %sign3A_78 : i32
    %sign3A_80 = arith.constant 0 : i32
    %sign3A_81 = arith.cmpi sgt, %jit3A_71, %sign3A_80 : i32
    %sign3A_82 = arith.extui %sign3A_81 : i1 to i32
    %sign3A_83 = arith.constant 0 : i32
    %sign3A_84 = arith.cmpi slt, %jit3A_71, %sign3A_83 : i32
    %sign3A_85 = arith.extui %sign3A_84 : i1 to i32
    %sign3A_86 = arith.subi %sign3A_82, %sign3A_85 : i32
    %ne3A_87 = arith.cmpi ne, %sign3A_79, %sign3A_86 : i32
    %rem3A_88 = arith.remsi %sub3A_70, %jit3A_71 : i32
    %ne3A_89 = arith.constant 0 : i32
    %ne3A_90 = arith.cmpi ne, %rem3A_88, %ne3A_89 : i32
    %and3A_91 = arith.andi %ne3A_87, %ne3A_90 : i1
    %sub3A_92 = arith.constant 1 : i32
    %sub3A_93 = arith.subi %div3A_72, %sub3A_92 : i32
    %select_n3A_94 = arith.select %and3A_91, %sub3A_93, %div3A_72 : i32
    %min3A = arith.constant 319992 : i32
    %min3A_95 = arith.minsi %mul3A_65, %min3A : i32
    %mul3A_96 = arith.constant 128 : i32
    %mul3A_97 = arith.muli %min3A_95, %mul3A_96 : i32
    "tpu.region"() ({
      %run_scoped3A = tpu.sem_alloc : memref<!tpu.dma_semaphore, #tpu.memory_space<semaphore_mem>>
      %dma_start3A_262 = tpu.memref_slice %arg2[%mul3A_97] : memref<40960000xf32, #tpu.memory_space<hbm>> -> memref<1024xf32, #tpu.memory_space<hbm>>
      %dma_start3A_263 = tpu.memref_slice %arg2[%mul3A_97] : memref<40960000xf32, #tpu.memory_space<hbm>> -> memref<1024xf32, #tpu.memory_space<hbm>>
      tpu.enqueue_dma source(%dma_start3A_263 : memref<1024xf32, #tpu.memory_space<hbm>>) target(%arg15 : memref<1024xf32, #tpu.memory_space<vmem>>) target_semaphore(%run_scoped3A : memref<!tpu.dma_semaphore, #tpu.memory_space<semaphore_mem>>)
      %dma_wait3A_264 = tpu.memref_slice %arg2[%mul3A_97] : memref<40960000xf32, #tpu.memory_space<hbm>> -> memref<1024xf32, #tpu.memory_space<hbm>>
      %dma_wait3A_265 = tpu.memref_slice %arg2[%mul3A_97] : memref<40960000xf32, #tpu.memory_space<hbm>> -> memref<1024xf32, #tpu.memory_space<hbm>>
      tpu.wait_dma2 semaphore(%run_scoped3A : memref<!tpu.dma_semaphore, #tpu.memory_space<semaphore_mem>>) src(%dma_wait3A_265 : memref<1024xf32, #tpu.memory_space<hbm>>) dst(%arg15 : memref<1024xf32, #tpu.memory_space<vmem>>)
      tpu.yield
    }) : () -> ()
    %sub3A_98 = arith.subi %squeeze3A, %min3A_95 : i32
    %mul3A_99 = arith.constant 128 : i32
    %mul3A_100 = arith.muli %sub3A_98, %mul3A_99 : i32
    %add3A_101 = arith.constant 0 : i32
    %add3A_102 = arith.addi %mul3A_100, %add3A_101 : i32
    %get3A_103 = arith.index_cast %add3A_102 : i32 to index
    %get3A_104 = tpu.vector_load %arg15[%get3A_103] {strides = array<i32>} : memref<1024xf32, #tpu.memory_space<vmem>>, vector<16xf32>,
    %get3A_105 = vector.shape_cast %get3A_104 : vector<16xf32> to vector<16xf32>
    %add3A_106 = arith.constant 16 : i32
    %add3A_107 = arith.addi %mul3A_100, %add3A_106 : i32
    %get3A_108 = arith.index_cast %add3A_107 : i32 to index
    %get3A_109 = tpu.vector_load %arg15[%get3A_108] {strides = array<i32>} : memref<1024xf32, #tpu.memory_space<vmem>>, vector<16xf32>,
    %get3A_110 = vector.shape_cast %get3A_109 : vector<16xf32> to vector<16xf32>
    %add3A_111 = arith.constant 32 : i32
    %add3A_112 = arith.addi %mul3A_100, %add3A_111 : i32
    %get3A_113 = arith.index_cast %add3A_112 : i32 to index
    %get3A_114 = tpu.vector_load %arg15[%get3A_113] {strides = array<i32>} : memref<1024xf32, #tpu.memory_space<vmem>>, vector<16xf32>,
    %get3A_115 = vector.shape_cast %get3A_114 : vector<16xf32> to vector<16xf32>
    %add3A_116 = arith.constant 48 : i32
    %add3A_117 = arith.addi %mul3A_100, %add3A_116 : i32
    %get3A_118 = arith.index_cast %add3A_117 : i32 to index
    %get3A_119 = tpu.vector_load %arg15[%get3A_118] {strides = array<i32>} : memref<1024xf32, #tpu.memory_space<vmem>>, vector<16xf32>,
    %get3A_120 = vector.shape_cast %get3A_119 : vector<16xf32> to vector<16xf32>
    %add3A_121 = arith.constant 64 : i32
    %add3A_122 = arith.addi %mul3A_100, %add3A_121 : i32
    %get3A_123 = arith.index_cast %add3A_122 : i32 to index
    %get3A_124 = tpu.vector_load %arg15[%get3A_123] {strides = array<i32>} : memref<1024xf32, #tpu.memory_space<vmem>>, vector<16xf32>,
    %get3A_125 = vector.shape_cast %get3A_124 : vector<16xf32> to vector<16xf32>
    %add3A_126 = arith.constant 80 : i32
    %add3A_127 = arith.addi %mul3A_100, %add3A_126 : i32
    %get3A_128 = arith.index_cast %add3A_127 : i32 to index
    %get3A_129 = tpu.vector_load %arg15[%get3A_128] {strides = array<i32>} : memref<1024xf32, #tpu.memory_space<vmem>>, vector<16xf32>,
    %get3A_130 = vector.shape_cast %get3A_129 : vector<16xf32> to vector<16xf32>
    %add3A_131 = arith.constant 96 : i32
    %add3A_132 = arith.addi %mul3A_100, %add3A_131 : i32
    %get3A_133 = arith.index_cast %add3A_132 : i32 to index
    %get3A_134 = tpu.vector_load %arg15[%get3A_133] {strides = array<i32>} : memref<1024xf32, #tpu.memory_space<vmem>>, vector<16xf32>,
    %get3A_135 = vector.shape_cast %get3A_134 : vector<16xf32> to vector<16xf32>
    %add3A_136 = arith.constant 112 : i32
    %add3A_137 = arith.addi %mul3A_100, %add3A_136 : i32
    %get3A_138 = arith.index_cast %add3A_137 : i32 to index
    %get3A_139 = tpu.vector_load %arg15[%get3A_138] {strides = array<i32>} : memref<1024xf32, #tpu.memory_space<vmem>>, vector<16xf32>,
    %get3A_140 = vector.shape_cast %get3A_139 : vector<16xf32> to vector<16xf32>
    %mul3A_141 = arith.mulf %get3A_105, %get3A_15 : vector<16xf32>
    %mul3A_142 = arith.mulf %get3A_110, %get3A_18 : vector<16xf32>
    %mul3A_143 = arith.mulf %get3A_115, %get3A_21 : vector<16xf32>
    %mul3A_144 = arith.mulf %get3A_120, %get3A_24 : vector<16xf32>
    %mul3A_145 = arith.mulf %get3A_125, %get3A_27 : vector<16xf32>
    %mul3A_146 = arith.mulf %get3A_130, %get3A_30 : vector<16xf32>
    %mul3A_147 = arith.mulf %get3A_135, %get3A_33 : vector<16xf32>
    %mul3A_148 = arith.mulf %get3A_140, %get3A_36 : vector<16xf32>
    %add3A_149 = arith.addf %mul3A_141, %mul3A_142 : vector<16xf32>
    %add3A_150 = arith.addf %mul3A_143, %mul3A_144 : vector<16xf32>
    %add3A_151 = arith.addf %mul3A_145, %mul3A_146 : vector<16xf32>
    %add3A_152 = arith.addf %mul3A_147, %mul3A_148 : vector<16xf32>
    %add3A_153 = arith.addf %add3A_149, %add3A_150 : vector<16xf32>
    %add3A_154 = arith.addf %add3A_151, %add3A_152 : vector<16xf32>
    %add3A_155 = arith.addf %add3A_153, %add3A_154 : vector<16xf32>
    %lt3A = arith.constant 0 : i32
    %lt3A_156 = vector.broadcast %lt3A : i32 to vector<16xi32>
    %lt3A_157 = arith.cmpi slt, %xor3A_38, %lt3A_156 : vector<16xi32>
    %add3A_158 = arith.constant 16 : i32
    %add3A_159 = vector.broadcast %add3A_158 : i32 to vector<16xi32>
    %add3A_160 = arith.addi %xor3A_38, %add3A_159 : vector<16xi32>
    %select_n3A_161 = arith.select %lt3A_157, %add3A_160, %xor3A_38 : vector<16xi1>, vector<16xi32>
    %broadcast_in_dim3A_162 = vector.shape_cast %select_n3A_161 : vector<16xi32> to vector<16x1xi32>
    %gather3A = vector.shape_cast %broadcast_in_dim3A_162 : vector<16x1xi32> to vector<16xi32>
    %gather3A_163 = tpu.dynamic_gather %add3A_155[%gather3A] in [0] : vector<16xf32>, vector<16xi32> -> vector<16xf32>
    %add3A_164 = arith.addf %add3A_155, %gather3A_163 : vector<16xf32>
    %lt3A_165 = arith.constant 0 : i32
    %lt3A_166 = vector.broadcast %lt3A_165 : i32 to vector<16xi32>
    %lt3A_167 = arith.cmpi slt, %xor3A_41, %lt3A_166 : vector<16xi32>
    %add3A_168 = arith.constant 16 : i32
    %add3A_169 = vector.broadcast %add3A_168 : i32 to vector<16xi32>
    %add3A_170 = arith.addi %xor3A_41, %add3A_169 : vector<16xi32>
    %select_n3A_171 = arith.select %lt3A_167, %add3A_170, %xor3A_41 : vector<16xi1>, vector<16xi32>
    %broadcast_in_dim3A_172 = vector.shape_cast %select_n3A_171 : vector<16xi32> to vector<16x1xi32>
    %gather3A_173 = vector.shape_cast %broadcast_in_dim3A_172 : vector<16x1xi32> to vector<16xi32>
    %gather3A_174 = tpu.dynamic_gather %add3A_164[%gather3A_173] in [0] : vector<16xf32>, vector<16xi32> -> vector<16xf32>
    %add3A_175 = arith.addf %add3A_164, %gather3A_174 : vector<16xf32>
    %lt3A_176 = arith.constant 0 : i32
    %lt3A_177 = vector.broadcast %lt3A_176 : i32 to vector<16xi32>
    %lt3A_178 = arith.cmpi slt, %xor3A_44, %lt3A_177 : vector<16xi32>
    %add3A_179 = arith.constant 16 : i32
    %add3A_180 = vector.broadcast %add3A_179 : i32 to vector<16xi32>
    %add3A_181 = arith.addi %xor3A_44, %add3A_180 : vector<16xi32>
    %select_n3A_182 = arith.select %lt3A_178, %add3A_181, %xor3A_44 : vector<16xi1>, vector<16xi32>
    %broadcast_in_dim3A_183 = vector.shape_cast %select_n3A_182 : vector<16xi32> to vector<16x1xi32>
    %gather3A_184 = vector.shape_cast %broadcast_in_dim3A_183 : vector<16x1xi32> to vector<16xi32>
    %gather3A_185 = tpu.dynamic_gather %add3A_175[%gather3A_184] in [0] : vector<16xf32>, vector<16xi32> -> vector<16xf32>
    %add3A_186 = arith.addf %add3A_175, %gather3A_185 : vector<16xf32>
    %lt3A_187 = arith.constant 0 : i32
    %lt3A_188 = vector.broadcast %lt3A_187 : i32 to vector<16xi32>
    %lt3A_189 = arith.cmpi slt, %xor3A_47, %lt3A_188 : vector<16xi32>
    %add3A_190 = arith.constant 16 : i32
    %add3A_191 = vector.broadcast %add3A_190 : i32 to vector<16xi32>
    %add3A_192 = arith.addi %xor3A_47, %add3A_191 : vector<16xi32>
    %select_n3A_193 = arith.select %lt3A_189, %add3A_192, %xor3A_47 : vector<16xi1>, vector<16xi32>
    %broadcast_in_dim3A_194 = vector.shape_cast %select_n3A_193 : vector<16xi32> to vector<16x1xi32>
    %gather3A_195 = vector.shape_cast %broadcast_in_dim3A_194 : vector<16x1xi32> to vector<16xi32>
    %gather3A_196 = tpu.dynamic_gather %add3A_186[%gather3A_195] in [0] : vector<16xf32>, vector<16xi32> -> vector<16xf32>
    %add3A_197 = arith.addf %add3A_186, %gather3A_196 : vector<16xf32>
    %add3A_198 = arith.constant 0 : i32
    %add3A_199 = arith.addi %mul3A_65, %add3A_198 : i32
    %min3A_200 = arith.constant 319680 : i32
    %min3A_201 = arith.minsi %add3A_199, %min3A_200 : i32
    %mul3A_202 = arith.constant 128 : i32
    %mul3A_203 = arith.muli %min3A_201, %mul3A_202 : i32
    %dma_start3A = tpu.memref_slice %arg2[%mul3A_203] : memref<40960000xf32, #tpu.memory_space<hbm>> -> memref<40960xf32, #tpu.memory_space<hbm>>
    %dma_start3A_204 = tpu.memref_slice %arg2[%mul3A_203] : memref<40960000xf32, #tpu.memory_space<hbm>> -> memref<40960xf32, #tpu.memory_space<hbm>>
    tpu.enqueue_dma source(%dma_start3A_204 : memref<40960xf32, #tpu.memory_space<hbm>>) target(%arg7 : memref<40960xf32, #tpu.memory_space<vmem>>) target_semaphore(%arg16 : memref<!tpu.dma_semaphore, #tpu.memory_space<semaphore_mem>>)
    %dma_start3A_205 = arith.constant 0 : i32
    %dma_start3A_206 = tpu.memref_slice %arg9[%dma_start3A_205] : memref<336xi32, #tpu.memory_space<vmem>> -> memref<320xi32, #tpu.memory_space<vmem>>
    %dma_start3A_207 = tpu.memref_slice %arg3[%min3A_201] : memref<320000xi32, #tpu.memory_space<hbm>> -> memref<320xi32, #tpu.memory_space<hbm>>
    %dma_start3A_208 = arith.constant 0 : i32
    %dma_start3A_209 = tpu.memref_slice %arg9[%dma_start3A_208] : memref<336xi32, #tpu.memory_space<vmem>> -> memref<320xi32, #tpu.memory_space<vmem>>
    %dma_start3A_210 = tpu.memref_slice %arg3[%min3A_201] : memref<320000xi32, #tpu.memory_space<hbm>> -> memref<320xi32, #tpu.memory_space<hbm>>
    tpu.enqueue_dma source(%dma_start3A_210 : memref<320xi32, #tpu.memory_space<hbm>>) target(%dma_start3A_209 : memref<320xi32, #tpu.memory_space<vmem>>) target_semaphore(%arg16 : memref<!tpu.dma_semaphore, #tpu.memory_space<semaphore_mem>>)
    %add3A_211 = arith.constant 1 : i32
    %add3A_212 = arith.addi %select_n3A_94, %add3A_211 : i32
    %jit3A_213 = arith.constant 2 : i32
    %div3A_214 = arith.divsi %add3A_212, %jit3A_213 : i32
    %sign3A_215 = arith.constant 0 : i32
    %sign3A_216 = arith.cmpi sgt, %add3A_212, %sign3A_215 : i32
    %sign3A_217 = arith.extui %sign3A_216 : i1 to i32
    %sign3A_218 = arith.constant 0 : i32
    %sign3A_219 = arith.cmpi slt, %add3A_212, %sign3A_218 : i32
    %sign3A_220 = arith.extui %sign3A_219 : i1 to i32
    %sign3A_221 = arith.subi %sign3A_217, %sign3A_220 : i32
    %sign3A_222 = arith.constant 0 : i32
    %sign3A_223 = arith.cmpi sgt, %jit3A_213, %sign3A_222 : i32
    %sign3A_224 = arith.extui %sign3A_223 : i1 to i32
    %sign3A_225 = arith.constant 0 : i32
    %sign3A_226 = arith.cmpi slt, %jit3A_213, %sign3A_225 : i32
    %sign3A_227 = arith.extui %sign3A_226 : i1 to i32
    %sign3A_228 = arith.subi %sign3A_224, %sign3A_227 : i32
    %ne3A_229 = arith.cmpi ne, %sign3A_221, %sign3A_228 : i32
    %rem3A_230 = arith.remsi %add3A_212, %jit3A_213 : i32
    %ne3A_231 = arith.constant 0 : i32
    %ne3A_232 = arith.cmpi ne, %rem3A_230, %ne3A_231 : i32
    %and3A_233 = arith.andi %ne3A_229, %ne3A_232 : i1
    %sub3A_234 = arith.constant 1 : i32
    %sub3A_235 = arith.subi %div3A_214, %sub3A_234 : i32
    %select_n3A_236 = arith.select %and3A_233, %sub3A_235, %div3A_214 : i32
    %while3A = arith.constant 0 : i32
    %while3A_237 = arith.constant 0 : i32
    %while3A_238 = arith.subi %select_n3A_236, %while3A_237 : i32
    %while3A_239 = arith.addi %while3A_237, %while3A_238 : i32
    %while3A_240 = arith.constant 1 : i32
    %while3A_241 = arith.divsi %while3A_238, %while3A_240 : i32
    %while3A_242 = arith.muli %while3A_241, %while3A_240 : i32
    %while3A_243 = arith.addi %while3A_237, %while3A_242 : i32
    %while3A_244 = arith.constant 1 : i32
    scf.for %while3A_262 = %while3A_237 to %while3A_243 step %while3A_244  : i32 {
      %mul3A_263 = arith.constant 2 : i32
      %mul3A_264 = arith.muli %while3A_262, %mul3A_263 : i32
      %add3A_265 = arith.constant 1 : i32
      %add3A_266 = arith.addi %mul3A_264, %add3A_265 : i32
      %mul3A_267 = arith.constant 320 : i32
      %mul3A_268 = arith.muli %add3A_266, %mul3A_267 : i32
      %add3A_269 = arith.addi %mul3A_65, %mul3A_268 : i32
      %min3A_270 = arith.constant 319680 : i32
      %min3A_271 = arith.minsi %add3A_269, %min3A_270 : i32
      %mul3A_272 = arith.constant 128 : i32
      %mul3A_273 = arith.muli %min3A_271, %mul3A_272 : i32
      %dma_start3A_274 = tpu.memref_slice %arg2[%mul3A_273] : memref<40960000xf32, #tpu.memory_space<hbm>> -> memref<40960xf32, #tpu.memory_space<hbm>>
      %dma_start3A_275 = tpu.memref_slice %arg2[%mul3A_273] : memref<40960000xf32, #tpu.memory_space<hbm>> -> memref<40960xf32, #tpu.memory_space<hbm>>
      tpu.enqueue_dma source(%dma_start3A_275 : memref<40960xf32, #tpu.memory_space<hbm>>) target(%arg8 : memref<40960xf32, #tpu.memory_space<vmem>>) target_semaphore(%arg17 : memref<!tpu.dma_semaphore, #tpu.memory_space<semaphore_mem>>)
      %dma_start3A_276 = arith.constant 0 : i32
      %dma_start3A_277 = tpu.memref_slice %arg10[%dma_start3A_276] : memref<336xi32, #tpu.memory_space<vmem>> -> memref<320xi32, #tpu.memory_space<vmem>>
      %dma_start3A_278 = tpu.memref_slice %arg3[%min3A_271] : memref<320000xi32, #tpu.memory_space<hbm>> -> memref<320xi32, #tpu.memory_space<hbm>>
      %dma_start3A_279 = arith.constant 0 : i32
      %dma_start3A_280 = tpu.memref_slice %arg10[%dma_start3A_279] : memref<336xi32, #tpu.memory_space<vmem>> -> memref<320xi32, #tpu.memory_space<vmem>>
      %dma_start3A_281 = tpu.memref_slice %arg3[%min3A_271] : memref<320000xi32, #tpu.memory_space<hbm>> -> memref<320xi32, #tpu.memory_space<hbm>>
      tpu.enqueue_dma source(%dma_start3A_281 : memref<320xi32, #tpu.memory_space<hbm>>) target(%dma_start3A_280 : memref<320xi32, #tpu.memory_space<vmem>>) target_semaphore(%arg17 : memref<!tpu.dma_semaphore, #tpu.memory_space<semaphore_mem>>)
      %dma_wait3A_282 = arith.constant 0 : i32
      %dma_wait3A_283 = tpu.memref_slice %arg2[%dma_wait3A_282] : memref<40960000xf32, #tpu.memory_space<hbm>> -> memref<40960xf32, #tpu.memory_space<hbm>>
      %dma_wait3A_284 = arith.constant 0 : i32
      %dma_wait3A_285 = tpu.memref_slice %arg2[%dma_wait3A_284] : memref<40960000xf32, #tpu.memory_space<hbm>> -> memref<40960xf32, #tpu.memory_space<hbm>>
      tpu.wait_dma2 semaphore(%arg16 : memref<!tpu.dma_semaphore, #tpu.memory_space<semaphore_mem>>) src(%dma_wait3A_285 : memref<40960xf32, #tpu.memory_space<hbm>>) dst(%arg7 : memref<40960xf32, #tpu.memory_space<vmem>>)
      %dma_wait3A_286 = arith.constant 0 : i32
      %dma_wait3A_287 = tpu.memref_slice %arg9[%dma_wait3A_286] : memref<336xi32, #tpu.memory_space<vmem>> -> memref<320xi32, #tpu.memory_space<vmem>>
      %dma_wait3A_288 = arith.constant 0 : i32
      %dma_wait3A_289 = tpu.memref_slice %arg3[%dma_wait3A_288] : memref<320000xi32, #tpu.memory_space<hbm>> -> memref<320xi32, #tpu.memory_space<hbm>>
      %dma_wait3A_290 = arith.constant 0 : i32
      %dma_wait3A_291 = tpu.memref_slice %arg9[%dma_wait3A_290] : memref<336xi32, #tpu.memory_space<vmem>> -> memref<320xi32, #tpu.memory_space<vmem>>
      %dma_wait3A_292 = arith.constant 0 : i32
      %dma_wait3A_293 = tpu.memref_slice %arg3[%dma_wait3A_292] : memref<320000xi32, #tpu.memory_space<hbm>> -> memref<320xi32, #tpu.memory_space<hbm>>
      tpu.wait_dma2 semaphore(%arg16 : memref<!tpu.dma_semaphore, #tpu.memory_space<semaphore_mem>>) src(%dma_wait3A_293 : memref<320xi32, #tpu.memory_space<hbm>>) dst(%dma_wait3A_291 : memref<320xi32, #tpu.memory_space<vmem>>)
      %mul3A_294 = arith.constant 320 : i32
      %mul3A_295 = arith.muli %mul3A_264, %mul3A_294 : i32
      %add3A_296 = arith.addi %mul3A_65, %mul3A_295 : i32
      %min3A_297 = arith.constant 319680 : i32
      %min3A_298 = arith.minsi %add3A_296, %min3A_297 : i32
      %max3A = arith.maxsi %squeeze3A, %add3A_296 : i32
      %add3A_299 = arith.constant 320 : i32
      %add3A_300 = arith.addi %add3A_296, %add3A_299 : i32
      %min3A_301 = arith.minsi %add3A_300, %squeeze3A_6 : i32
      %max3A_302 = arith.maxsi %min3A_301, %max3A : i32
      %parallel_loop3A_303 = arith.constant 1 : i32
      scf.for %parallel_loop3A_346 = %max3A to %max3A_302 step %parallel_loop3A_303  : i32 {
        %parallel_loop3A_347 = arith.subi %parallel_loop3A_346, %min3A_298 : i32
        %parallel_loop3A_348 = arith.constant 128 : i32
        %parallel_loop3A_349 = arith.muli %parallel_loop3A_347, %parallel_loop3A_348 : i32
        %parallel_loop3A_350 = arith.constant 0 : i32
        %parallel_loop3A_351 = arith.addi %parallel_loop3A_349, %parallel_loop3A_350 : i32
        %parallel_loop3A_352 = arith.index_cast %parallel_loop3A_351 : i32 to index
        %parallel_loop3A_353 = tpu.vector_load %arg7[%parallel_loop3A_352] {strides = array<i32>} : memref<40960xf32, #tpu.memory_space<vmem>>, vector<16xf32>,
        %parallel_loop3A_354 = vector.shape_cast %parallel_loop3A_353 : vector<16xf32> to vector<16xf32>
        %parallel_loop3A_355 = arith.constant 16 : i32
        %parallel_loop3A_356 = arith.addi %parallel_loop3A_349, %parallel_loop3A_355 : i32
        %parallel_loop3A_357 = arith.index_cast %parallel_loop3A_356 : i32 to index
        %parallel_loop3A_358 = tpu.vector_load %arg7[%parallel_loop3A_357] {strides = array<i32>} : memref<40960xf32, #tpu.memory_space<vmem>>, vector<16xf32>,
        %parallel_loop3A_359 = vector.shape_cast %parallel_loop3A_358 : vector<16xf32> to vector<16xf32>
        %parallel_loop3A_360 = arith.constant 32 : i32
        %parallel_loop3A_361 = arith.addi %parallel_loop3A_349, %parallel_loop3A_360 : i32
        %parallel_loop3A_362 = arith.index_cast %parallel_loop3A_361 : i32 to index
        %parallel_loop3A_363 = tpu.vector_load %arg7[%parallel_loop3A_362] {strides = array<i32>} : memref<40960xf32, #tpu.memory_space<vmem>>, vector<16xf32>,
        %parallel_loop3A_364 = vector.shape_cast %parallel_loop3A_363 : vector<16xf32> to vector<16xf32>
        %parallel_loop3A_365 = arith.constant 48 : i32
        %parallel_loop3A_366 = arith.addi %parallel_loop3A_349, %parallel_loop3A_365 : i32
        %parallel_loop3A_367 = arith.index_cast %parallel_loop3A_366 : i32 to index
        %parallel_loop3A_368 = tpu.vector_load %arg7[%parallel_loop3A_367] {strides = array<i32>} : memref<40960xf32, #tpu.memory_space<vmem>>, vector<16xf32>,
        %parallel_loop3A_369 = vector.shape_cast %parallel_loop3A_368 : vector<16xf32> to vector<16xf32>
        %parallel_loop3A_370 = arith.constant 64 : i32
        %parallel_loop3A_371 = arith.addi %parallel_loop3A_349, %parallel_loop3A_370 : i32
        %parallel_loop3A_372 = arith.index_cast %parallel_loop3A_371 : i32 to index
        %parallel_loop3A_373 = tpu.vector_load %arg7[%parallel_loop3A_372] {strides = array<i32>} : memref<40960xf32, #tpu.memory_space<vmem>>, vector<16xf32>,
        %parallel_loop3A_374 = vector.shape_cast %parallel_loop3A_373 : vector<16xf32> to vector<16xf32>
        %parallel_loop3A_375 = arith.constant 80 : i32
        %parallel_loop3A_376 = arith.addi %parallel_loop3A_349, %parallel_loop3A_375 : i32
        %parallel_loop3A_377 = arith.index_cast %parallel_loop3A_376 : i32 to index
        %parallel_loop3A_378 = tpu.vector_load %arg7[%parallel_loop3A_377] {strides = array<i32>} : memref<40960xf32, #tpu.memory_space<vmem>>, vector<16xf32>,
        %parallel_loop3A_379 = vector.shape_cast %parallel_loop3A_378 : vector<16xf32> to vector<16xf32>
        %parallel_loop3A_380 = arith.constant 96 : i32
        %parallel_loop3A_381 = arith.addi %parallel_loop3A_349, %parallel_loop3A_380 : i32
        %parallel_loop3A_382 = arith.index_cast %parallel_loop3A_381 : i32 to index
        %parallel_loop3A_383 = tpu.vector_load %arg7[%parallel_loop3A_382] {strides = array<i32>} : memref<40960xf32, #tpu.memory_space<vmem>>, vector<16xf32>,
        %parallel_loop3A_384 = vector.shape_cast %parallel_loop3A_383 : vector<16xf32> to vector<16xf32>
        %parallel_loop3A_385 = arith.constant 112 : i32
        %parallel_loop3A_386 = arith.addi %parallel_loop3A_349, %parallel_loop3A_385 : i32
        %parallel_loop3A_387 = arith.index_cast %parallel_loop3A_386 : i32 to index
        %parallel_loop3A_388 = tpu.vector_load %arg7[%parallel_loop3A_387] {strides = array<i32>} : memref<40960xf32, #tpu.memory_space<vmem>>, vector<16xf32>,
        %parallel_loop3A_389 = vector.shape_cast %parallel_loop3A_388 : vector<16xf32> to vector<16xf32>
        %parallel_loop3A_390 = arith.mulf %parallel_loop3A_354, %get3A_15 : vector<16xf32>
        %parallel_loop3A_391 = arith.mulf %parallel_loop3A_359, %get3A_18 : vector<16xf32>
        %parallel_loop3A_392 = arith.mulf %parallel_loop3A_364, %get3A_21 : vector<16xf32>
        %parallel_loop3A_393 = arith.mulf %parallel_loop3A_369, %get3A_24 : vector<16xf32>
        %parallel_loop3A_394 = arith.mulf %parallel_loop3A_374, %get3A_27 : vector<16xf32>
        %parallel_loop3A_395 = arith.mulf %parallel_loop3A_379, %get3A_30 : vector<16xf32>
        %parallel_loop3A_396 = arith.mulf %parallel_loop3A_384, %get3A_33 : vector<16xf32>
        %parallel_loop3A_397 = arith.mulf %parallel_loop3A_389, %get3A_36 : vector<16xf32>
        %parallel_loop3A_398 = arith.addf %parallel_loop3A_390, %parallel_loop3A_391 : vector<16xf32>
        %parallel_loop3A_399 = arith.addf %parallel_loop3A_392, %parallel_loop3A_393 : vector<16xf32>
        %parallel_loop3A_400 = arith.addf %parallel_loop3A_394, %parallel_loop3A_395 : vector<16xf32>
        %parallel_loop3A_401 = arith.addf %parallel_loop3A_396, %parallel_loop3A_397 : vector<16xf32>
        %parallel_loop3A_402 = arith.addf %parallel_loop3A_398, %parallel_loop3A_399 : vector<16xf32>
        %parallel_loop3A_403 = arith.addf %parallel_loop3A_400, %parallel_loop3A_401 : vector<16xf32>
        %parallel_loop3A_404 = arith.addf %parallel_loop3A_402, %parallel_loop3A_403 : vector<16xf32>
        %parallel_loop3A_405 = arith.constant 0 : i32
        %parallel_loop3A_406 = vector.broadcast %parallel_loop3A_405 : i32 to vector<16xi32>
        %parallel_loop3A_407 = arith.cmpi slt, %xor3A_38, %parallel_loop3A_406 : vector<16xi32>
        %parallel_loop3A_408 = arith.constant 16 : i32
        %parallel_loop3A_409 = vector.broadcast %parallel_loop3A_408 : i32 to vector<16xi32>
        %parallel_loop3A_410 = arith.addi %xor3A_38, %parallel_loop3A_409 : vector<16xi32>
        %parallel_loop3A_411 = arith.select %parallel_loop3A_407, %parallel_loop3A_410, %xor3A_38 : vector<16xi1>, vector<16xi32>
        %parallel_loop3A_412 = vector.shape_cast %parallel_loop3A_411 : vector<16xi32> to vector<16x1xi32>
        %parallel_loop3A_413 = vector.shape_cast %parallel_loop3A_412 : vector<16x1xi32> to vector<16xi32>
        %parallel_loop3A_414 = tpu.dynamic_gather %parallel_loop3A_404[%parallel_loop3A_413] in [0] : vector<16xf32>, vector<16xi32> -> vector<16xf32>
        %parallel_loop3A_415 = arith.addf %parallel_loop3A_404, %parallel_loop3A_414 : vector<16xf32>
        %parallel_loop3A_416 = arith.constant 0 : i32
        %parallel_loop3A_417 = vector.broadcast %parallel_loop3A_416 : i32 to vector<16xi32>
        %parallel_loop3A_418 = arith.cmpi slt, %xor3A_41, %parallel_loop3A_417 : vector<16xi32>
        %parallel_loop3A_419 = arith.constant 16 : i32
        %parallel_loop3A_420 = vector.broadcast %parallel_loop3A_419 : i32 to vector<16xi32>
        %parallel_loop3A_421 = arith.addi %xor3A_41, %parallel_loop3A_420 : vector<16xi32>
        %parallel_loop3A_422 = arith.select %parallel_loop3A_418, %parallel_loop3A_421, %xor3A_41 : vector<16xi1>, vector<16xi32>
        %parallel_loop3A_423 = vector.shape_cast %parallel_loop3A_422 : vector<16xi32> to vector<16x1xi32>
        %parallel_loop3A_424 = vector.shape_cast %parallel_loop3A_423 : vector<16x1xi32> to vector<16xi32>
        %parallel_loop3A_425 = tpu.dynamic_gather %parallel_loop3A_415[%parallel_loop3A_424] in [0] : vector<16xf32>, vector<16xi32> -> vector<16xf32>
        %parallel_loop3A_426 = arith.addf %parallel_loop3A_415, %parallel_loop3A_425 : vector<16xf32>
        %parallel_loop3A_427 = arith.constant 0 : i32
        %parallel_loop3A_428 = vector.broadcast %parallel_loop3A_427 : i32 to vector<16xi32>
        %parallel_loop3A_429 = arith.cmpi slt, %xor3A_44, %parallel_loop3A_428 : vector<16xi32>
        %parallel_loop3A_430 = arith.constant 16 : i32
        %parallel_loop3A_431 = vector.broadcast %parallel_loop3A_430 : i32 to vector<16xi32>
        %parallel_loop3A_432 = arith.addi %xor3A_44, %parallel_loop3A_431 : vector<16xi32>
        %parallel_loop3A_433 = arith.select %parallel_loop3A_429, %parallel_loop3A_432, %xor3A_44 : vector<16xi1>, vector<16xi32>
        %parallel_loop3A_434 = vector.shape_cast %parallel_loop3A_433 : vector<16xi32> to vector<16x1xi32>
        %parallel_loop3A_435 = vector.shape_cast %parallel_loop3A_434 : vector<16x1xi32> to vector<16xi32>
        %parallel_loop3A_436 = tpu.dynamic_gather %parallel_loop3A_426[%parallel_loop3A_435] in [0] : vector<16xf32>, vector<16xi32> -> vector<16xf32>
        %parallel_loop3A_437 = arith.addf %parallel_loop3A_426, %parallel_loop3A_436 : vector<16xf32>
        %parallel_loop3A_438 = arith.constant 0 : i32
        %parallel_loop3A_439 = vector.broadcast %parallel_loop3A_438 : i32 to vector<16xi32>
        %parallel_loop3A_440 = arith.cmpi slt, %xor3A_47, %parallel_loop3A_439 : vector<16xi32>
        %parallel_loop3A_441 = arith.constant 16 : i32
        %parallel_loop3A_442 = vector.broadcast %parallel_loop3A_441 : i32 to vector<16xi32>
        %parallel_loop3A_443 = arith.addi %xor3A_47, %parallel_loop3A_442 : vector<16xi32>
        %parallel_loop3A_444 = arith.select %parallel_loop3A_440, %parallel_loop3A_443, %xor3A_47 : vector<16xi1>, vector<16xi32>
        %parallel_loop3A_445 = vector.shape_cast %parallel_loop3A_444 : vector<16xi32> to vector<16x1xi32>
        %parallel_loop3A_446 = vector.shape_cast %parallel_loop3A_445 : vector<16x1xi32> to vector<16xi32>
        %parallel_loop3A_447 = tpu.dynamic_gather %parallel_loop3A_437[%parallel_loop3A_446] in [0] : vector<16xf32>, vector<16xi32> -> vector<16xf32>
        %parallel_loop3A_448 = arith.addf %parallel_loop3A_437, %parallel_loop3A_447 : vector<16xf32>
        %parallel_loop3A_449 = arith.subf %parallel_loop3A_448, %add3A_197 : vector<16xf32>
        %parallel_loop3A_450 = math.exp %parallel_loop3A_449 : vector<16xf32>
        %parallel_loop3A_451 = arith.index_cast %parallel_loop3A_347 : i32 to index
        %parallel_loop3A_452 = tpu.vector_load %arg9[%parallel_loop3A_451] {strides = array<i32>} : memref<336xi32, #tpu.memory_space<vmem>>, vector<16xi32>,
        %parallel_loop3A_453 = vector.shape_cast %parallel_loop3A_452 : vector<16xi32> to vector<16xi32>
        %parallel_loop3A_454 = vector.extract_strided_slice %parallel_loop3A_453 {offsets = [0], sizes = [1], strides = [1]} : vector<16xi32> to vector<1xi32>
        %parallel_loop3A_455 = vector.extract %parallel_loop3A_454[0] : i32 from vector<1xi32>
        %parallel_loop3A_456 = arith.subi %parallel_loop3A_455, %mul3A_2 : i32
        %parallel_loop3A_457 = arith.constant 16 : i32
        %parallel_loop3A_458 = arith.muli %parallel_loop3A_456, %parallel_loop3A_457 : i32
        %parallel_loop3A_459 = arith.index_cast %parallel_loop3A_458 : i32 to index
        %parallel_loop3A_460 = tpu.vector_load %arg14[%parallel_loop3A_459] {strides = array<i32>} : memref<5120xf32, #tpu.memory_space<vmem>>, vector<16xf32>,
        %parallel_loop3A_461 = vector.shape_cast %parallel_loop3A_460 : vector<16xf32> to vector<16xf32>
        %parallel_loop3A_462 = vector.shape_cast %parallel_loop3A_450 : vector<16xf32> to vector<16xf32>
        tpu.vector_store %arg14[%parallel_loop3A_459], %parallel_loop3A_462 {add = true, strides = array<i32>} : memref<5120xf32, #tpu.memory_space<vmem>>, vector<16xf32>,
        %parallel_loop3A_463 = arith.constant 128 : i32
        %parallel_loop3A_464 = arith.muli %parallel_loop3A_456, %parallel_loop3A_463 : i32
        %parallel_loop3A_465 = arith.constant 0 : i32
        %parallel_loop3A_466 = arith.addi %parallel_loop3A_464, %parallel_loop3A_465 : i32
        %parallel_loop3A_467 = arith.mulf %parallel_loop3A_450, %parallel_loop3A_354 : vector<16xf32>
        %parallel_loop3A_468 = arith.index_cast %parallel_loop3A_466 : i32 to index
        %parallel_loop3A_469 = tpu.vector_load %arg13[%parallel_loop3A_468] {strides = array<i32>} : memref<40960xf32, #tpu.memory_space<vmem>>, vector<16xf32>,
        %parallel_loop3A_470 = vector.shape_cast %parallel_loop3A_469 : vector<16xf32> to vector<16xf32>
        %parallel_loop3A_471 = vector.shape_cast %parallel_loop3A_467 : vector<16xf32> to vector<16xf32>
        tpu.vector_store %arg13[%parallel_loop3A_468], %parallel_loop3A_471 {add = true, strides = array<i32>} : memref<40960xf32, #tpu.memory_space<vmem>>, vector<16xf32>,
        %parallel_loop3A_472 = arith.constant 16 : i32
        %parallel_loop3A_473 = arith.addi %parallel_loop3A_464, %parallel_loop3A_472 : i32
        %parallel_loop3A_474 = arith.mulf %parallel_loop3A_450, %parallel_loop3A_359 : vector<16xf32>
        %parallel_loop3A_475 = arith.index_cast %parallel_loop3A_473 : i32 to index
        %parallel_loop3A_476 = tpu.vector_load %arg13[%parallel_loop3A_475] {strides = array<i32>} : memref<40960xf32, #tpu.memory_space<vmem>>, vector<16xf32>,
        %parallel_loop3A_477 = vector.shape_cast %parallel_loop3A_476 : vector<16xf32> to vector<16xf32>
        %parallel_loop3A_478 = vector.shape_cast %parallel_loop3A_474 : vector<16xf32> to vector<16xf32>
        tpu.vector_store %arg13[%parallel_loop3A_475], %parallel_loop3A_478 {add = true, strides = array<i32>} : memref<40960xf32, #tpu.memory_space<vmem>>, vector<16xf32>,
        %parallel_loop3A_479 = arith.constant 32 : i32
        %parallel_loop3A_480 = arith.addi %parallel_loop3A_464, %parallel_loop3A_479 : i32
        %parallel_loop3A_481 = arith.mulf %parallel_loop3A_450, %parallel_loop3A_364 : vector<16xf32>
        %parallel_loop3A_482 = arith.index_cast %parallel_loop3A_480 : i32 to index
        %parallel_loop3A_483 = tpu.vector_load %arg13[%parallel_loop3A_482] {strides = array<i32>} : memref<40960xf32, #tpu.memory_space<vmem>>, vector<16xf32>,
        %parallel_loop3A_484 = vector.shape_cast %parallel_loop3A_483 : vector<16xf32> to vector<16xf32>
        %parallel_loop3A_485 = vector.shape_cast %parallel_loop3A_481 : vector<16xf32> to vector<16xf32>
        tpu.vector_store %arg13[%parallel_loop3A_482], %parallel_loop3A_485 {add = true, strides = array<i32>} : memref<40960xf32, #tpu.memory_space<vmem>>, vector<16xf32>,
        %parallel_loop3A_486 = arith.constant 48 : i32
        %parallel_loop3A_487 = arith.addi %parallel_loop3A_464, %parallel_loop3A_486 : i32
        %parallel_loop3A_488 = arith.mulf %parallel_loop3A_450, %parallel_loop3A_369 : vector<16xf32>
        %parallel_loop3A_489 = arith.index_cast %parallel_loop3A_487 : i32 to index
        %parallel_loop3A_490 = tpu.vector_load %arg13[%parallel_loop3A_489] {strides = array<i32>} : memref<40960xf32, #tpu.memory_space<vmem>>, vector<16xf32>,
        %parallel_loop3A_491 = vector.shape_cast %parallel_loop3A_490 : vector<16xf32> to vector<16xf32>
        %parallel_loop3A_492 = vector.shape_cast %parallel_loop3A_488 : vector<16xf32> to vector<16xf32>
        tpu.vector_store %arg13[%parallel_loop3A_489], %parallel_loop3A_492 {add = true, strides = array<i32>} : memref<40960xf32, #tpu.memory_space<vmem>>, vector<16xf32>,
        %parallel_loop3A_493 = arith.constant 64 : i32
        %parallel_loop3A_494 = arith.addi %parallel_loop3A_464, %parallel_loop3A_493 : i32
        %parallel_loop3A_495 = arith.mulf %parallel_loop3A_450, %parallel_loop3A_374 : vector<16xf32>
        %parallel_loop3A_496 = arith.index_cast %parallel_loop3A_494 : i32 to index
        %parallel_loop3A_497 = tpu.vector_load %arg13[%parallel_loop3A_496] {strides = array<i32>} : memref<40960xf32, #tpu.memory_space<vmem>>, vector<16xf32>,
        %parallel_loop3A_498 = vector.shape_cast %parallel_loop3A_497 : vector<16xf32> to vector<16xf32>
        %parallel_loop3A_499 = vector.shape_cast %parallel_loop3A_495 : vector<16xf32> to vector<16xf32>
        tpu.vector_store %arg13[%parallel_loop3A_496], %parallel_loop3A_499 {add = true, strides = array<i32>} : memref<40960xf32, #tpu.memory_space<vmem>>, vector<16xf32>,
        %parallel_loop3A_500 = arith.constant 80 : i32
        %parallel_loop3A_501 = arith.addi %parallel_loop3A_464, %parallel_loop3A_500 : i32
        %parallel_loop3A_502 = arith.mulf %parallel_loop3A_450, %parallel_loop3A_379 : vector<16xf32>
        %parallel_loop3A_503 = arith.index_cast %parallel_loop3A_501 : i32 to index
        %parallel_loop3A_504 = tpu.vector_load %arg13[%parallel_loop3A_503] {strides = array<i32>} : memref<40960xf32, #tpu.memory_space<vmem>>, vector<16xf32>,
        %parallel_loop3A_505 = vector.shape_cast %parallel_loop3A_504 : vector<16xf32> to vector<16xf32>
        %parallel_loop3A_506 = vector.shape_cast %parallel_loop3A_502 : vector<16xf32> to vector<16xf32>
        tpu.vector_store %arg13[%parallel_loop3A_503], %parallel_loop3A_506 {add = true, strides = array<i32>} : memref<40960xf32, #tpu.memory_space<vmem>>, vector<16xf32>,
        %parallel_loop3A_507 = arith.constant 96 : i32
        %parallel_loop3A_508 = arith.addi %parallel_loop3A_464, %parallel_loop3A_507 : i32
        %parallel_loop3A_509 = arith.mulf %parallel_loop3A_450, %parallel_loop3A_384 : vector<16xf32>
        %parallel_loop3A_510 = arith.index_cast %parallel_loop3A_508 : i32 to index
        %parallel_loop3A_511 = tpu.vector_load %arg13[%parallel_loop3A_510] {strides = array<i32>} : memref<40960xf32, #tpu.memory_space<vmem>>, vector<16xf32>,
        %parallel_loop3A_512 = vector.shape_cast %parallel_loop3A_511 : vector<16xf32> to vector<16xf32>
        %parallel_loop3A_513 = vector.shape_cast %parallel_loop3A_509 : vector<16xf32> to vector<16xf32>
        tpu.vector_store %arg13[%parallel_loop3A_510], %parallel_loop3A_513 {add = true, strides = array<i32>} : memref<40960xf32, #tpu.memory_space<vmem>>, vector<16xf32>,
        %parallel_loop3A_514 = arith.constant 112 : i32
        %parallel_loop3A_515 = arith.addi %parallel_loop3A_464, %parallel_loop3A_514 : i32
        %parallel_loop3A_516 = arith.mulf %parallel_loop3A_450, %parallel_loop3A_389 : vector<16xf32>
        %parallel_loop3A_517 = arith.index_cast %parallel_loop3A_515 : i32 to index
        %parallel_loop3A_518 = tpu.vector_load %arg13[%parallel_loop3A_517] {strides = array<i32>} : memref<40960xf32, #tpu.memory_space<vmem>>, vector<16xf32>,
        %parallel_loop3A_519 = vector.shape_cast %parallel_loop3A_518 : vector<16xf32> to vector<16xf32>
        %parallel_loop3A_520 = vector.shape_cast %parallel_loop3A_516 : vector<16xf32> to vector<16xf32>
        tpu.vector_store %arg13[%parallel_loop3A_517], %parallel_loop3A_520 {add = true, strides = array<i32>} : memref<40960xf32, #tpu.memory_space<vmem>>, vector<16xf32>,
      } {sc.loop_unroll_factor = 16 : i64, sc.parallel_access}
      %add3A_304 = arith.constant 2 : i32
      %add3A_305 = arith.addi %mul3A_264, %add3A_304 : i32
      %mul3A_306 = arith.constant 320 : i32
      %mul3A_307 = arith.muli %add3A_305, %mul3A_306 : i32
      %add3A_308 = arith.addi %mul3A_65, %mul3A_307 : i32
      %min3A_309 = arith.constant 319680 : i32
      %min3A_310 = arith.minsi %add3A_308, %min3A_309 : i32
      %mul3A_311 = arith.constant 128 : i32
      %mul3A_312 = arith.muli %min3A_310, %mul3A_311 : i32
      %dma_start3A_313 = tpu.memref_slice %arg2[%mul3A_312] : memref<40960000xf32, #tpu.memory_space<hbm>> -> memref<40960xf32, #tpu.memory_space<hbm>>
      %dma_start3A_314 = tpu.memref_slice %arg2[%mul3A_312] : memref<40960000xf32, #tpu.memory_space<hbm>> -> memref<40960xf32, #tpu.memory_space<hbm>>
      tpu.enqueue_dma source(%dma_start3A_314 : memref<40960xf32, #tpu.memory_space<hbm>>) target(%arg7 : memref<40960xf32, #tpu.memory_space<vmem>>) target_semaphore(%arg16 : memref<!tpu.dma_semaphore, #tpu.memory_space<semaphore_mem>>)
      %dma_start3A_315 = arith.constant 0 : i32
      %dma_start3A_316 = tpu.memref_slice %arg9[%dma_start3A_315] : memref<336xi32, #tpu.memory_space<vmem>> -> memref<320xi32, #tpu.memory_space<vmem>>
      %dma_start3A_317 = tpu.memref_slice %arg3[%min3A_310] : memref<320000xi32, #tpu.memory_space<hbm>> -> memref<320xi32, #tpu.memory_space<hbm>>
      %dma_start3A_318 = arith.constant 0 : i32
      %dma_start3A_319 = tpu.memref_slice %arg9[%dma_start3A_318] : memref<336xi32, #tpu.memory_space<vmem>> -> memref<320xi32, #tpu.memory_space<vmem>>
      %dma_start3A_320 = tpu.memref_slice %arg3[%min3A_310] : memref<320000xi32, #tpu.memory_space<hbm>> -> memref<320xi32, #tpu.memory_space<hbm>>
      tpu.enqueue_dma source(%dma_start3A_320 : memref<320xi32, #tpu.memory_space<hbm>>) target(%dma_start3A_319 : memref<320xi32, #tpu.memory_space<vmem>>) target_semaphore(%arg16 : memref<!tpu.dma_semaphore, #tpu.memory_space<semaphore_mem>>)
      %dma_wait3A_321 = arith.constant 0 : i32
      %dma_wait3A_322 = tpu.memref_slice %arg2[%dma_wait3A_321] : memref<40960000xf32, #tpu.memory_space<hbm>> -> memref<40960xf32, #tpu.memory_space<hbm>>
      %dma_wait3A_323 = arith.constant 0 : i32
      %dma_wait3A_324 = tpu.memref_slice %arg2[%dma_wait3A_323] : memref<40960000xf32, #tpu.memory_space<hbm>> -> memref<40960xf32, #tpu.memory_space<hbm>>
      tpu.wait_dma2 semaphore(%arg17 : memref<!tpu.dma_semaphore, #tpu.memory_space<semaphore_mem>>) src(%dma_wait3A_324 : memref<40960xf32, #tpu.memory_space<hbm>>) dst(%arg8 : memref<40960xf32, #tpu.memory_space<vmem>>)
      %dma_wait3A_325 = arith.constant 0 : i32
      %dma_wait3A_326 = tpu.memref_slice %arg10[%dma_wait3A_325] : memref<336xi32, #tpu.memory_space<vmem>> -> memref<320xi32, #tpu.memory_space<vmem>>
      %dma_wait3A_327 = arith.constant 0 : i32
      %dma_wait3A_328 = tpu.memref_slice %arg3[%dma_wait3A_327] : memref<320000xi32, #tpu.memory_space<hbm>> -> memref<320xi32, #tpu.memory_space<hbm>>
      %dma_wait3A_329 = arith.constant 0 : i32
      %dma_wait3A_330 = tpu.memref_slice %arg10[%dma_wait3A_329] : memref<336xi32, #tpu.memory_space<vmem>> -> memref<320xi32, #tpu.memory_space<vmem>>
      %dma_wait3A_331 = arith.constant 0 : i32
      %dma_wait3A_332 = tpu.memref_slice %arg3[%dma_wait3A_331] : memref<320000xi32, #tpu.memory_space<hbm>> -> memref<320xi32, #tpu.memory_space<hbm>>
      tpu.wait_dma2 semaphore(%arg17 : memref<!tpu.dma_semaphore, #tpu.memory_space<semaphore_mem>>) src(%dma_wait3A_332 : memref<320xi32, #tpu.memory_space<hbm>>) dst(%dma_wait3A_330 : memref<320xi32, #tpu.memory_space<vmem>>)
      %add3A_333 = arith.constant 1 : i32
      %add3A_334 = arith.addi %mul3A_264, %add3A_333 : i32
      %mul3A_335 = arith.constant 320 : i32
      %mul3A_336 = arith.muli %add3A_334, %mul3A_335 : i32
      %add3A_337 = arith.addi %mul3A_65, %mul3A_336 : i32
      %min3A_338 = arith.constant 319680 : i32
      %min3A_339 = arith.minsi %add3A_337, %min3A_338 : i32
      %max3A_340 = arith.maxsi %squeeze3A, %add3A_337 : i32
      %add3A_341 = arith.constant 320 : i32
      %add3A_342 = arith.addi %add3A_337, %add3A_341 : i32
      %min3A_343 = arith.minsi %add3A_342, %squeeze3A_6 : i32
      %max3A_344 = arith.maxsi %min3A_343, %max3A_340 : i32
      %parallel_loop3A_345 = arith.constant 1 : i32
      scf.for %parallel_loop3A_346 = %max3A_340 to %max3A_344 step %parallel_loop3A_345  : i32 {
        %parallel_loop3A_347 = arith.subi %parallel_loop3A_346, %min3A_339 : i32
        %parallel_loop3A_348 = arith.constant 128 : i32
        %parallel_loop3A_349 = arith.muli %parallel_loop3A_347, %parallel_loop3A_348 : i32
        %parallel_loop3A_350 = arith.constant 0 : i32
        %parallel_loop3A_351 = arith.addi %parallel_loop3A_349, %parallel_loop3A_350 : i32
        %parallel_loop3A_352 = arith.index_cast %parallel_loop3A_351 : i32 to index
        %parallel_loop3A_353 = tpu.vector_load %arg8[%parallel_loop3A_352] {strides = array<i32>} : memref<40960xf32, #tpu.memory_space<vmem>>, vector<16xf32>,
        %parallel_loop3A_354 = vector.shape_cast %parallel_loop3A_353 : vector<16xf32> to vector<16xf32>
        %parallel_loop3A_355 = arith.constant 16 : i32
        %parallel_loop3A_356 = arith.addi %parallel_loop3A_349, %parallel_loop3A_355 : i32
        %parallel_loop3A_357 = arith.index_cast %parallel_loop3A_356 : i32 to index
        %parallel_loop3A_358 = tpu.vector_load %arg8[%parallel_loop3A_357] {strides = array<i32>} : memref<40960xf32, #tpu.memory_space<vmem>>, vector<16xf32>,
        %parallel_loop3A_359 = vector.shape_cast %parallel_loop3A_358 : vector<16xf32> to vector<16xf32>
        %parallel_loop3A_360 = arith.constant 32 : i32
        %parallel_loop3A_361 = arith.addi %parallel_loop3A_349, %parallel_loop3A_360 : i32
        %parallel_loop3A_362 = arith.index_cast %parallel_loop3A_361 : i32 to index
        %parallel_loop3A_363 = tpu.vector_load %arg8[%parallel_loop3A_362] {strides = array<i32>} : memref<40960xf32, #tpu.memory_space<vmem>>, vector<16xf32>,
        %parallel_loop3A_364 = vector.shape_cast %parallel_loop3A_363 : vector<16xf32> to vector<16xf32>
        %parallel_loop3A_365 = arith.constant 48 : i32
        %parallel_loop3A_366 = arith.addi %parallel_loop3A_349, %parallel_loop3A_365 : i32
        %parallel_loop3A_367 = arith.index_cast %parallel_loop3A_366 : i32 to index
        %parallel_loop3A_368 = tpu.vector_load %arg8[%parallel_loop3A_367] {strides = array<i32>} : memref<40960xf32, #tpu.memory_space<vmem>>, vector<16xf32>,
        %parallel_loop3A_369 = vector.shape_cast %parallel_loop3A_368 : vector<16xf32> to vector<16xf32>
        %parallel_loop3A_370 = arith.constant 64 : i32
        %parallel_loop3A_371 = arith.addi %parallel_loop3A_349, %parallel_loop3A_370 : i32
        %parallel_loop3A_372 = arith.index_cast %parallel_loop3A_371 : i32 to index
        %parallel_loop3A_373 = tpu.vector_load %arg8[%parallel_loop3A_372] {strides = array<i32>} : memref<40960xf32, #tpu.memory_space<vmem>>, vector<16xf32>,
        %parallel_loop3A_374 = vector.shape_cast %parallel_loop3A_373 : vector<16xf32> to vector<16xf32>
        %parallel_loop3A_375 = arith.constant 80 : i32
        %parallel_loop3A_376 = arith.addi %parallel_loop3A_349, %parallel_loop3A_375 : i32
        %parallel_loop3A_377 = arith.index_cast %parallel_loop3A_376 : i32 to index
        %parallel_loop3A_378 = tpu.vector_load %arg8[%parallel_loop3A_377] {strides = array<i32>} : memref<40960xf32, #tpu.memory_space<vmem>>, vector<16xf32>,
        %parallel_loop3A_379 = vector.shape_cast %parallel_loop3A_378 : vector<16xf32> to vector<16xf32>
        %parallel_loop3A_380 = arith.constant 96 : i32
        %parallel_loop3A_381 = arith.addi %parallel_loop3A_349, %parallel_loop3A_380 : i32
        %parallel_loop3A_382 = arith.index_cast %parallel_loop3A_381 : i32 to index
        %parallel_loop3A_383 = tpu.vector_load %arg8[%parallel_loop3A_382] {strides = array<i32>} : memref<40960xf32, #tpu.memory_space<vmem>>, vector<16xf32>,
        %parallel_loop3A_384 = vector.shape_cast %parallel_loop3A_383 : vector<16xf32> to vector<16xf32>
        %parallel_loop3A_385 = arith.constant 112 : i32
        %parallel_loop3A_386 = arith.addi %parallel_loop3A_349, %parallel_loop3A_385 : i32
        %parallel_loop3A_387 = arith.index_cast %parallel_loop3A_386 : i32 to index
        %parallel_loop3A_388 = tpu.vector_load %arg8[%parallel_loop3A_387] {strides = array<i32>} : memref<40960xf32, #tpu.memory_space<vmem>>, vector<16xf32>,
        %parallel_loop3A_389 = vector.shape_cast %parallel_loop3A_388 : vector<16xf32> to vector<16xf32>
        %parallel_loop3A_390 = arith.mulf %parallel_loop3A_354, %get3A_15 : vector<16xf32>
        %parallel_loop3A_391 = arith.mulf %parallel_loop3A_359, %get3A_18 : vector<16xf32>
        %parallel_loop3A_392 = arith.mulf %parallel_loop3A_364, %get3A_21 : vector<16xf32>
        %parallel_loop3A_393 = arith.mulf %parallel_loop3A_369, %get3A_24 : vector<16xf32>
        %parallel_loop3A_394 = arith.mulf %parallel_loop3A_374, %get3A_27 : vector<16xf32>
        %parallel_loop3A_395 = arith.mulf %parallel_loop3A_379, %get3A_30 : vector<16xf32>
        %parallel_loop3A_396 = arith.mulf %parallel_loop3A_384, %get3A_33 : vector<16xf32>
        %parallel_loop3A_397 = arith.mulf %parallel_loop3A_389, %get3A_36 : vector<16xf32>
        %parallel_loop3A_398 = arith.addf %parallel_loop3A_390, %parallel_loop3A_391 : vector<16xf32>
        %parallel_loop3A_399 = arith.addf %parallel_loop3A_392, %parallel_loop3A_393 : vector<16xf32>
        %parallel_loop3A_400 = arith.addf %parallel_loop3A_394, %parallel_loop3A_395 : vector<16xf32>
        %parallel_loop3A_401 = arith.addf %parallel_loop3A_396, %parallel_loop3A_397 : vector<16xf32>
        %parallel_loop3A_402 = arith.addf %parallel_loop3A_398, %parallel_loop3A_399 : vector<16xf32>
        %parallel_loop3A_403 = arith.addf %parallel_loop3A_400, %parallel_loop3A_401 : vector<16xf32>
        %parallel_loop3A_404 = arith.addf %parallel_loop3A_402, %parallel_loop3A_403 : vector<16xf32>
        %parallel_loop3A_405 = arith.constant 0 : i32
        %parallel_loop3A_406 = vector.broadcast %parallel_loop3A_405 : i32 to vector<16xi32>
        %parallel_loop3A_407 = arith.cmpi slt, %xor3A_38, %parallel_loop3A_406 : vector<16xi32>
        %parallel_loop3A_408 = arith.constant 16 : i32
        %parallel_loop3A_409 = vector.broadcast %parallel_loop3A_408 : i32 to vector<16xi32>
        %parallel_loop3A_410 = arith.addi %xor3A_38, %parallel_loop3A_409 : vector<16xi32>
        %parallel_loop3A_411 = arith.select %parallel_loop3A_407, %parallel_loop3A_410, %xor3A_38 : vector<16xi1>, vector<16xi32>
        %parallel_loop3A_412 = vector.shape_cast %parallel_loop3A_411 : vector<16xi32> to vector<16x1xi32>
        %parallel_loop3A_413 = vector.shape_cast %parallel_loop3A_412 : vector<16x1xi32> to vector<16xi32>
        %parallel_loop3A_414 = tpu.dynamic_gather %parallel_loop3A_404[%parallel_loop3A_413] in [0] : vector<16xf32>, vector<16xi32> -> vector<16xf32>
        %parallel_loop3A_415 = arith.addf %parallel_loop3A_404, %parallel_loop3A_414 : vector<16xf32>
        %parallel_loop3A_416 = arith.constant 0 : i32
        %parallel_loop3A_417 = vector.broadcast %parallel_loop3A_416 : i32 to vector<16xi32>
        %parallel_loop3A_418 = arith.cmpi slt, %xor3A_41, %parallel_loop3A_417 : vector<16xi32>
        %parallel_loop3A_419 = arith.constant 16 : i32
        %parallel_loop3A_420 = vector.broadcast %parallel_loop3A_419 : i32 to vector<16xi32>
        %parallel_loop3A_421 = arith.addi %xor3A_41, %parallel_loop3A_420 : vector<16xi32>
        %parallel_loop3A_422 = arith.select %parallel_loop3A_418, %parallel_loop3A_421, %xor3A_41 : vector<16xi1>, vector<16xi32>
        %parallel_loop3A_423 = vector.shape_cast %parallel_loop3A_422 : vector<16xi32> to vector<16x1xi32>
        %parallel_loop3A_424 = vector.shape_cast %parallel_loop3A_423 : vector<16x1xi32> to vector<16xi32>
        %parallel_loop3A_425 = tpu.dynamic_gather %parallel_loop3A_415[%parallel_loop3A_424] in [0] : vector<16xf32>, vector<16xi32> -> vector<16xf32>
        %parallel_loop3A_426 = arith.addf %parallel_loop3A_415, %parallel_loop3A_425 : vector<16xf32>
        %parallel_loop3A_427 = arith.constant 0 : i32
        %parallel_loop3A_428 = vector.broadcast %parallel_loop3A_427 : i32 to vector<16xi32>
        %parallel_loop3A_429 = arith.cmpi slt, %xor3A_44, %parallel_loop3A_428 : vector<16xi32>
        %parallel_loop3A_430 = arith.constant 16 : i32
        %parallel_loop3A_431 = vector.broadcast %parallel_loop3A_430 : i32 to vector<16xi32>
        %parallel_loop3A_432 = arith.addi %xor3A_44, %parallel_loop3A_431 : vector<16xi32>
        %parallel_loop3A_433 = arith.select %parallel_loop3A_429, %parallel_loop3A_432, %xor3A_44 : vector<16xi1>, vector<16xi32>
        %parallel_loop3A_434 = vector.shape_cast %parallel_loop3A_433 : vector<16xi32> to vector<16x1xi32>
        %parallel_loop3A_435 = vector.shape_cast %parallel_loop3A_434 : vector<16x1xi32> to vector<16xi32>
        %parallel_loop3A_436 = tpu.dynamic_gather %parallel_loop3A_426[%parallel_loop3A_435] in [0] : vector<16xf32>, vector<16xi32> -> vector<16xf32>
        %parallel_loop3A_437 = arith.addf %parallel_loop3A_426, %parallel_loop3A_436 : vector<16xf32>
        %parallel_loop3A_438 = arith.constant 0 : i32
        %parallel_loop3A_439 = vector.broadcast %parallel_loop3A_438 : i32 to vector<16xi32>
        %parallel_loop3A_440 = arith.cmpi slt, %xor3A_47, %parallel_loop3A_439 : vector<16xi32>
        %parallel_loop3A_441 = arith.constant 16 : i32
        %parallel_loop3A_442 = vector.broadcast %parallel_loop3A_441 : i32 to vector<16xi32>
        %parallel_loop3A_443 = arith.addi %xor3A_47, %parallel_loop3A_442 : vector<16xi32>
        %parallel_loop3A_444 = arith.select %parallel_loop3A_440, %parallel_loop3A_443, %xor3A_47 : vector<16xi1>, vector<16xi32>
        %parallel_loop3A_445 = vector.shape_cast %parallel_loop3A_444 : vector<16xi32> to vector<16x1xi32>
        %parallel_loop3A_446 = vector.shape_cast %parallel_loop3A_445 : vector<16x1xi32> to vector<16xi32>
        %parallel_loop3A_447 = tpu.dynamic_gather %parallel_loop3A_437[%parallel_loop3A_446] in [0] : vector<16xf32>, vector<16xi32> -> vector<16xf32>
        %parallel_loop3A_448 = arith.addf %parallel_loop3A_437, %parallel_loop3A_447 : vector<16xf32>
        %parallel_loop3A_449 = arith.subf %parallel_loop3A_448, %add3A_197 : vector<16xf32>
        %parallel_loop3A_450 = math.exp %parallel_loop3A_449 : vector<16xf32>
        %parallel_loop3A_451 = arith.index_cast %parallel_loop3A_347 : i32 to index
        %parallel_loop3A_452 = tpu.vector_load %arg10[%parallel_loop3A_451] {strides = array<i32>} : memref<336xi32, #tpu.memory_space<vmem>>, vector<16xi32>,
        %parallel_loop3A_453 = vector.shape_cast %parallel_loop3A_452 : vector<16xi32> to vector<16xi32>
        %parallel_loop3A_454 = vector.extract_strided_slice %parallel_loop3A_453 {offsets = [0], sizes = [1], strides = [1]} : vector<16xi32> to vector<1xi32>
        %parallel_loop3A_455 = vector.extract %parallel_loop3A_454[0] : i32 from vector<1xi32>
        %parallel_loop3A_456 = arith.subi %parallel_loop3A_455, %mul3A_2 : i32
        %parallel_loop3A_457 = arith.constant 16 : i32
        %parallel_loop3A_458 = arith.muli %parallel_loop3A_456, %parallel_loop3A_457 : i32
        %parallel_loop3A_459 = arith.index_cast %parallel_loop3A_458 : i32 to index
        %parallel_loop3A_460 = tpu.vector_load %arg14[%parallel_loop3A_459] {strides = array<i32>} : memref<5120xf32, #tpu.memory_space<vmem>>, vector<16xf32>,
        %parallel_loop3A_461 = vector.shape_cast %parallel_loop3A_460 : vector<16xf32> to vector<16xf32>
        %parallel_loop3A_462 = vector.shape_cast %parallel_loop3A_450 : vector<16xf32> to vector<16xf32>
        tpu.vector_store %arg14[%parallel_loop3A_459], %parallel_loop3A_462 {add = true, strides = array<i32>} : memref<5120xf32, #tpu.memory_space<vmem>>, vector<16xf32>,
        %parallel_loop3A_463 = arith.constant 128 : i32
        %parallel_loop3A_464 = arith.muli %parallel_loop3A_456, %parallel_loop3A_463 : i32
        %parallel_loop3A_465 = arith.constant 0 : i32
        %parallel_loop3A_466 = arith.addi %parallel_loop3A_464, %parallel_loop3A_465 : i32
        %parallel_loop3A_467 = arith.mulf %parallel_loop3A_450, %parallel_loop3A_354 : vector<16xf32>
        %parallel_loop3A_468 = arith.index_cast %parallel_loop3A_466 : i32 to index
        %parallel_loop3A_469 = tpu.vector_load %arg13[%parallel_loop3A_468] {strides = array<i32>} : memref<40960xf32, #tpu.memory_space<vmem>>, vector<16xf32>,
        %parallel_loop3A_470 = vector.shape_cast %parallel_loop3A_469 : vector<16xf32> to vector<16xf32>
        %parallel_loop3A_471 = vector.shape_cast %parallel_loop3A_467 : vector<16xf32> to vector<16xf32>
        tpu.vector_store %arg13[%parallel_loop3A_468], %parallel_loop3A_471 {add = true, strides = array<i32>} : memref<40960xf32, #tpu.memory_space<vmem>>, vector<16xf32>,
        %parallel_loop3A_472 = arith.constant 16 : i32
        %parallel_loop3A_473 = arith.addi %parallel_loop3A_464, %parallel_loop3A_472 : i32
        %parallel_loop3A_474 = arith.mulf %parallel_loop3A_450, %parallel_loop3A_359 : vector<16xf32>
        %parallel_loop3A_475 = arith.index_cast %parallel_loop3A_473 : i32 to index
        %parallel_loop3A_476 = tpu.vector_load %arg13[%parallel_loop3A_475] {strides = array<i32>} : memref<40960xf32, #tpu.memory_space<vmem>>, vector<16xf32>,
        %parallel_loop3A_477 = vector.shape_cast %parallel_loop3A_476 : vector<16xf32> to vector<16xf32>
        %parallel_loop3A_478 = vector.shape_cast %parallel_loop3A_474 : vector<16xf32> to vector<16xf32>
        tpu.vector_store %arg13[%parallel_loop3A_475], %parallel_loop3A_478 {add = true, strides = array<i32>} : memref<40960xf32, #tpu.memory_space<vmem>>, vector<16xf32>,
        %parallel_loop3A_479 = arith.constant 32 : i32
        %parallel_loop3A_480 = arith.addi %parallel_loop3A_464, %parallel_loop3A_479 : i32
        %parallel_loop3A_481 = arith.mulf %parallel_loop3A_450, %parallel_loop3A_364 : vector<16xf32>
        %parallel_loop3A_482 = arith.index_cast %parallel_loop3A_480 : i32 to index
        %parallel_loop3A_483 = tpu.vector_load %arg13[%parallel_loop3A_482] {strides = array<i32>} : memref<40960xf32, #tpu.memory_space<vmem>>, vector<16xf32>,
        %parallel_loop3A_484 = vector.shape_cast %parallel_loop3A_483 : vector<16xf32> to vector<16xf32>
        %parallel_loop3A_485 = vector.shape_cast %parallel_loop3A_481 : vector<16xf32> to vector<16xf32>
        tpu.vector_store %arg13[%parallel_loop3A_482], %parallel_loop3A_485 {add = true, strides = array<i32>} : memref<40960xf32, #tpu.memory_space<vmem>>, vector<16xf32>,
        %parallel_loop3A_486 = arith.constant 48 : i32
        %parallel_loop3A_487 = arith.addi %parallel_loop3A_464, %parallel_loop3A_486 : i32
        %parallel_loop3A_488 = arith.mulf %parallel_loop3A_450, %parallel_loop3A_369 : vector<16xf32>
        %parallel_loop3A_489 = arith.index_cast %parallel_loop3A_487 : i32 to index
        %parallel_loop3A_490 = tpu.vector_load %arg13[%parallel_loop3A_489] {strides = array<i32>} : memref<40960xf32, #tpu.memory_space<vmem>>, vector<16xf32>,
        %parallel_loop3A_491 = vector.shape_cast %parallel_loop3A_490 : vector<16xf32> to vector<16xf32>
        %parallel_loop3A_492 = vector.shape_cast %parallel_loop3A_488 : vector<16xf32> to vector<16xf32>
        tpu.vector_store %arg13[%parallel_loop3A_489], %parallel_loop3A_492 {add = true, strides = array<i32>} : memref<40960xf32, #tpu.memory_space<vmem>>, vector<16xf32>,
        %parallel_loop3A_493 = arith.constant 64 : i32
        %parallel_loop3A_494 = arith.addi %parallel_loop3A_464, %parallel_loop3A_493 : i32
        %parallel_loop3A_495 = arith.mulf %parallel_loop3A_450, %parallel_loop3A_374 : vector<16xf32>
        %parallel_loop3A_496 = arith.index_cast %parallel_loop3A_494 : i32 to index
        %parallel_loop3A_497 = tpu.vector_load %arg13[%parallel_loop3A_496] {strides = array<i32>} : memref<40960xf32, #tpu.memory_space<vmem>>, vector<16xf32>,
        %parallel_loop3A_498 = vector.shape_cast %parallel_loop3A_497 : vector<16xf32> to vector<16xf32>
        %parallel_loop3A_499 = vector.shape_cast %parallel_loop3A_495 : vector<16xf32> to vector<16xf32>
        tpu.vector_store %arg13[%parallel_loop3A_496], %parallel_loop3A_499 {add = true, strides = array<i32>} : memref<40960xf32, #tpu.memory_space<vmem>>, vector<16xf32>,
        %parallel_loop3A_500 = arith.constant 80 : i32
        %parallel_loop3A_501 = arith.addi %parallel_loop3A_464, %parallel_loop3A_500 : i32
        %parallel_loop3A_502 = arith.mulf %parallel_loop3A_450, %parallel_loop3A_379 : vector<16xf32>
        %parallel_loop3A_503 = arith.index_cast %parallel_loop3A_501 : i32 to index
        %parallel_loop3A_504 = tpu.vector_load %arg13[%parallel_loop3A_503] {strides = array<i32>} : memref<40960xf32, #tpu.memory_space<vmem>>, vector<16xf32>,
        %parallel_loop3A_505 = vector.shape_cast %parallel_loop3A_504 : vector<16xf32> to vector<16xf32>
        %parallel_loop3A_506 = vector.shape_cast %parallel_loop3A_502 : vector<16xf32> to vector<16xf32>
        tpu.vector_store %arg13[%parallel_loop3A_503], %parallel_loop3A_506 {add = true, strides = array<i32>} : memref<40960xf32, #tpu.memory_space<vmem>>, vector<16xf32>,
        %parallel_loop3A_507 = arith.constant 96 : i32
        %parallel_loop3A_508 = arith.addi %parallel_loop3A_464, %parallel_loop3A_507 : i32
        %parallel_loop3A_509 = arith.mulf %parallel_loop3A_450, %parallel_loop3A_384 : vector<16xf32>
        %parallel_loop3A_510 = arith.index_cast %parallel_loop3A_508 : i32 to index
        %parallel_loop3A_511 = tpu.vector_load %arg13[%parallel_loop3A_510] {strides = array<i32>} : memref<40960xf32, #tpu.memory_space<vmem>>, vector<16xf32>,
        %parallel_loop3A_512 = vector.shape_cast %parallel_loop3A_511 : vector<16xf32> to vector<16xf32>
        %parallel_loop3A_513 = vector.shape_cast %parallel_loop3A_509 : vector<16xf32> to vector<16xf32>
        tpu.vector_store %arg13[%parallel_loop3A_510], %parallel_loop3A_513 {add = true, strides = array<i32>} : memref<40960xf32, #tpu.memory_space<vmem>>, vector<16xf32>,
        %parallel_loop3A_514 = arith.constant 112 : i32
        %parallel_loop3A_515 = arith.addi %parallel_loop3A_464, %parallel_loop3A_514 : i32
        %parallel_loop3A_516 = arith.mulf %parallel_loop3A_450, %parallel_loop3A_389 : vector<16xf32>
        %parallel_loop3A_517 = arith.index_cast %parallel_loop3A_515 : i32 to index
        %parallel_loop3A_518 = tpu.vector_load %arg13[%parallel_loop3A_517] {strides = array<i32>} : memref<40960xf32, #tpu.memory_space<vmem>>, vector<16xf32>,
        %parallel_loop3A_519 = vector.shape_cast %parallel_loop3A_518 : vector<16xf32> to vector<16xf32>
        %parallel_loop3A_520 = vector.shape_cast %parallel_loop3A_516 : vector<16xf32> to vector<16xf32>
        tpu.vector_store %arg13[%parallel_loop3A_517], %parallel_loop3A_520 {add = true, strides = array<i32>} : memref<40960xf32, #tpu.memory_space<vmem>>, vector<16xf32>,
      } {sc.loop_unroll_factor = 16 : i64, sc.parallel_access}
    }
    %while3A_245 = arith.constant 1 : i32
    scf.for %while3A_262 = %while3A_243 to %while3A_239 step %while3A_245  : i32 {
      %mul3A_263 = arith.constant 2 : i32
      %mul3A_264 = arith.muli %while3A_262, %mul3A_263 : i32
      %add3A_265 = arith.constant 1 : i32
      %add3A_266 = arith.addi %mul3A_264, %add3A_265 : i32
      %mul3A_267 = arith.constant 320 : i32
      %mul3A_268 = arith.muli %add3A_266, %mul3A_267 : i32
      %add3A_269 = arith.addi %mul3A_65, %mul3A_268 : i32
      %min3A_270 = arith.constant 319680 : i32
      %min3A_271 = arith.minsi %add3A_269, %min3A_270 : i32
      %mul3A_272 = arith.constant 128 : i32
      %mul3A_273 = arith.muli %min3A_271, %mul3A_272 : i32
      %dma_start3A_274 = tpu.memref_slice %arg2[%mul3A_273] : memref<40960000xf32, #tpu.memory_space<hbm>> -> memref<40960xf32, #tpu.memory_space<hbm>>
      %dma_start3A_275 = tpu.memref_slice %arg2[%mul3A_273] : memref<40960000xf32, #tpu.memory_space<hbm>> -> memref<40960xf32, #tpu.memory_space<hbm>>
      tpu.enqueue_dma source(%dma_start3A_275 : memref<40960xf32, #tpu.memory_space<hbm>>) target(%arg8 : memref<40960xf32, #tpu.memory_space<vmem>>) target_semaphore(%arg17 : memref<!tpu.dma_semaphore, #tpu.memory_space<semaphore_mem>>)
      %dma_start3A_276 = arith.constant 0 : i32
      %dma_start3A_277 = tpu.memref_slice %arg10[%dma_start3A_276] : memref<336xi32, #tpu.memory_space<vmem>> -> memref<320xi32, #tpu.memory_space<vmem>>
      %dma_start3A_278 = tpu.memref_slice %arg3[%min3A_271] : memref<320000xi32, #tpu.memory_space<hbm>> -> memref<320xi32, #tpu.memory_space<hbm>>
      %dma_start3A_279 = arith.constant 0 : i32
      %dma_start3A_280 = tpu.memref_slice %arg10[%dma_start3A_279] : memref<336xi32, #tpu.memory_space<vmem>> -> memref<320xi32, #tpu.memory_space<vmem>>
      %dma_start3A_281 = tpu.memref_slice %arg3[%min3A_271] : memref<320000xi32, #tpu.memory_space<hbm>> -> memref<320xi32, #tpu.memory_space<hbm>>
      tpu.enqueue_dma source(%dma_start3A_281 : memref<320xi32, #tpu.memory_space<hbm>>) target(%dma_start3A_280 : memref<320xi32, #tpu.memory_space<vmem>>) target_semaphore(%arg17 : memref<!tpu.dma_semaphore, #tpu.memory_space<semaphore_mem>>)
      %dma_wait3A_282 = arith.constant 0 : i32
      %dma_wait3A_283 = tpu.memref_slice %arg2[%dma_wait3A_282] : memref<40960000xf32, #tpu.memory_space<hbm>> -> memref<40960xf32, #tpu.memory_space<hbm>>
      %dma_wait3A_284 = arith.constant 0 : i32
      %dma_wait3A_285 = tpu.memref_slice %arg2[%dma_wait3A_284] : memref<40960000xf32, #tpu.memory_space<hbm>> -> memref<40960xf32, #tpu.memory_space<hbm>>
      tpu.wait_dma2 semaphore(%arg16 : memref<!tpu.dma_semaphore, #tpu.memory_space<semaphore_mem>>) src(%dma_wait3A_285 : memref<40960xf32, #tpu.memory_space<hbm>>) dst(%arg7 : memref<40960xf32, #tpu.memory_space<vmem>>)
      %dma_wait3A_286 = arith.constant 0 : i32
      %dma_wait3A_287 = tpu.memref_slice %arg9[%dma_wait3A_286] : memref<336xi32, #tpu.memory_space<vmem>> -> memref<320xi32, #tpu.memory_space<vmem>>
      %dma_wait3A_288 = arith.constant 0 : i32
      %dma_wait3A_289 = tpu.memref_slice %arg3[%dma_wait3A_288] : memref<320000xi32, #tpu.memory_space<hbm>> -> memref<320xi32, #tpu.memory_space<hbm>>
      %dma_wait3A_290 = arith.constant 0 : i32
      %dma_wait3A_291 = tpu.memref_slice %arg9[%dma_wait3A_290] : memref<336xi32, #tpu.memory_space<vmem>> -> memref<320xi32, #tpu.memory_space<vmem>>
      %dma_wait3A_292 = arith.constant 0 : i32
      %dma_wait3A_293 = tpu.memref_slice %arg3[%dma_wait3A_292] : memref<320000xi32, #tpu.memory_space<hbm>> -> memref<320xi32, #tpu.memory_space<hbm>>
      tpu.wait_dma2 semaphore(%arg16 : memref<!tpu.dma_semaphore, #tpu.memory_space<semaphore_mem>>) src(%dma_wait3A_293 : memref<320xi32, #tpu.memory_space<hbm>>) dst(%dma_wait3A_291 : memref<320xi32, #tpu.memory_space<vmem>>)
      %mul3A_294 = arith.constant 320 : i32
      %mul3A_295 = arith.muli %mul3A_264, %mul3A_294 : i32
      %add3A_296 = arith.addi %mul3A_65, %mul3A_295 : i32
      %min3A_297 = arith.constant 319680 : i32
      %min3A_298 = arith.minsi %add3A_296, %min3A_297 : i32
      %max3A = arith.maxsi %squeeze3A, %add3A_296 : i32
      %add3A_299 = arith.constant 320 : i32
      %add3A_300 = arith.addi %add3A_296, %add3A_299 : i32
      %min3A_301 = arith.minsi %add3A_300, %squeeze3A_6 : i32
      %max3A_302 = arith.maxsi %min3A_301, %max3A : i32
      %parallel_loop3A_303 = arith.constant 1 : i32
      scf.for %parallel_loop3A_346 = %max3A to %max3A_302 step %parallel_loop3A_303  : i32 {
        %parallel_loop3A_347 = arith.subi %parallel_loop3A_346, %min3A_298 : i32
        %parallel_loop3A_348 = arith.constant 128 : i32
        %parallel_loop3A_349 = arith.muli %parallel_loop3A_347, %parallel_loop3A_348 : i32
        %parallel_loop3A_350 = arith.constant 0 : i32
        %parallel_loop3A_351 = arith.addi %parallel_loop3A_349, %parallel_loop3A_350 : i32
        %parallel_loop3A_352 = arith.index_cast %parallel_loop3A_351 : i32 to index
        %parallel_loop3A_353 = tpu.vector_load %arg7[%parallel_loop3A_352] {strides = array<i32>} : memref<40960xf32, #tpu.memory_space<vmem>>, vector<16xf32>,
        %parallel_loop3A_354 = vector.shape_cast %parallel_loop3A_353 : vector<16xf32> to vector<16xf32>
        %parallel_loop3A_355 = arith.constant 16 : i32
        %parallel_loop3A_356 = arith.addi %parallel_loop3A_349, %parallel_loop3A_355 : i32
        %parallel_loop3A_357 = arith.index_cast %parallel_loop3A_356 : i32 to index
        %parallel_loop3A_358 = tpu.vector_load %arg7[%parallel_loop3A_357] {strides = array<i32>} : memref<40960xf32, #tpu.memory_space<vmem>>, vector<16xf32>,
        %parallel_loop3A_359 = vector.shape_cast %parallel_loop3A_358 : vector<16xf32> to vector<16xf32>
        %parallel_loop3A_360 = arith.constant 32 : i32
        %parallel_loop3A_361 = arith.addi %parallel_loop3A_349, %parallel_loop3A_360 : i32
        %parallel_loop3A_362 = arith.index_cast %parallel_loop3A_361 : i32 to index
        %parallel_loop3A_363 = tpu.vector_load %arg7[%parallel_loop3A_362] {strides = array<i32>} : memref<40960xf32, #tpu.memory_space<vmem>>, vector<16xf32>,
        %parallel_loop3A_364 = vector.shape_cast %parallel_loop3A_363 : vector<16xf32> to vector<16xf32>
        %parallel_loop3A_365 = arith.constant 48 : i32
        %parallel_loop3A_366 = arith.addi %parallel_loop3A_349, %parallel_loop3A_365 : i32
        %parallel_loop3A_367 = arith.index_cast %parallel_loop3A_366 : i32 to index
        %parallel_loop3A_368 = tpu.vector_load %arg7[%parallel_loop3A_367] {strides = array<i32>} : memref<40960xf32, #tpu.memory_space<vmem>>, vector<16xf32>,
        %parallel_loop3A_369 = vector.shape_cast %parallel_loop3A_368 : vector<16xf32> to vector<16xf32>
        %parallel_loop3A_370 = arith.constant 64 : i32
        %parallel_loop3A_371 = arith.addi %parallel_loop3A_349, %parallel_loop3A_370 : i32
        %parallel_loop3A_372 = arith.index_cast %parallel_loop3A_371 : i32 to index
        %parallel_loop3A_373 = tpu.vector_load %arg7[%parallel_loop3A_372] {strides = array<i32>} : memref<40960xf32, #tpu.memory_space<vmem>>, vector<16xf32>,
        %parallel_loop3A_374 = vector.shape_cast %parallel_loop3A_373 : vector<16xf32> to vector<16xf32>
        %parallel_loop3A_375 = arith.constant 80 : i32
        %parallel_loop3A_376 = arith.addi %parallel_loop3A_349, %parallel_loop3A_375 : i32
        %parallel_loop3A_377 = arith.index_cast %parallel_loop3A_376 : i32 to index
        %parallel_loop3A_378 = tpu.vector_load %arg7[%parallel_loop3A_377] {strides = array<i32>} : memref<40960xf32, #tpu.memory_space<vmem>>, vector<16xf32>,
        %parallel_loop3A_379 = vector.shape_cast %parallel_loop3A_378 : vector<16xf32> to vector<16xf32>
        %parallel_loop3A_380 = arith.constant 96 : i32
        %parallel_loop3A_381 = arith.addi %parallel_loop3A_349, %parallel_loop3A_380 : i32
        %parallel_loop3A_382 = arith.index_cast %parallel_loop3A_381 : i32 to index
        %parallel_loop3A_383 = tpu.vector_load %arg7[%parallel_loop3A_382] {strides = array<i32>} : memref<40960xf32, #tpu.memory_space<vmem>>, vector<16xf32>,
        %parallel_loop3A_384 = vector.shape_cast %parallel_loop3A_383 : vector<16xf32> to vector<16xf32>
        %parallel_loop3A_385 = arith.constant 112 : i32
        %parallel_loop3A_386 = arith.addi %parallel_loop3A_349, %parallel_loop3A_385 : i32
        %parallel_loop3A_387 = arith.index_cast %parallel_loop3A_386 : i32 to index
        %parallel_loop3A_388 = tpu.vector_load %arg7[%parallel_loop3A_387] {strides = array<i32>} : memref<40960xf32, #tpu.memory_space<vmem>>, vector<16xf32>,
        %parallel_loop3A_389 = vector.shape_cast %parallel_loop3A_388 : vector<16xf32> to vector<16xf32>
        %parallel_loop3A_390 = arith.mulf %parallel_loop3A_354, %get3A_15 : vector<16xf32>
        %parallel_loop3A_391 = arith.mulf %parallel_loop3A_359, %get3A_18 : vector<16xf32>
        %parallel_loop3A_392 = arith.mulf %parallel_loop3A_364, %get3A_21 : vector<16xf32>
        %parallel_loop3A_393 = arith.mulf %parallel_loop3A_369, %get3A_24 : vector<16xf32>
        %parallel_loop3A_394 = arith.mulf %parallel_loop3A_374, %get3A_27 : vector<16xf32>
        %parallel_loop3A_395 = arith.mulf %parallel_loop3A_379, %get3A_30 : vector<16xf32>
        %parallel_loop3A_396 = arith.mulf %parallel_loop3A_384, %get3A_33 : vector<16xf32>
        %parallel_loop3A_397 = arith.mulf %parallel_loop3A_389, %get3A_36 : vector<16xf32>
        %parallel_loop3A_398 = arith.addf %parallel_loop3A_390, %parallel_loop3A_391 : vector<16xf32>
        %parallel_loop3A_399 = arith.addf %parallel_loop3A_392, %parallel_loop3A_393 : vector<16xf32>
        %parallel_loop3A_400 = arith.addf %parallel_loop3A_394, %parallel_loop3A_395 : vector<16xf32>
        %parallel_loop3A_401 = arith.addf %parallel_loop3A_396, %parallel_loop3A_397 : vector<16xf32>
        %parallel_loop3A_402 = arith.addf %parallel_loop3A_398, %parallel_loop3A_399 : vector<16xf32>
        %parallel_loop3A_403 = arith.addf %parallel_loop3A_400, %parallel_loop3A_401 : vector<16xf32>
        %parallel_loop3A_404 = arith.addf %parallel_loop3A_402, %parallel_loop3A_403 : vector<16xf32>
        %parallel_loop3A_405 = arith.constant 0 : i32
        %parallel_loop3A_406 = vector.broadcast %parallel_loop3A_405 : i32 to vector<16xi32>
        %parallel_loop3A_407 = arith.cmpi slt, %xor3A_38, %parallel_loop3A_406 : vector<16xi32>
        %parallel_loop3A_408 = arith.constant 16 : i32
        %parallel_loop3A_409 = vector.broadcast %parallel_loop3A_408 : i32 to vector<16xi32>
        %parallel_loop3A_410 = arith.addi %xor3A_38, %parallel_loop3A_409 : vector<16xi32>
        %parallel_loop3A_411 = arith.select %parallel_loop3A_407, %parallel_loop3A_410, %xor3A_38 : vector<16xi1>, vector<16xi32>
        %parallel_loop3A_412 = vector.shape_cast %parallel_loop3A_411 : vector<16xi32> to vector<16x1xi32>
        %parallel_loop3A_413 = vector.shape_cast %parallel_loop3A_412 : vector<16x1xi32> to vector<16xi32>
        %parallel_loop3A_414 = tpu.dynamic_gather %parallel_loop3A_404[%parallel_loop3A_413] in [0] : vector<16xf32>, vector<16xi32> -> vector<16xf32>
        %parallel_loop3A_415 = arith.addf %parallel_loop3A_404, %parallel_loop3A_414 : vector<16xf32>
        %parallel_loop3A_416 = arith.constant 0 : i32
        %parallel_loop3A_417 = vector.broadcast %parallel_loop3A_416 : i32 to vector<16xi32>
        %parallel_loop3A_418 = arith.cmpi slt, %xor3A_41, %parallel_loop3A_417 : vector<16xi32>
        %parallel_loop3A_419 = arith.constant 16 : i32
        %parallel_loop3A_420 = vector.broadcast %parallel_loop3A_419 : i32 to vector<16xi32>
        %parallel_loop3A_421 = arith.addi %xor3A_41, %parallel_loop3A_420 : vector<16xi32>
        %parallel_loop3A_422 = arith.select %parallel_loop3A_418, %parallel_loop3A_421, %xor3A_41 : vector<16xi1>, vector<16xi32>
        %parallel_loop3A_423 = vector.shape_cast %parallel_loop3A_422 : vector<16xi32> to vector<16x1xi32>
        %parallel_loop3A_424 = vector.shape_cast %parallel_loop3A_423 : vector<16x1xi32> to vector<16xi32>
        %parallel_loop3A_425 = tpu.dynamic_gather %parallel_loop3A_415[%parallel_loop3A_424] in [0] : vector<16xf32>, vector<16xi32> -> vector<16xf32>
        %parallel_loop3A_426 = arith.addf %parallel_loop3A_415, %parallel_loop3A_425 : vector<16xf32>
        %parallel_loop3A_427 = arith.constant 0 : i32
        %parallel_loop3A_428 = vector.broadcast %parallel_loop3A_427 : i32 to vector<16xi32>
        %parallel_loop3A_429 = arith.cmpi slt, %xor3A_44, %parallel_loop3A_428 : vector<16xi32>
        %parallel_loop3A_430 = arith.constant 16 : i32
        %parallel_loop3A_431 = vector.broadcast %parallel_loop3A_430 : i32 to vector<16xi32>
        %parallel_loop3A_432 = arith.addi %xor3A_44, %parallel_loop3A_431 : vector<16xi32>
        %parallel_loop3A_433 = arith.select %parallel_loop3A_429, %parallel_loop3A_432, %xor3A_44 : vector<16xi1>, vector<16xi32>
        %parallel_loop3A_434 = vector.shape_cast %parallel_loop3A_433 : vector<16xi32> to vector<16x1xi32>
        %parallel_loop3A_435 = vector.shape_cast %parallel_loop3A_434 : vector<16x1xi32> to vector<16xi32>
        %parallel_loop3A_436 = tpu.dynamic_gather %parallel_loop3A_426[%parallel_loop3A_435] in [0] : vector<16xf32>, vector<16xi32> -> vector<16xf32>
        %parallel_loop3A_437 = arith.addf %parallel_loop3A_426, %parallel_loop3A_436 : vector<16xf32>
        %parallel_loop3A_438 = arith.constant 0 : i32
        %parallel_loop3A_439 = vector.broadcast %parallel_loop3A_438 : i32 to vector<16xi32>
        %parallel_loop3A_440 = arith.cmpi slt, %xor3A_47, %parallel_loop3A_439 : vector<16xi32>
        %parallel_loop3A_441 = arith.constant 16 : i32
        %parallel_loop3A_442 = vector.broadcast %parallel_loop3A_441 : i32 to vector<16xi32>
        %parallel_loop3A_443 = arith.addi %xor3A_47, %parallel_loop3A_442 : vector<16xi32>
        %parallel_loop3A_444 = arith.select %parallel_loop3A_440, %parallel_loop3A_443, %xor3A_47 : vector<16xi1>, vector<16xi32>
        %parallel_loop3A_445 = vector.shape_cast %parallel_loop3A_444 : vector<16xi32> to vector<16x1xi32>
        %parallel_loop3A_446 = vector.shape_cast %parallel_loop3A_445 : vector<16x1xi32> to vector<16xi32>
        %parallel_loop3A_447 = tpu.dynamic_gather %parallel_loop3A_437[%parallel_loop3A_446] in [0] : vector<16xf32>, vector<16xi32> -> vector<16xf32>
        %parallel_loop3A_448 = arith.addf %parallel_loop3A_437, %parallel_loop3A_447 : vector<16xf32>
        %parallel_loop3A_449 = arith.subf %parallel_loop3A_448, %add3A_197 : vector<16xf32>
        %parallel_loop3A_450 = math.exp %parallel_loop3A_449 : vector<16xf32>
        %parallel_loop3A_451 = arith.index_cast %parallel_loop3A_347 : i32 to index
        %parallel_loop3A_452 = tpu.vector_load %arg9[%parallel_loop3A_451] {strides = array<i32>} : memref<336xi32, #tpu.memory_space<vmem>>, vector<16xi32>,
        %parallel_loop3A_453 = vector.shape_cast %parallel_loop3A_452 : vector<16xi32> to vector<16xi32>
        %parallel_loop3A_454 = vector.extract_strided_slice %parallel_loop3A_453 {offsets = [0], sizes = [1], strides = [1]} : vector<16xi32> to vector<1xi32>
        %parallel_loop3A_455 = vector.extract %parallel_loop3A_454[0] : i32 from vector<1xi32>
        %parallel_loop3A_456 = arith.subi %parallel_loop3A_455, %mul3A_2 : i32
        %parallel_loop3A_457 = arith.constant 16 : i32
        %parallel_loop3A_458 = arith.muli %parallel_loop3A_456, %parallel_loop3A_457 : i32
        %parallel_loop3A_459 = arith.index_cast %parallel_loop3A_458 : i32 to index
        %parallel_loop3A_460 = tpu.vector_load %arg14[%parallel_loop3A_459] {strides = array<i32>} : memref<5120xf32, #tpu.memory_space<vmem>>, vector<16xf32>,
        %parallel_loop3A_461 = vector.shape_cast %parallel_loop3A_460 : vector<16xf32> to vector<16xf32>
        %parallel_loop3A_462 = vector.shape_cast %parallel_loop3A_450 : vector<16xf32> to vector<16xf32>
        tpu.vector_store %arg14[%parallel_loop3A_459], %parallel_loop3A_462 {add = true, strides = array<i32>} : memref<5120xf32, #tpu.memory_space<vmem>>, vector<16xf32>,
        %parallel_loop3A_463 = arith.constant 128 : i32
        %parallel_loop3A_464 = arith.muli %parallel_loop3A_456, %parallel_loop3A_463 : i32
        %parallel_loop3A_465 = arith.constant 0 : i32
        %parallel_loop3A_466 = arith.addi %parallel_loop3A_464, %parallel_loop3A_465 : i32
        %parallel_loop3A_467 = arith.mulf %parallel_loop3A_450, %parallel_loop3A_354 : vector<16xf32>
        %parallel_loop3A_468 = arith.index_cast %parallel_loop3A_466 : i32 to index
        %parallel_loop3A_469 = tpu.vector_load %arg13[%parallel_loop3A_468] {strides = array<i32>} : memref<40960xf32, #tpu.memory_space<vmem>>, vector<16xf32>,
        %parallel_loop3A_470 = vector.shape_cast %parallel_loop3A_469 : vector<16xf32> to vector<16xf32>
        %parallel_loop3A_471 = vector.shape_cast %parallel_loop3A_467 : vector<16xf32> to vector<16xf32>
        tpu.vector_store %arg13[%parallel_loop3A_468], %parallel_loop3A_471 {add = true, strides = array<i32>} : memref<40960xf32, #tpu.memory_space<vmem>>, vector<16xf32>,
        %parallel_loop3A_472 = arith.constant 16 : i32
        %parallel_loop3A_473 = arith.addi %parallel_loop3A_464, %parallel_loop3A_472 : i32
        %parallel_loop3A_474 = arith.mulf %parallel_loop3A_450, %parallel_loop3A_359 : vector<16xf32>
        %parallel_loop3A_475 = arith.index_cast %parallel_loop3A_473 : i32 to index
        %parallel_loop3A_476 = tpu.vector_load %arg13[%parallel_loop3A_475] {strides = array<i32>} : memref<40960xf32, #tpu.memory_space<vmem>>, vector<16xf32>,
        %parallel_loop3A_477 = vector.shape_cast %parallel_loop3A_476 : vector<16xf32> to vector<16xf32>
        %parallel_loop3A_478 = vector.shape_cast %parallel_loop3A_474 : vector<16xf32> to vector<16xf32>
        tpu.vector_store %arg13[%parallel_loop3A_475], %parallel_loop3A_478 {add = true, strides = array<i32>} : memref<40960xf32, #tpu.memory_space<vmem>>, vector<16xf32>,
        %parallel_loop3A_479 = arith.constant 32 : i32
        %parallel_loop3A_480 = arith.addi %parallel_loop3A_464, %parallel_loop3A_479 : i32
        %parallel_loop3A_481 = arith.mulf %parallel_loop3A_450, %parallel_loop3A_364 : vector<16xf32>
        %parallel_loop3A_482 = arith.index_cast %parallel_loop3A_480 : i32 to index
        %parallel_loop3A_483 = tpu.vector_load %arg13[%parallel_loop3A_482] {strides = array<i32>} : memref<40960xf32, #tpu.memory_space<vmem>>, vector<16xf32>,
        %parallel_loop3A_484 = vector.shape_cast %parallel_loop3A_483 : vector<16xf32> to vector<16xf32>
        %parallel_loop3A_485 = vector.shape_cast %parallel_loop3A_481 : vector<16xf32> to vector<16xf32>
        tpu.vector_store %arg13[%parallel_loop3A_482], %parallel_loop3A_485 {add = true, strides = array<i32>} : memref<40960xf32, #tpu.memory_space<vmem>>, vector<16xf32>,
        %parallel_loop3A_486 = arith.constant 48 : i32
        %parallel_loop3A_487 = arith.addi %parallel_loop3A_464, %parallel_loop3A_486 : i32
        %parallel_loop3A_488 = arith.mulf %parallel_loop3A_450, %parallel_loop3A_369 : vector<16xf32>
        %parallel_loop3A_489 = arith.index_cast %parallel_loop3A_487 : i32 to index
        %parallel_loop3A_490 = tpu.vector_load %arg13[%parallel_loop3A_489] {strides = array<i32>} : memref<40960xf32, #tpu.memory_space<vmem>>, vector<16xf32>,
        %parallel_loop3A_491 = vector.shape_cast %parallel_loop3A_490 : vector<16xf32> to vector<16xf32>
        %parallel_loop3A_492 = vector.shape_cast %parallel_loop3A_488 : vector<16xf32> to vector<16xf32>
        tpu.vector_store %arg13[%parallel_loop3A_489], %parallel_loop3A_492 {add = true, strides = array<i32>} : memref<40960xf32, #tpu.memory_space<vmem>>, vector<16xf32>,
        %parallel_loop3A_493 = arith.constant 64 : i32
        %parallel_loop3A_494 = arith.addi %parallel_loop3A_464, %parallel_loop3A_493 : i32
        %parallel_loop3A_495 = arith.mulf %parallel_loop3A_450, %parallel_loop3A_374 : vector<16xf32>
        %parallel_loop3A_496 = arith.index_cast %parallel_loop3A_494 : i32 to index
        %parallel_loop3A_497 = tpu.vector_load %arg13[%parallel_loop3A_496] {strides = array<i32>} : memref<40960xf32, #tpu.memory_space<vmem>>, vector<16xf32>,
        %parallel_loop3A_498 = vector.shape_cast %parallel_loop3A_497 : vector<16xf32> to vector<16xf32>
        %parallel_loop3A_499 = vector.shape_cast %parallel_loop3A_495 : vector<16xf32> to vector<16xf32>
        tpu.vector_store %arg13[%parallel_loop3A_496], %parallel_loop3A_499 {add = true, strides = array<i32>} : memref<40960xf32, #tpu.memory_space<vmem>>, vector<16xf32>,
        %parallel_loop3A_500 = arith.constant 80 : i32
        %parallel_loop3A_501 = arith.addi %parallel_loop3A_464, %parallel_loop3A_500 : i32
        %parallel_loop3A_502 = arith.mulf %parallel_loop3A_450, %parallel_loop3A_379 : vector<16xf32>
        %parallel_loop3A_503 = arith.index_cast %parallel_loop3A_501 : i32 to index
        %parallel_loop3A_504 = tpu.vector_load %arg13[%parallel_loop3A_503] {strides = array<i32>} : memref<40960xf32, #tpu.memory_space<vmem>>, vector<16xf32>,
        %parallel_loop3A_505 = vector.shape_cast %parallel_loop3A_504 : vector<16xf32> to vector<16xf32>
        %parallel_loop3A_506 = vector.shape_cast %parallel_loop3A_502 : vector<16xf32> to vector<16xf32>
        tpu.vector_store %arg13[%parallel_loop3A_503], %parallel_loop3A_506 {add = true, strides = array<i32>} : memref<40960xf32, #tpu.memory_space<vmem>>, vector<16xf32>,
        %parallel_loop3A_507 = arith.constant 96 : i32
        %parallel_loop3A_508 = arith.addi %parallel_loop3A_464, %parallel_loop3A_507 : i32
        %parallel_loop3A_509 = arith.mulf %parallel_loop3A_450, %parallel_loop3A_384 : vector<16xf32>
        %parallel_loop3A_510 = arith.index_cast %parallel_loop3A_508 : i32 to index
        %parallel_loop3A_511 = tpu.vector_load %arg13[%parallel_loop3A_510] {strides = array<i32>} : memref<40960xf32, #tpu.memory_space<vmem>>, vector<16xf32>,
        %parallel_loop3A_512 = vector.shape_cast %parallel_loop3A_511 : vector<16xf32> to vector<16xf32>
        %parallel_loop3A_513 = vector.shape_cast %parallel_loop3A_509 : vector<16xf32> to vector<16xf32>
        tpu.vector_store %arg13[%parallel_loop3A_510], %parallel_loop3A_513 {add = true, strides = array<i32>} : memref<40960xf32, #tpu.memory_space<vmem>>, vector<16xf32>,
        %parallel_loop3A_514 = arith.constant 112 : i32
        %parallel_loop3A_515 = arith.addi %parallel_loop3A_464, %parallel_loop3A_514 : i32
        %parallel_loop3A_516 = arith.mulf %parallel_loop3A_450, %parallel_loop3A_389 : vector<16xf32>
        %parallel_loop3A_517 = arith.index_cast %parallel_loop3A_515 : i32 to index
        %parallel_loop3A_518 = tpu.vector_load %arg13[%parallel_loop3A_517] {strides = array<i32>} : memref<40960xf32, #tpu.memory_space<vmem>>, vector<16xf32>,
        %parallel_loop3A_519 = vector.shape_cast %parallel_loop3A_518 : vector<16xf32> to vector<16xf32>
        %parallel_loop3A_520 = vector.shape_cast %parallel_loop3A_516 : vector<16xf32> to vector<16xf32>
        tpu.vector_store %arg13[%parallel_loop3A_517], %parallel_loop3A_520 {add = true, strides = array<i32>} : memref<40960xf32, #tpu.memory_space<vmem>>, vector<16xf32>,
      } {sc.loop_unroll_factor = 16 : i64, sc.parallel_access}
      %add3A_304 = arith.constant 2 : i32
      %add3A_305 = arith.addi %mul3A_264, %add3A_304 : i32
      %mul3A_306 = arith.constant 320 : i32
      %mul3A_307 = arith.muli %add3A_305, %mul3A_306 : i32
      %add3A_308 = arith.addi %mul3A_65, %mul3A_307 : i32
      %min3A_309 = arith.constant 319680 : i32
      %min3A_310 = arith.minsi %add3A_308, %min3A_309 : i32
      %mul3A_311 = arith.constant 128 : i32
      %mul3A_312 = arith.muli %min3A_310, %mul3A_311 : i32
      %dma_start3A_313 = tpu.memref_slice %arg2[%mul3A_312] : memref<40960000xf32, #tpu.memory_space<hbm>> -> memref<40960xf32, #tpu.memory_space<hbm>>
      %dma_start3A_314 = tpu.memref_slice %arg2[%mul3A_312] : memref<40960000xf32, #tpu.memory_space<hbm>> -> memref<40960xf32, #tpu.memory_space<hbm>>
      tpu.enqueue_dma source(%dma_start3A_314 : memref<40960xf32, #tpu.memory_space<hbm>>) target(%arg7 : memref<40960xf32, #tpu.memory_space<vmem>>) target_semaphore(%arg16 : memref<!tpu.dma_semaphore, #tpu.memory_space<semaphore_mem>>)
      %dma_start3A_315 = arith.constant 0 : i32
      %dma_start3A_316 = tpu.memref_slice %arg9[%dma_start3A_315] : memref<336xi32, #tpu.memory_space<vmem>> -> memref<320xi32, #tpu.memory_space<vmem>>
      %dma_start3A_317 = tpu.memref_slice %arg3[%min3A_310] : memref<320000xi32, #tpu.memory_space<hbm>> -> memref<320xi32, #tpu.memory_space<hbm>>
      %dma_start3A_318 = arith.constant 0 : i32
      %dma_start3A_319 = tpu.memref_slice %arg9[%dma_start3A_318] : memref<336xi32, #tpu.memory_space<vmem>> -> memref<320xi32, #tpu.memory_space<vmem>>
      %dma_start3A_320 = tpu.memref_slice %arg3[%min3A_310] : memref<320000xi32, #tpu.memory_space<hbm>> -> memref<320xi32, #tpu.memory_space<hbm>>
      tpu.enqueue_dma source(%dma_start3A_320 : memref<320xi32, #tpu.memory_space<hbm>>) target(%dma_start3A_319 : memref<320xi32, #tpu.memory_space<vmem>>) target_semaphore(%arg16 : memref<!tpu.dma_semaphore, #tpu.memory_space<semaphore_mem>>)
      %dma_wait3A_321 = arith.constant 0 : i32
      %dma_wait3A_322 = tpu.memref_slice %arg2[%dma_wait3A_321] : memref<40960000xf32, #tpu.memory_space<hbm>> -> memref<40960xf32, #tpu.memory_space<hbm>>
      %dma_wait3A_323 = arith.constant 0 : i32
      %dma_wait3A_324 = tpu.memref_slice %arg2[%dma_wait3A_323] : memref<40960000xf32, #tpu.memory_space<hbm>> -> memref<40960xf32, #tpu.memory_space<hbm>>
      tpu.wait_dma2 semaphore(%arg17 : memref<!tpu.dma_semaphore, #tpu.memory_space<semaphore_mem>>) src(%dma_wait3A_324 : memref<40960xf32, #tpu.memory_space<hbm>>) dst(%arg8 : memref<40960xf32, #tpu.memory_space<vmem>>)
      %dma_wait3A_325 = arith.constant 0 : i32
      %dma_wait3A_326 = tpu.memref_slice %arg10[%dma_wait3A_325] : memref<336xi32, #tpu.memory_space<vmem>> -> memref<320xi32, #tpu.memory_space<vmem>>
      %dma_wait3A_327 = arith.constant 0 : i32
      %dma_wait3A_328 = tpu.memref_slice %arg3[%dma_wait3A_327] : memref<320000xi32, #tpu.memory_space<hbm>> -> memref<320xi32, #tpu.memory_space<hbm>>
      %dma_wait3A_329 = arith.constant 0 : i32
      %dma_wait3A_330 = tpu.memref_slice %arg10[%dma_wait3A_329] : memref<336xi32, #tpu.memory_space<vmem>> -> memref<320xi32, #tpu.memory_space<vmem>>
      %dma_wait3A_331 = arith.constant 0 : i32
      %dma_wait3A_332 = tpu.memref_slice %arg3[%dma_wait3A_331] : memref<320000xi32, #tpu.memory_space<hbm>> -> memref<320xi32, #tpu.memory_space<hbm>>
      tpu.wait_dma2 semaphore(%arg17 : memref<!tpu.dma_semaphore, #tpu.memory_space<semaphore_mem>>) src(%dma_wait3A_332 : memref<320xi32, #tpu.memory_space<hbm>>) dst(%dma_wait3A_330 : memref<320xi32, #tpu.memory_space<vmem>>)
      %add3A_333 = arith.constant 1 : i32
      %add3A_334 = arith.addi %mul3A_264, %add3A_333 : i32
      %mul3A_335 = arith.constant 320 : i32
      %mul3A_336 = arith.muli %add3A_334, %mul3A_335 : i32
      %add3A_337 = arith.addi %mul3A_65, %mul3A_336 : i32
      %min3A_338 = arith.constant 319680 : i32
      %min3A_339 = arith.minsi %add3A_337, %min3A_338 : i32
      %max3A_340 = arith.maxsi %squeeze3A, %add3A_337 : i32
      %add3A_341 = arith.constant 320 : i32
      %add3A_342 = arith.addi %add3A_337, %add3A_341 : i32
      %min3A_343 = arith.minsi %add3A_342, %squeeze3A_6 : i32
      %max3A_344 = arith.maxsi %min3A_343, %max3A_340 : i32
      %parallel_loop3A_345 = arith.constant 1 : i32
      scf.for %parallel_loop3A_346 = %max3A_340 to %max3A_344 step %parallel_loop3A_345  : i32 {
        %parallel_loop3A_347 = arith.subi %parallel_loop3A_346, %min3A_339 : i32
        %parallel_loop3A_348 = arith.constant 128 : i32
        %parallel_loop3A_349 = arith.muli %parallel_loop3A_347, %parallel_loop3A_348 : i32
        %parallel_loop3A_350 = arith.constant 0 : i32
        %parallel_loop3A_351 = arith.addi %parallel_loop3A_349, %parallel_loop3A_350 : i32
        %parallel_loop3A_352 = arith.index_cast %parallel_loop3A_351 : i32 to index
        %parallel_loop3A_353 = tpu.vector_load %arg8[%parallel_loop3A_352] {strides = array<i32>} : memref<40960xf32, #tpu.memory_space<vmem>>, vector<16xf32>,
        %parallel_loop3A_354 = vector.shape_cast %parallel_loop3A_353 : vector<16xf32> to vector<16xf32>
        %parallel_loop3A_355 = arith.constant 16 : i32
        %parallel_loop3A_356 = arith.addi %parallel_loop3A_349, %parallel_loop3A_355 : i32
        %parallel_loop3A_357 = arith.index_cast %parallel_loop3A_356 : i32 to index
        %parallel_loop3A_358 = tpu.vector_load %arg8[%parallel_loop3A_357] {strides = array<i32>} : memref<40960xf32, #tpu.memory_space<vmem>>, vector<16xf32>,
        %parallel_loop3A_359 = vector.shape_cast %parallel_loop3A_358 : vector<16xf32> to vector<16xf32>
        %parallel_loop3A_360 = arith.constant 32 : i32
        %parallel_loop3A_361 = arith.addi %parallel_loop3A_349, %parallel_loop3A_360 : i32
        %parallel_loop3A_362 = arith.index_cast %parallel_loop3A_361 : i32 to index
        %parallel_loop3A_363 = tpu.vector_load %arg8[%parallel_loop3A_362] {strides = array<i32>} : memref<40960xf32, #tpu.memory_space<vmem>>, vector<16xf32>,
        %parallel_loop3A_364 = vector.shape_cast %parallel_loop3A_363 : vector<16xf32> to vector<16xf32>
        %parallel_loop3A_365 = arith.constant 48 : i32
        %parallel_loop3A_366 = arith.addi %parallel_loop3A_349, %parallel_loop3A_365 : i32
        %parallel_loop3A_367 = arith.index_cast %parallel_loop3A_366 : i32 to index
        %parallel_loop3A_368 = tpu.vector_load %arg8[%parallel_loop3A_367] {strides = array<i32>} : memref<40960xf32, #tpu.memory_space<vmem>>, vector<16xf32>,
        %parallel_loop3A_369 = vector.shape_cast %parallel_loop3A_368 : vector<16xf32> to vector<16xf32>
        %parallel_loop3A_370 = arith.constant 64 : i32
        %parallel_loop3A_371 = arith.addi %parallel_loop3A_349, %parallel_loop3A_370 : i32
        %parallel_loop3A_372 = arith.index_cast %parallel_loop3A_371 : i32 to index
        %parallel_loop3A_373 = tpu.vector_load %arg8[%parallel_loop3A_372] {strides = array<i32>} : memref<40960xf32, #tpu.memory_space<vmem>>, vector<16xf32>,
        %parallel_loop3A_374 = vector.shape_cast %parallel_loop3A_373 : vector<16xf32> to vector<16xf32>
        %parallel_loop3A_375 = arith.constant 80 : i32
        %parallel_loop3A_376 = arith.addi %parallel_loop3A_349, %parallel_loop3A_375 : i32
        %parallel_loop3A_377 = arith.index_cast %parallel_loop3A_376 : i32 to index
        %parallel_loop3A_378 = tpu.vector_load %arg8[%parallel_loop3A_377] {strides = array<i32>} : memref<40960xf32, #tpu.memory_space<vmem>>, vector<16xf32>,
        %parallel_loop3A_379 = vector.shape_cast %parallel_loop3A_378 : vector<16xf32> to vector<16xf32>
        %parallel_loop3A_380 = arith.constant 96 : i32
        %parallel_loop3A_381 = arith.addi %parallel_loop3A_349, %parallel_loop3A_380 : i32
        %parallel_loop3A_382 = arith.index_cast %parallel_loop3A_381 : i32 to index
        %parallel_loop3A_383 = tpu.vector_load %arg8[%parallel_loop3A_382] {strides = array<i32>} : memref<40960xf32, #tpu.memory_space<vmem>>, vector<16xf32>,
        %parallel_loop3A_384 = vector.shape_cast %parallel_loop3A_383 : vector<16xf32> to vector<16xf32>
        %parallel_loop3A_385 = arith.constant 112 : i32
        %parallel_loop3A_386 = arith.addi %parallel_loop3A_349, %parallel_loop3A_385 : i32
        %parallel_loop3A_387 = arith.index_cast %parallel_loop3A_386 : i32 to index
        %parallel_loop3A_388 = tpu.vector_load %arg8[%parallel_loop3A_387] {strides = array<i32>} : memref<40960xf32, #tpu.memory_space<vmem>>, vector<16xf32>,
        %parallel_loop3A_389 = vector.shape_cast %parallel_loop3A_388 : vector<16xf32> to vector<16xf32>
        %parallel_loop3A_390 = arith.mulf %parallel_loop3A_354, %get3A_15 : vector<16xf32>
        %parallel_loop3A_391 = arith.mulf %parallel_loop3A_359, %get3A_18 : vector<16xf32>
        %parallel_loop3A_392 = arith.mulf %parallel_loop3A_364, %get3A_21 : vector<16xf32>
        %parallel_loop3A_393 = arith.mulf %parallel_loop3A_369, %get3A_24 : vector<16xf32>
        %parallel_loop3A_394 = arith.mulf %parallel_loop3A_374, %get3A_27 : vector<16xf32>
        %parallel_loop3A_395 = arith.mulf %parallel_loop3A_379, %get3A_30 : vector<16xf32>
        %parallel_loop3A_396 = arith.mulf %parallel_loop3A_384, %get3A_33 : vector<16xf32>
        %parallel_loop3A_397 = arith.mulf %parallel_loop3A_389, %get3A_36 : vector<16xf32>
        %parallel_loop3A_398 = arith.addf %parallel_loop3A_390, %parallel_loop3A_391 : vector<16xf32>
        %parallel_loop3A_399 = arith.addf %parallel_loop3A_392, %parallel_loop3A_393 : vector<16xf32>
        %parallel_loop3A_400 = arith.addf %parallel_loop3A_394, %parallel_loop3A_395 : vector<16xf32>
        %parallel_loop3A_401 = arith.addf %parallel_loop3A_396, %parallel_loop3A_397 : vector<16xf32>
        %parallel_loop3A_402 = arith.addf %parallel_loop3A_398, %parallel_loop3A_399 : vector<16xf32>
        %parallel_loop3A_403 = arith.addf %parallel_loop3A_400, %parallel_loop3A_401 : vector<16xf32>
        %parallel_loop3A_404 = arith.addf %parallel_loop3A_402, %parallel_loop3A_403 : vector<16xf32>
        %parallel_loop3A_405 = arith.constant 0 : i32
        %parallel_loop3A_406 = vector.broadcast %parallel_loop3A_405 : i32 to vector<16xi32>
        %parallel_loop3A_407 = arith.cmpi slt, %xor3A_38, %parallel_loop3A_406 : vector<16xi32>
        %parallel_loop3A_408 = arith.constant 16 : i32
        %parallel_loop3A_409 = vector.broadcast %parallel_loop3A_408 : i32 to vector<16xi32>
        %parallel_loop3A_410 = arith.addi %xor3A_38, %parallel_loop3A_409 : vector<16xi32>
        %parallel_loop3A_411 = arith.select %parallel_loop3A_407, %parallel_loop3A_410, %xor3A_38 : vector<16xi1>, vector<16xi32>
        %parallel_loop3A_412 = vector.shape_cast %parallel_loop3A_411 : vector<16xi32> to vector<16x1xi32>
        %parallel_loop3A_413 = vector.shape_cast %parallel_loop3A_412 : vector<16x1xi32> to vector<16xi32>
        %parallel_loop3A_414 = tpu.dynamic_gather %parallel_loop3A_404[%parallel_loop3A_413] in [0] : vector<16xf32>, vector<16xi32> -> vector<16xf32>
        %parallel_loop3A_415 = arith.addf %parallel_loop3A_404, %parallel_loop3A_414 : vector<16xf32>
        %parallel_loop3A_416 = arith.constant 0 : i32
        %parallel_loop3A_417 = vector.broadcast %parallel_loop3A_416 : i32 to vector<16xi32>
        %parallel_loop3A_418 = arith.cmpi slt, %xor3A_41, %parallel_loop3A_417 : vector<16xi32>
        %parallel_loop3A_419 = arith.constant 16 : i32
        %parallel_loop3A_420 = vector.broadcast %parallel_loop3A_419 : i32 to vector<16xi32>
        %parallel_loop3A_421 = arith.addi %xor3A_41, %parallel_loop3A_420 : vector<16xi32>
        %parallel_loop3A_422 = arith.select %parallel_loop3A_418, %parallel_loop3A_421, %xor3A_41 : vector<16xi1>, vector<16xi32>
        %parallel_loop3A_423 = vector.shape_cast %parallel_loop3A_422 : vector<16xi32> to vector<16x1xi32>
        %parallel_loop3A_424 = vector.shape_cast %parallel_loop3A_423 : vector<16x1xi32> to vector<16xi32>
        %parallel_loop3A_425 = tpu.dynamic_gather %parallel_loop3A_415[%parallel_loop3A_424] in [0] : vector<16xf32>, vector<16xi32> -> vector<16xf32>
        %parallel_loop3A_426 = arith.addf %parallel_loop3A_415, %parallel_loop3A_425 : vector<16xf32>
        %parallel_loop3A_427 = arith.constant 0 : i32
        %parallel_loop3A_428 = vector.broadcast %parallel_loop3A_427 : i32 to vector<16xi32>
        %parallel_loop3A_429 = arith.cmpi slt, %xor3A_44, %parallel_loop3A_428 : vector<16xi32>
        %parallel_loop3A_430 = arith.constant 16 : i32
        %parallel_loop3A_431 = vector.broadcast %parallel_loop3A_430 : i32 to vector<16xi32>
        %parallel_loop3A_432 = arith.addi %xor3A_44, %parallel_loop3A_431 : vector<16xi32>
        %parallel_loop3A_433 = arith.select %parallel_loop3A_429, %parallel_loop3A_432, %xor3A_44 : vector<16xi1>, vector<16xi32>
        %parallel_loop3A_434 = vector.shape_cast %parallel_loop3A_433 : vector<16xi32> to vector<16x1xi32>
        %parallel_loop3A_435 = vector.shape_cast %parallel_loop3A_434 : vector<16x1xi32> to vector<16xi32>
        %parallel_loop3A_436 = tpu.dynamic_gather %parallel_loop3A_426[%parallel_loop3A_435] in [0] : vector<16xf32>, vector<16xi32> -> vector<16xf32>
        %parallel_loop3A_437 = arith.addf %parallel_loop3A_426, %parallel_loop3A_436 : vector<16xf32>
        %parallel_loop3A_438 = arith.constant 0 : i32
        %parallel_loop3A_439 = vector.broadcast %parallel_loop3A_438 : i32 to vector<16xi32>
        %parallel_loop3A_440 = arith.cmpi slt, %xor3A_47, %parallel_loop3A_439 : vector<16xi32>
        %parallel_loop3A_441 = arith.constant 16 : i32
        %parallel_loop3A_442 = vector.broadcast %parallel_loop3A_441 : i32 to vector<16xi32>
        %parallel_loop3A_443 = arith.addi %xor3A_47, %parallel_loop3A_442 : vector<16xi32>
        %parallel_loop3A_444 = arith.select %parallel_loop3A_440, %parallel_loop3A_443, %xor3A_47 : vector<16xi1>, vector<16xi32>
        %parallel_loop3A_445 = vector.shape_cast %parallel_loop3A_444 : vector<16xi32> to vector<16x1xi32>
        %parallel_loop3A_446 = vector.shape_cast %parallel_loop3A_445 : vector<16x1xi32> to vector<16xi32>
        %parallel_loop3A_447 = tpu.dynamic_gather %parallel_loop3A_437[%parallel_loop3A_446] in [0] : vector<16xf32>, vector<16xi32> -> vector<16xf32>
        %parallel_loop3A_448 = arith.addf %parallel_loop3A_437, %parallel_loop3A_447 : vector<16xf32>
        %parallel_loop3A_449 = arith.subf %parallel_loop3A_448, %add3A_197 : vector<16xf32>
        %parallel_loop3A_450 = math.exp %parallel_loop3A_449 : vector<16xf32>
        %parallel_loop3A_451 = arith.index_cast %parallel_loop3A_347 : i32 to index
        %parallel_loop3A_452 = tpu.vector_load %arg10[%parallel_loop3A_451] {strides = array<i32>} : memref<336xi32, #tpu.memory_space<vmem>>, vector<16xi32>,
        %parallel_loop3A_453 = vector.shape_cast %parallel_loop3A_452 : vector<16xi32> to vector<16xi32>
        %parallel_loop3A_454 = vector.extract_strided_slice %parallel_loop3A_453 {offsets = [0], sizes = [1], strides = [1]} : vector<16xi32> to vector<1xi32>
        %parallel_loop3A_455 = vector.extract %parallel_loop3A_454[0] : i32 from vector<1xi32>
        %parallel_loop3A_456 = arith.subi %parallel_loop3A_455, %mul3A_2 : i32
        %parallel_loop3A_457 = arith.constant 16 : i32
        %parallel_loop3A_458 = arith.muli %parallel_loop3A_456, %parallel_loop3A_457 : i32
        %parallel_loop3A_459 = arith.index_cast %parallel_loop3A_458 : i32 to index
        %parallel_loop3A_460 = tpu.vector_load %arg14[%parallel_loop3A_459] {strides = array<i32>} : memref<5120xf32, #tpu.memory_space<vmem>>, vector<16xf32>,
        %parallel_loop3A_461 = vector.shape_cast %parallel_loop3A_460 : vector<16xf32> to vector<16xf32>
        %parallel_loop3A_462 = vector.shape_cast %parallel_loop3A_450 : vector<16xf32> to vector<16xf32>
        tpu.vector_store %arg14[%parallel_loop3A_459], %parallel_loop3A_462 {add = true, strides = array<i32>} : memref<5120xf32, #tpu.memory_space<vmem>>, vector<16xf32>,
        %parallel_loop3A_463 = arith.constant 128 : i32
        %parallel_loop3A_464 = arith.muli %parallel_loop3A_456, %parallel_loop3A_463 : i32
        %parallel_loop3A_465 = arith.constant 0 : i32
        %parallel_loop3A_466 = arith.addi %parallel_loop3A_464, %parallel_loop3A_465 : i32
        %parallel_loop3A_467 = arith.mulf %parallel_loop3A_450, %parallel_loop3A_354 : vector<16xf32>
        %parallel_loop3A_468 = arith.index_cast %parallel_loop3A_466 : i32 to index
        %parallel_loop3A_469 = tpu.vector_load %arg13[%parallel_loop3A_468] {strides = array<i32>} : memref<40960xf32, #tpu.memory_space<vmem>>, vector<16xf32>,
        %parallel_loop3A_470 = vector.shape_cast %parallel_loop3A_469 : vector<16xf32> to vector<16xf32>
        %parallel_loop3A_471 = vector.shape_cast %parallel_loop3A_467 : vector<16xf32> to vector<16xf32>
        tpu.vector_store %arg13[%parallel_loop3A_468], %parallel_loop3A_471 {add = true, strides = array<i32>} : memref<40960xf32, #tpu.memory_space<vmem>>, vector<16xf32>,
        %parallel_loop3A_472 = arith.constant 16 : i32
        %parallel_loop3A_473 = arith.addi %parallel_loop3A_464, %parallel_loop3A_472 : i32
        %parallel_loop3A_474 = arith.mulf %parallel_loop3A_450, %parallel_loop3A_359 : vector<16xf32>
        %parallel_loop3A_475 = arith.index_cast %parallel_loop3A_473 : i32 to index
        %parallel_loop3A_476 = tpu.vector_load %arg13[%parallel_loop3A_475] {strides = array<i32>} : memref<40960xf32, #tpu.memory_space<vmem>>, vector<16xf32>,
        %parallel_loop3A_477 = vector.shape_cast %parallel_loop3A_476 : vector<16xf32> to vector<16xf32>
        %parallel_loop3A_478 = vector.shape_cast %parallel_loop3A_474 : vector<16xf32> to vector<16xf32>
        tpu.vector_store %arg13[%parallel_loop3A_475], %parallel_loop3A_478 {add = true, strides = array<i32>} : memref<40960xf32, #tpu.memory_space<vmem>>, vector<16xf32>,
        %parallel_loop3A_479 = arith.constant 32 : i32
        %parallel_loop3A_480 = arith.addi %parallel_loop3A_464, %parallel_loop3A_479 : i32
        %parallel_loop3A_481 = arith.mulf %parallel_loop3A_450, %parallel_loop3A_364 : vector<16xf32>
        %parallel_loop3A_482 = arith.index_cast %parallel_loop3A_480 : i32 to index
        %parallel_loop3A_483 = tpu.vector_load %arg13[%parallel_loop3A_482] {strides = array<i32>} : memref<40960xf32, #tpu.memory_space<vmem>>, vector<16xf32>,
        %parallel_loop3A_484 = vector.shape_cast %parallel_loop3A_483 : vector<16xf32> to vector<16xf32>
        %parallel_loop3A_485 = vector.shape_cast %parallel_loop3A_481 : vector<16xf32> to vector<16xf32>
        tpu.vector_store %arg13[%parallel_loop3A_482], %parallel_loop3A_485 {add = true, strides = array<i32>} : memref<40960xf32, #tpu.memory_space<vmem>>, vector<16xf32>,
        %parallel_loop3A_486 = arith.constant 48 : i32
        %parallel_loop3A_487 = arith.addi %parallel_loop3A_464, %parallel_loop3A_486 : i32
        %parallel_loop3A_488 = arith.mulf %parallel_loop3A_450, %parallel_loop3A_369 : vector<16xf32>
        %parallel_loop3A_489 = arith.index_cast %parallel_loop3A_487 : i32 to index
        %parallel_loop3A_490 = tpu.vector_load %arg13[%parallel_loop3A_489] {strides = array<i32>} : memref<40960xf32, #tpu.memory_space<vmem>>, vector<16xf32>,
        %parallel_loop3A_491 = vector.shape_cast %parallel_loop3A_490 : vector<16xf32> to vector<16xf32>
        %parallel_loop3A_492 = vector.shape_cast %parallel_loop3A_488 : vector<16xf32> to vector<16xf32>
        tpu.vector_store %arg13[%parallel_loop3A_489], %parallel_loop3A_492 {add = true, strides = array<i32>} : memref<40960xf32, #tpu.memory_space<vmem>>, vector<16xf32>,
        %parallel_loop3A_493 = arith.constant 64 : i32
        %parallel_loop3A_494 = arith.addi %parallel_loop3A_464, %parallel_loop3A_493 : i32
        %parallel_loop3A_495 = arith.mulf %parallel_loop3A_450, %parallel_loop3A_374 : vector<16xf32>
        %parallel_loop3A_496 = arith.index_cast %parallel_loop3A_494 : i32 to index
        %parallel_loop3A_497 = tpu.vector_load %arg13[%parallel_loop3A_496] {strides = array<i32>} : memref<40960xf32, #tpu.memory_space<vmem>>, vector<16xf32>,
        %parallel_loop3A_498 = vector.shape_cast %parallel_loop3A_497 : vector<16xf32> to vector<16xf32>
        %parallel_loop3A_499 = vector.shape_cast %parallel_loop3A_495 : vector<16xf32> to vector<16xf32>
        tpu.vector_store %arg13[%parallel_loop3A_496], %parallel_loop3A_499 {add = true, strides = array<i32>} : memref<40960xf32, #tpu.memory_space<vmem>>, vector<16xf32>,
        %parallel_loop3A_500 = arith.constant 80 : i32
        %parallel_loop3A_501 = arith.addi %parallel_loop3A_464, %parallel_loop3A_500 : i32
        %parallel_loop3A_502 = arith.mulf %parallel_loop3A_450, %parallel_loop3A_379 : vector<16xf32>
        %parallel_loop3A_503 = arith.index_cast %parallel_loop3A_501 : i32 to index
        %parallel_loop3A_504 = tpu.vector_load %arg13[%parallel_loop3A_503] {strides = array<i32>} : memref<40960xf32, #tpu.memory_space<vmem>>, vector<16xf32>,
        %parallel_loop3A_505 = vector.shape_cast %parallel_loop3A_504 : vector<16xf32> to vector<16xf32>
        %parallel_loop3A_506 = vector.shape_cast %parallel_loop3A_502 : vector<16xf32> to vector<16xf32>
        tpu.vector_store %arg13[%parallel_loop3A_503], %parallel_loop3A_506 {add = true, strides = array<i32>} : memref<40960xf32, #tpu.memory_space<vmem>>, vector<16xf32>,
        %parallel_loop3A_507 = arith.constant 96 : i32
        %parallel_loop3A_508 = arith.addi %parallel_loop3A_464, %parallel_loop3A_507 : i32
        %parallel_loop3A_509 = arith.mulf %parallel_loop3A_450, %parallel_loop3A_384 : vector<16xf32>
        %parallel_loop3A_510 = arith.index_cast %parallel_loop3A_508 : i32 to index
        %parallel_loop3A_511 = tpu.vector_load %arg13[%parallel_loop3A_510] {strides = array<i32>} : memref<40960xf32, #tpu.memory_space<vmem>>, vector<16xf32>,
        %parallel_loop3A_512 = vector.shape_cast %parallel_loop3A_511 : vector<16xf32> to vector<16xf32>
        %parallel_loop3A_513 = vector.shape_cast %parallel_loop3A_509 : vector<16xf32> to vector<16xf32>
        tpu.vector_store %arg13[%parallel_loop3A_510], %parallel_loop3A_513 {add = true, strides = array<i32>} : memref<40960xf32, #tpu.memory_space<vmem>>, vector<16xf32>,
        %parallel_loop3A_514 = arith.constant 112 : i32
        %parallel_loop3A_515 = arith.addi %parallel_loop3A_464, %parallel_loop3A_514 : i32
        %parallel_loop3A_516 = arith.mulf %parallel_loop3A_450, %parallel_loop3A_389 : vector<16xf32>
        %parallel_loop3A_517 = arith.index_cast %parallel_loop3A_515 : i32 to index
        %parallel_loop3A_518 = tpu.vector_load %arg13[%parallel_loop3A_517] {strides = array<i32>} : memref<40960xf32, #tpu.memory_space<vmem>>, vector<16xf32>,
        %parallel_loop3A_519 = vector.shape_cast %parallel_loop3A_518 : vector<16xf32> to vector<16xf32>
        %parallel_loop3A_520 = vector.shape_cast %parallel_loop3A_516 : vector<16xf32> to vector<16xf32>
        tpu.vector_store %arg13[%parallel_loop3A_517], %parallel_loop3A_520 {add = true, strides = array<i32>} : memref<40960xf32, #tpu.memory_space<vmem>>, vector<16xf32>,
      } {sc.loop_unroll_factor = 16 : i64, sc.parallel_access}
    }
    %dma_wait3A = arith.constant 0 : i32
    %dma_wait3A_246 = tpu.memref_slice %arg2[%dma_wait3A] : memref<40960000xf32, #tpu.memory_space<hbm>> -> memref<40960xf32, #tpu.memory_space<hbm>>
    %dma_wait3A_247 = arith.constant 0 : i32
    %dma_wait3A_248 = tpu.memref_slice %arg2[%dma_wait3A_247] : memref<40960000xf32, #tpu.memory_space<hbm>> -> memref<40960xf32, #tpu.memory_space<hbm>>
    tpu.wait_dma2 semaphore(%arg16 : memref<!tpu.dma_semaphore, #tpu.memory_space<semaphore_mem>>) src(%dma_wait3A_248 : memref<40960xf32, #tpu.memory_space<hbm>>) dst(%arg7 : memref<40960xf32, #tpu.memory_space<vmem>>)
    %dma_wait3A_249 = arith.constant 0 : i32
    %dma_wait3A_250 = tpu.memref_slice %arg9[%dma_wait3A_249] : memref<336xi32, #tpu.memory_space<vmem>> -> memref<320xi32, #tpu.memory_space<vmem>>
    %dma_wait3A_251 = arith.constant 0 : i32
    %dma_wait3A_252 = tpu.memref_slice %arg3[%dma_wait3A_251] : memref<320000xi32, #tpu.memory_space<hbm>> -> memref<320xi32, #tpu.memory_space<hbm>>
    %dma_wait3A_253 = arith.constant 0 : i32
    %dma_wait3A_254 = tpu.memref_slice %arg9[%dma_wait3A_253] : memref<336xi32, #tpu.memory_space<vmem>> -> memref<320xi32, #tpu.memory_space<vmem>>
    %dma_wait3A_255 = arith.constant 0 : i32
    %dma_wait3A_256 = tpu.memref_slice %arg3[%dma_wait3A_255] : memref<320000xi32, #tpu.memory_space<hbm>> -> memref<320xi32, #tpu.memory_space<hbm>>
    tpu.wait_dma2 semaphore(%arg16 : memref<!tpu.dma_semaphore, #tpu.memory_space<semaphore_mem>>) src(%dma_wait3A_256 : memref<320xi32, #tpu.memory_space<hbm>>) dst(%dma_wait3A_254 : memref<320xi32, #tpu.memory_space<vmem>>)
    %parallel_loop3A_257 = arith.constant 0 : i32
    %parallel_loop3A_258 = arith.constant 320 : i32
    %parallel_loop3A_259 = arith.constant 1 : i32
    scf.for %parallel_loop3A_262 = %parallel_loop3A_257 to %parallel_loop3A_258 step %parallel_loop3A_259  : i32 {
      %parallel_loop3A_263 = arith.constant 16 : i32
      %parallel_loop3A_264 = arith.muli %parallel_loop3A_262, %parallel_loop3A_263 : i32
      %parallel_loop3A_265 = arith.index_cast %parallel_loop3A_264 : i32 to index
      %parallel_loop3A_266 = tpu.vector_load %arg14[%parallel_loop3A_265] {strides = array<i32>} : memref<5120xf32, #tpu.memory_space<vmem>>, vector<16xf32>,
      %parallel_loop3A_267 = vector.shape_cast %parallel_loop3A_266 : vector<16xf32> to vector<16xf32>
      %parallel_loop3A_268 = arith.constant 0.000000e+00 : f32
      %parallel_loop3A_269 = vector.broadcast %parallel_loop3A_268 : f32 to vector<16xf32>
      %parallel_loop3A_270 = arith.cmpf ogt, %parallel_loop3A_267, %parallel_loop3A_269 : vector<16xf32>
      %parallel_loop3A_271 = arith.constant 1.000000e+00 : f32
      %parallel_loop3A_272 = vector.broadcast %parallel_loop3A_271 : f32 to vector<16xf32>
      %parallel_loop3A_273 = arith.divf %parallel_loop3A_272, %parallel_loop3A_267 : vector<16xf32>
      %parallel_loop3A_274 = arith.constant 0.000000e+00 : f32
      %parallel_loop3A_275 = vector.broadcast %parallel_loop3A_274 : f32 to vector<16xf32>
      %parallel_loop3A_276 = arith.select %parallel_loop3A_270, %parallel_loop3A_273, %parallel_loop3A_275 : vector<16xi1>, vector<16xf32>
      %parallel_loop3A_277 = arith.constant 128 : i32
      %parallel_loop3A_278 = arith.muli %parallel_loop3A_262, %parallel_loop3A_277 : i32
      %parallel_loop3A_279 = arith.constant 0 : i32
      %parallel_loop3A_280 = arith.addi %parallel_loop3A_278, %parallel_loop3A_279 : i32
      %parallel_loop3A_281 = arith.index_cast %parallel_loop3A_280 : i32 to index
      %parallel_loop3A_282 = tpu.vector_load %arg13[%parallel_loop3A_281] {strides = array<i32>} : memref<40960xf32, #tpu.memory_space<vmem>>, vector<16xf32>,
      %parallel_loop3A_283 = vector.shape_cast %parallel_loop3A_282 : vector<16xf32> to vector<16xf32>
      %parallel_loop3A_284 = arith.mulf %parallel_loop3A_283, %parallel_loop3A_276 : vector<16xf32>
      %parallel_loop3A_285 = arith.constant 0 : i32
      %parallel_loop3A_286 = arith.addi %parallel_loop3A_278, %parallel_loop3A_285 : i32
      %parallel_loop3A_287 = arith.index_cast %parallel_loop3A_286 : i32 to index
      %parallel_loop3A_288 = tpu.vector_load %arg13[%parallel_loop3A_287] {strides = array<i32>} : memref<40960xf32, #tpu.memory_space<vmem>>, vector<16xf32>,
      %parallel_loop3A_289 = vector.shape_cast %parallel_loop3A_288 : vector<16xf32> to vector<16xf32>
      %parallel_loop3A_290 = vector.shape_cast %parallel_loop3A_284 : vector<16xf32> to vector<16xf32>
      tpu.vector_store %arg13[%parallel_loop3A_287], %parallel_loop3A_290 {strides = array<i32>} : memref<40960xf32, #tpu.memory_space<vmem>>, vector<16xf32>,
      %parallel_loop3A_291 = arith.constant 16 : i32
      %parallel_loop3A_292 = arith.addi %parallel_loop3A_278, %parallel_loop3A_291 : i32
      %parallel_loop3A_293 = arith.index_cast %parallel_loop3A_292 : i32 to index
      %parallel_loop3A_294 = tpu.vector_load %arg13[%parallel_loop3A_293] {strides = array<i32>} : memref<40960xf32, #tpu.memory_space<vmem>>, vector<16xf32>,
      %parallel_loop3A_295 = vector.shape_cast %parallel_loop3A_294 : vector<16xf32> to vector<16xf32>
      %parallel_loop3A_296 = arith.mulf %parallel_loop3A_295, %parallel_loop3A_276 : vector<16xf32>
      %parallel_loop3A_297 = arith.constant 16 : i32
      %parallel_loop3A_298 = arith.addi %parallel_loop3A_278, %parallel_loop3A_297 : i32
      %parallel_loop3A_299 = arith.index_cast %parallel_loop3A_298 : i32 to index
      %parallel_loop3A_300 = tpu.vector_load %arg13[%parallel_loop3A_299] {strides = array<i32>} : memref<40960xf32, #tpu.memory_space<vmem>>, vector<16xf32>,
      %parallel_loop3A_301 = vector.shape_cast %parallel_loop3A_300 : vector<16xf32> to vector<16xf32>
      %parallel_loop3A_302 = vector.shape_cast %parallel_loop3A_296 : vector<16xf32> to vector<16xf32>
      tpu.vector_store %arg13[%parallel_loop3A_299], %parallel_loop3A_302 {strides = array<i32>} : memref<40960xf32, #tpu.memory_space<vmem>>, vector<16xf32>,
      %parallel_loop3A_303 = arith.constant 32 : i32
      %parallel_loop3A_304 = arith.addi %parallel_loop3A_278, %parallel_loop3A_303 : i32
      %parallel_loop3A_305 = arith.index_cast %parallel_loop3A_304 : i32 to index
      %parallel_loop3A_306 = tpu.vector_load %arg13[%parallel_loop3A_305] {strides = array<i32>} : memref<40960xf32, #tpu.memory_space<vmem>>, vector<16xf32>,
      %parallel_loop3A_307 = vector.shape_cast %parallel_loop3A_306 : vector<16xf32> to vector<16xf32>
      %parallel_loop3A_308 = arith.mulf %parallel_loop3A_307, %parallel_loop3A_276 : vector<16xf32>
      %parallel_loop3A_309 = arith.constant 32 : i32
      %parallel_loop3A_310 = arith.addi %parallel_loop3A_278, %parallel_loop3A_309 : i32
      %parallel_loop3A_311 = arith.index_cast %parallel_loop3A_310 : i32 to index
      %parallel_loop3A_312 = tpu.vector_load %arg13[%parallel_loop3A_311] {strides = array<i32>} : memref<40960xf32, #tpu.memory_space<vmem>>, vector<16xf32>,
      %parallel_loop3A_313 = vector.shape_cast %parallel_loop3A_312 : vector<16xf32> to vector<16xf32>
      %parallel_loop3A_314 = vector.shape_cast %parallel_loop3A_308 : vector<16xf32> to vector<16xf32>
      tpu.vector_store %arg13[%parallel_loop3A_311], %parallel_loop3A_314 {strides = array<i32>} : memref<40960xf32, #tpu.memory_space<vmem>>, vector<16xf32>,
      %parallel_loop3A_315 = arith.constant 48 : i32
      %parallel_loop3A_316 = arith.addi %parallel_loop3A_278, %parallel_loop3A_315 : i32
      %parallel_loop3A_317 = arith.index_cast %parallel_loop3A_316 : i32 to index
      %parallel_loop3A_318 = tpu.vector_load %arg13[%parallel_loop3A_317] {strides = array<i32>} : memref<40960xf32, #tpu.memory_space<vmem>>, vector<16xf32>,
      %parallel_loop3A_319 = vector.shape_cast %parallel_loop3A_318 : vector<16xf32> to vector<16xf32>
      %parallel_loop3A_320 = arith.mulf %parallel_loop3A_319, %parallel_loop3A_276 : vector<16xf32>
      %parallel_loop3A_321 = arith.constant 48 : i32
      %parallel_loop3A_322 = arith.addi %parallel_loop3A_278, %parallel_loop3A_321 : i32
      %parallel_loop3A_323 = arith.index_cast %parallel_loop3A_322 : i32 to index
      %parallel_loop3A_324 = tpu.vector_load %arg13[%parallel_loop3A_323] {strides = array<i32>} : memref<40960xf32, #tpu.memory_space<vmem>>, vector<16xf32>,
      %parallel_loop3A_325 = vector.shape_cast %parallel_loop3A_324 : vector<16xf32> to vector<16xf32>
      %parallel_loop3A_326 = vector.shape_cast %parallel_loop3A_320 : vector<16xf32> to vector<16xf32>
      tpu.vector_store %arg13[%parallel_loop3A_323], %parallel_loop3A_326 {strides = array<i32>} : memref<40960xf32, #tpu.memory_space<vmem>>, vector<16xf32>,
      %parallel_loop3A_327 = arith.constant 64 : i32
      %parallel_loop3A_328 = arith.addi %parallel_loop3A_278, %parallel_loop3A_327 : i32
      %parallel_loop3A_329 = arith.index_cast %parallel_loop3A_328 : i32 to index
      %parallel_loop3A_330 = tpu.vector_load %arg13[%parallel_loop3A_329] {strides = array<i32>} : memref<40960xf32, #tpu.memory_space<vmem>>, vector<16xf32>,
      %parallel_loop3A_331 = vector.shape_cast %parallel_loop3A_330 : vector<16xf32> to vector<16xf32>
      %parallel_loop3A_332 = arith.mulf %parallel_loop3A_331, %parallel_loop3A_276 : vector<16xf32>
      %parallel_loop3A_333 = arith.constant 64 : i32
      %parallel_loop3A_334 = arith.addi %parallel_loop3A_278, %parallel_loop3A_333 : i32
      %parallel_loop3A_335 = arith.index_cast %parallel_loop3A_334 : i32 to index
      %parallel_loop3A_336 = tpu.vector_load %arg13[%parallel_loop3A_335] {strides = array<i32>} : memref<40960xf32, #tpu.memory_space<vmem>>, vector<16xf32>,
      %parallel_loop3A_337 = vector.shape_cast %parallel_loop3A_336 : vector<16xf32> to vector<16xf32>
      %parallel_loop3A_338 = vector.shape_cast %parallel_loop3A_332 : vector<16xf32> to vector<16xf32>
      tpu.vector_store %arg13[%parallel_loop3A_335], %parallel_loop3A_338 {strides = array<i32>} : memref<40960xf32, #tpu.memory_space<vmem>>, vector<16xf32>,
      %parallel_loop3A_339 = arith.constant 80 : i32
      %parallel_loop3A_340 = arith.addi %parallel_loop3A_278, %parallel_loop3A_339 : i32
      %parallel_loop3A_341 = arith.index_cast %parallel_loop3A_340 : i32 to index
      %parallel_loop3A_342 = tpu.vector_load %arg13[%parallel_loop3A_341] {strides = array<i32>} : memref<40960xf32, #tpu.memory_space<vmem>>, vector<16xf32>,
      %parallel_loop3A_343 = vector.shape_cast %parallel_loop3A_342 : vector<16xf32> to vector<16xf32>
      %parallel_loop3A_344 = arith.mulf %parallel_loop3A_343, %parallel_loop3A_276 : vector<16xf32>
      %parallel_loop3A_345 = arith.constant 80 : i32
      %parallel_loop3A_346 = arith.addi %parallel_loop3A_278, %parallel_loop3A_345 : i32
      %parallel_loop3A_347 = arith.index_cast %parallel_loop3A_346 : i32 to index
      %parallel_loop3A_348 = tpu.vector_load %arg13[%parallel_loop3A_347] {strides = array<i32>} : memref<40960xf32, #tpu.memory_space<vmem>>, vector<16xf32>,
      %parallel_loop3A_349 = vector.shape_cast %parallel_loop3A_348 : vector<16xf32> to vector<16xf32>
      %parallel_loop3A_350 = vector.shape_cast %parallel_loop3A_344 : vector<16xf32> to vector<16xf32>
      tpu.vector_store %arg13[%parallel_loop3A_347], %parallel_loop3A_350 {strides = array<i32>} : memref<40960xf32, #tpu.memory_space<vmem>>, vector<16xf32>,
      %parallel_loop3A_351 = arith.constant 96 : i32
      %parallel_loop3A_352 = arith.addi %parallel_loop3A_278, %parallel_loop3A_351 : i32
      %parallel_loop3A_353 = arith.index_cast %parallel_loop3A_352 : i32 to index
      %parallel_loop3A_354 = tpu.vector_load %arg13[%parallel_loop3A_353] {strides = array<i32>} : memref<40960xf32, #tpu.memory_space<vmem>>, vector<16xf32>,
      %parallel_loop3A_355 = vector.shape_cast %parallel_loop3A_354 : vector<16xf32> to vector<16xf32>
      %parallel_loop3A_356 = arith.mulf %parallel_loop3A_355, %parallel_loop3A_276 : vector<16xf32>
      %parallel_loop3A_357 = arith.constant 96 : i32
      %parallel_loop3A_358 = arith.addi %parallel_loop3A_278, %parallel_loop3A_357 : i32
      %parallel_loop3A_359 = arith.index_cast %parallel_loop3A_358 : i32 to index
      %parallel_loop3A_360 = tpu.vector_load %arg13[%parallel_loop3A_359] {strides = array<i32>} : memref<40960xf32, #tpu.memory_space<vmem>>, vector<16xf32>,
      %parallel_loop3A_361 = vector.shape_cast %parallel_loop3A_360 : vector<16xf32> to vector<16xf32>
      %parallel_loop3A_362 = vector.shape_cast %parallel_loop3A_356 : vector<16xf32> to vector<16xf32>
      tpu.vector_store %arg13[%parallel_loop3A_359], %parallel_loop3A_362 {strides = array<i32>} : memref<40960xf32, #tpu.memory_space<vmem>>, vector<16xf32>,
      %parallel_loop3A_363 = arith.constant 112 : i32
      %parallel_loop3A_364 = arith.addi %parallel_loop3A_278, %parallel_loop3A_363 : i32
      %parallel_loop3A_365 = arith.index_cast %parallel_loop3A_364 : i32 to index
      %parallel_loop3A_366 = tpu.vector_load %arg13[%parallel_loop3A_365] {strides = array<i32>} : memref<40960xf32, #tpu.memory_space<vmem>>, vector<16xf32>,
      %parallel_loop3A_367 = vector.shape_cast %parallel_loop3A_366 : vector<16xf32> to vector<16xf32>
      %parallel_loop3A_368 = arith.mulf %parallel_loop3A_367, %parallel_loop3A_276 : vector<16xf32>
      %parallel_loop3A_369 = arith.constant 112 : i32
      %parallel_loop3A_370 = arith.addi %parallel_loop3A_278, %parallel_loop3A_369 : i32
      %parallel_loop3A_371 = arith.index_cast %parallel_loop3A_370 : i32 to index
      %parallel_loop3A_372 = tpu.vector_load %arg13[%parallel_loop3A_371] {strides = array<i32>} : memref<40960xf32, #tpu.memory_space<vmem>>, vector<16xf32>,
      %parallel_loop3A_373 = vector.shape_cast %parallel_loop3A_372 : vector<16xf32> to vector<16xf32>
      %parallel_loop3A_374 = vector.shape_cast %parallel_loop3A_368 : vector<16xf32> to vector<16xf32>
      tpu.vector_store %arg13[%parallel_loop3A_371], %parallel_loop3A_374 {strides = array<i32>} : memref<40960xf32, #tpu.memory_space<vmem>>, vector<16xf32>,
    } {sc.loop_unroll_factor = 4 : i64, sc.parallel_access}
    %mul3A_260 = arith.constant 128 : i32
    %mul3A_261 = arith.muli %mul3A_2, %mul3A_260 : i32
    "tpu.region"() ({
      %run_scoped3A = tpu.sem_alloc : memref<!tpu.dma_semaphore, #tpu.memory_space<semaphore_mem>>
      %dma_start3A_262 = tpu.memref_slice %arg6[%mul3A_261] : memref<1310720xf32, #tpu.memory_space<hbm>> -> memref<40960xf32, #tpu.memory_space<hbm>>
      %dma_start3A_263 = tpu.memref_slice %arg6[%mul3A_261] : memref<1310720xf32, #tpu.memory_space<hbm>> -> memref<40960xf32, #tpu.memory_space<hbm>>
      tpu.enqueue_dma source(%arg13 : memref<40960xf32, #tpu.memory_space<vmem>>) target(%dma_start3A_263 : memref<40960xf32, #tpu.memory_space<hbm>>) target_semaphore(%run_scoped3A : memref<!tpu.dma_semaphore, #tpu.memory_space<semaphore_mem>>)
      %dma_wait3A_264 = tpu.memref_slice %arg6[%mul3A_261] : memref<1310720xf32, #tpu.memory_space<hbm>> -> memref<40960xf32, #tpu.memory_space<hbm>>
      %dma_wait3A_265 = tpu.memref_slice %arg6[%mul3A_261] : memref<1310720xf32, #tpu.memory_space<hbm>> -> memref<40960xf32, #tpu.memory_space<hbm>>
      tpu.wait_dma2 semaphore(%run_scoped3A : memref<!tpu.dma_semaphore, #tpu.memory_space<semaphore_mem>>) src(%arg13 : memref<40960xf32, #tpu.memory_space<vmem>>) dst(%dma_wait3A_265 : memref<40960xf32, #tpu.memory_space<hbm>>)
      tpu.yield
    }) : () -> ()
    return
  }
}

module attributes {stable_mosaic.version = 14 : i64} {
  func.func @mm(%arg0: i32, %arg1: memref<400x128xf32, #tpu.memory_space<vmem>>, %arg2: memref<128x128xf32, #tpu.memory_space<vmem>>, %arg3: memref<1x128xf32, #tpu.memory_space<vmem>>, %arg4: memref<400x128xf32, #tpu.memory_space<vmem>>) attributes {dimension_semantics = [#tpu.dimension_semantics<arbitrary>], iteration_bounds = array<i64: 25>, scalar_prefetch = 0 : i64, scratch_operands = 0 : i64, tpu.core_type = #tpu.core_type<tc>, window_params = [{transform_indices = @transform_0, window_bounds = array<i64: 400, 128>}, {pipeline_mode = #tpu.pipeline_mode<synchronous>, transform_indices = @transform_1, window_bounds = array<i64: 128, 128>}, {pipeline_mode = #tpu.pipeline_mode<synchronous>, transform_indices = @transform_2, window_bounds = array<i64: 1, 128>}, {transform_indices = @transform_3, window_bounds = array<i64: 400, 128>}]} {
    %get3A = arith.constant 0 : index
    %get3A_0 = arith.constant 0 : index
    %get3A_1 = vector.load %arg1[%get3A, %get3A_0] : memref<400x128xf32, #tpu.memory_space<vmem>>, vector<400x128xf32>
    %get3A_2 = arith.constant 0 : index
    %get3A_3 = arith.constant 0 : index
    %get3A_4 = vector.load %arg2[%get3A_2, %get3A_3] : memref<128x128xf32, #tpu.memory_space<vmem>>, vector<128x128xf32>
    %dot_general3A = arith.constant dense<0.000000e+00> : vector<400x128xf32>
    %dot_general3A_5 = tpu.matmul %get3A_1, %get3A_4, %dot_general3A {dimension_numbers = #tpu.dot_dimension_numbers<[1], [0], [0], [1], [0, 0, 1, 1], [], []>, transpose_lhs_hint = false} : vector<400x128xf32>, vector<128x128xf32>, vector<400x128xf32> -> vector<400x128xf32>
    %get3A_6 = arith.constant 0 : index
    %get3A_7 = arith.constant 0 : index
    %get3A_8 = vector.load %arg3[%get3A_6, %get3A_7] : memref<1x128xf32, #tpu.memory_space<vmem>>, vector<1x128xf32>
    %add3A = vector.broadcast %get3A_8 : vector<1x128xf32> to vector<400x128xf32>
    %add3A_9 = arith.addf %dot_general3A_5, %add3A : vector<400x128xf32>
    %swap3A = arith.constant 0 : index
    %swap3A_10 = arith.constant 0 : index
    %swap3A_11 = vector.load %arg4[%swap3A, %swap3A_10] : memref<400x128xf32, #tpu.memory_space<vmem>>, vector<400x128xf32>
    tpu.vector_store %arg4[%swap3A, %swap3A_10], %add3A_9 {strides = array<i32>} : memref<400x128xf32, #tpu.memory_space<vmem>>, vector<400x128xf32>,
    return
  }
  func.func @transform_0(%arg0: i32) -> (i32, i32) {
    %c0_i32 = arith.constant 0 : i32
    %c0_i32_0 = arith.constant 0 : i32
    return %arg0, %c0_i32 : i32, i32
  }
  func.func @transform_1(%arg0: i32) -> (i32, i32) {
    %c0_i32 = arith.constant 0 : i32
    %c0_i32_0 = arith.constant 0 : i32
    %c0_i32_1 = arith.constant 0 : i32
    return %c0_i32, %c0_i32_0 : i32, i32
  }
  func.func @transform_2(%arg0: i32) -> (i32, i32) {
    %c0_i32 = arith.constant 0 : i32
    %c0_i32_0 = arith.constant 0 : i32
    %c0_i32_1 = arith.constant 0 : i32
    return %c0_i32, %c0_i32_0 : i32, i32
  }
  func.func @transform_3(%arg0: i32) -> (i32, i32) {
    %c0_i32 = arith.constant 0 : i32
    %c0_i32_0 = arith.constant 0 : i32
    return %arg0, %c0_i32 : i32, i32
  }
}

</mosaic_0001>

<sc_bundles>
// kernel: kernel.4.cloned.1.call-start
scs
__scs_entry_jumppad:
0x0: {  	(pc) =	sbr.rel $0x88, $3  }
0x1: {  	(tag) =	ssettag $0x0;
	lr =	simm.s32 $0x1  }
0x2: {  	[smem:$0x3F9C] =	sst lr;
	_ =	strace $0xD0000000  }
0x3: {  	_ = 	snop  }
0x4: {  	_ = 	snop  }
0x5: {  	_ = 	snop  }
0x6: {  	_ = 	snop  }
0x7: {  	_ = 	snop  }
__scs_overlays_trampoline_lowered:
0x8: {  	[smem:$0x3FAB] =	sst s0  }
0x9: {  	[smem:$0x3FAC] =	sst s1  }
0xa: {  	[smem:$0x3FAD] =	sst s2  }
0xb: {  	[smem:$0x3FAE] =	sst s3  }
0xc: {  	[smem:$0x3FAF] =	sst s4  }
0xd: {  	[smem:$0x3FB0] =	sst s5  }
0xe: {  	[smem:$0x3FB1] =	sst s6  }
0xf: {  	[smem:$0x3FB2] =	sst s7  }
0x10: {  	[smem:$0x3FB3] =	sst s8  }
0x11: {  	[smem:$0x3FB4] =	sst s9;
	s0 =	simm.s32 @!p0 $0x0  }
0x12: {  	s1 =	sld [smem:$0x3F9A];
	s0 =	simm.s32 @p0 $0x1  }
0x13: {  	[smem:$0x3FB5] =	sst s0;
	s0 =	simm.s32 @!p1 $0x0  }
0x14: {  	s2 =	sld [smem:$0x3F99];
	s0 =	simm.s32 @p1 $0x1  }
0x15: {  	[smem:$0x3FB6] =	sst s0;
	s0 =	simm.s32 @!p2 $0x0  }
0x16: {  	s3 =	sld [smem:$0x3FDB];
	s0 =	simm.s32 @p2 $0x1  }
0x17: {  	s4 =	simm.s32 $0x1BF5;
	[smem:$0x3FB8] =	sst s0  }
0x18: {  	s0 =	sld [smem:$0x3F9B];
	_ =	swait.ge [sflag:s4], $0x0  }
0x19: {  	s7 =	sld [smem:$0x3F9C]  }
0x1a: {  	s8 =	sadd.s32 $0xFFFFE003, lr  }
0x1b: {  	s9 =	sadd.s32 $0xFFFFFEF7, lr;
	s5 =	simm.s32 $0xFFFFFFFF;
	p2 =	slt.u32 s8, $0xFFFFF086  }
0x1c: {  	p1 =	slt.u32 s9, $0xF7A;
	s5 =	simm.s32 @!p2 $0x0  }
0x1d: {  	s5 =	simm.s32 @p1 $0x1;
	p0 =	seq.s32 s7, s2  }
0x1e: {  	s7 =	smul.u32 @!p0 $0xF7A, s2;
	p2 =	seq.s32 @!p0 s5, $0x0  }
0x1f: {  	s9 =	smul.u32 $0xF7A, s1;
	s8 =	simm.s32 @!p0 $0x1BF5;
	p2 =	por !p2, p0  }
0x20: {  	[sflag:s8] =	ssyncset.s32 @!p0 $0xFFFFF086;
	s6 =	sadd.s32 @!p0 s3, s7;
	s7 =	simm.s32 @!p0 $0x108  }
0x21: {  	s3 =	sadd.s32 s3, s9;
	s6 =	sadd.s32 @!p0 $0x88, s6;
	s7 =	simm.s32 @p2 $0x1082  }
0x22: {  	[simem:s7], [sflag:s8] =	dma.local @!p0 [hbm:s6], $0xF7A  }
0x23: {  	s9 =	sor.u32 $0xD0000000, s2;
	s6 =	simm.s32 $0x108;
	_ =	swait.ge @!p0 [sflag:s8], $0x0  }
0x24: {  	s3 =	sadd.s32 $0x88, s3;
	s6 =	simm.s32 @!p1 $0x1082;
	[sflag:s4] =	ssyncset.s32 $0xFFFFF086  }
0x25: {  	[simem:s6], [sflag:s4] =	dma.local [hbm:s3], $0xF7A  }
0x26: {  	[smem:$0x3F9C] =	sst s1;
	(tag) =	ssettag s2;
	_ =	strace s9  }
0x27: {  	s1 =	sld [smem:$0x3FAC]  }
0x28: {  	s2 =	sld [smem:$0x3FAD]  }
0x29: {  	s4 =	sld [smem:$0x3FAF]  }
0x2a: {  	p0 =	seq.s32 s5, $0x0;
	s5 =	sld [smem:$0x3FB0]  }
0x2b: {  	s6 =	sld [smem:$0x3FB1]  }
0x2c: {  	s7 =	sld [smem:$0x3FB2]  }
0x2d: {  	s3 =	simm.s32 $0x108;
	s8 =	sld [smem:$0x3FB3]  }
0x2e: {  	s3 =	simm.s32 @!p0 $0x1082;
	s9 =	sld [smem:$0x3FB4]  }
0x2f: {  	lr =	sadd.s32 s0, s3;
	s0 =	sld [smem:$0x3FAB]  }
0x30: {  	s3 =	sld [smem:$0x3FAE]  }
0x31: {  	[smem:$0x3FB7] =	sst s10  }
0x32: {  	s10 =	sld [smem:$0x3FB5];
	_ =	sdelay $0x3  }
0x33: {  	p0 =	seq.s32 s10, $0x1;
	s10 =	sld [smem:$0x3FB7];
	_ =	sdelay $0x3  }
0x34: {  	[smem:$0x3FB7] =	sst s10  }
0x35: {  	s10 =	sld [smem:$0x3FB6];
	_ =	sdelay $0x3  }
0x36: {  	p1 =	seq.s32 s10, $0x1;
	s10 =	sld [smem:$0x3FB7];
	_ =	sdelay $0x3  }
0x37: {  	[smem:$0x3FB7] =	sst s10  }
0x38: {  	s10 =	sld [smem:$0x3FB8]  }
0x39: {  	_ = 	snop;
	(pc) =	sbr.ind lr, $3  }
0x3a: {  	_ = 	snop  }
0x3b: {  	_ = 	snop  }
0x3c: {  	p2 =	seq.s32 s10, $0x1;
	s10 =	sld [smem:$0x3FB7]  }
0x3d: {  	_ =	shalt  }
0x3e: {  	_ =	shalt  }
0x3f: {  	_ =	shalt  }
0x40: {  	_ =	shalt  }
0x41: {  	_ =	shalt  }
0x42: {  	_ =	shalt  }
0x43: {  	_ =	shalt  }
0x44: {  	_ =	shalt  }
0x45: {  	_ =	shalt  }
0x46: {  	_ =	shalt  }
0x47: {  	_ =	shalt  }
0x48: {  	_ =	shalt  }
0x49: {  	_ =	shalt  }
0x4a: {  	_ =	shalt  }
0x4b: {  	_ =	shalt  }
0x4c: {  	_ =	shalt  }
0x4d: {  	_ =	shalt  }
0x4e: {  	_ =	shalt  }
0x4f: {  	_ =	shalt  }
0x50: {  	_ =	shalt  }
0x51: {  	_ =	shalt  }
0x52: {  	_ =	shalt  }
0x53: {  	_ =	shalt  }
0x54: {  	_ =	shalt  }
0x55: {  	_ =	shalt  }
0x56: {  	_ =	shalt  }
0x57: {  	_ =	shalt  }
0x58: {  	_ =	shalt  }
0x59: {  	_ =	shalt  }
0x5a: {  	_ =	shalt  }
0x5b: {  	_ =	shalt  }
0x5c: {  	_ =	shalt  }
0x5d: {  	_ =	shalt  }
0x5e: {  	_ =	shalt  }
0x5f: {  	_ =	shalt  }
0x60: {  	_ =	shalt  }
0x61: {  	_ =	shalt  }
0x62: {  	_ =	shalt  }
0x63: {  	_ =	shalt  }
0x64: {  	_ =	shalt  }
0x65: {  	_ =	shalt  }
0x66: {  	_ =	shalt  }
0x67: {  	_ =	shalt  }
0x68: {  	_ =	shalt  }
0x69: {  	_ =	shalt  }
0x6a: {  	_ =	shalt  }
0x6b: {  	_ =	shalt  }
0x6c: {  	_ =	shalt  }
0x6d: {  	_ =	shalt  }
0x6e: {  	_ =	shalt  }
0x6f: {  	_ =	shalt  }
0x70: {  	_ =	shalt  }
0x71: {  	_ =	shalt  }
0x72: {  	_ =	shalt  }
0x73: {  	_ =	shalt  }
0x74: {  	_ =	shalt  }
0x75: {  	_ =	shalt  }
0x76: {  	_ =	shalt  }
0x77: {  	_ =	shalt  }
0x78: {  	_ =	shalt  }
0x79: {  	_ =	shalt  }
0x7a: {  	_ =	shalt  }
0x7b: {  	_ =	shalt  }
0x7c: {  	_ =	shalt  }
0x7d: {  	_ =	shalt  }
0x7e: {  	_ =	shalt  }
0x7f: {  	_ =	shalt  }
0x80: {  	_ =	shalt  }
0x81: {  	_ =	shalt  }
0x82: {  	_ =	shalt  }
0x83: {  	_ =	shalt  }
0x84: {  	_ =	shalt  }
0x85: {  	_ =	shalt  }
0x86: {  	_ =	shalt  }
0x87: {  	_ =	shalt  }
.Lfunc_end0:
.L_simem_size_0:
called_computation_lowered:
.L_overlay_start_0:
0x88: {  	s2 =	sld [smem:$0x3FD9]  }
0x89: {  	s3 =	sld [smem:$0x3FFE];
	_ =	sdelay $0x1  }
0x8a: {  	s1 =	srdreg.scid  }
0x8b: {  	s0 =	sand.u32 $0x1, s1  }
0x8c: {  	s17 =	sshll.u32 s0, $0xA;
	s2 =	sadd.s32 s3, s2  }
0x8d: {  	s2 =	sadd.s32 s2, s17  }
0x8e: {  	[smem:$0x3FC3] =	sst s2  }
0x8f: {  	_ = 	snop  }
0x90: {  	s2 =	sld [smem:$0x3FC9]  }
0x91: {  	s18 =	sld [smem:$0x3FC8]  }
0x92: {  	s4 =	sld [smem:$0x3FC7]  }
0x93: {  	s5 =	sld [smem:$0x3FD0];
	(tm) =	ssettm $0x1  }
0x94: {  	s6 =	sld [smem:$0x3FFB];
	_ =	sdelay $0x3  }
0x95: {  	_ =	strace s6  }
0x96: {  	s6 =	sld [smem:$0x3FFC];
	_ =	sdelay $0x3  }
0x97: {  	_ =	strace s6  }
0x98: {  	s6 =	sld [smem:$0x3FFD];
	_ =	sdelay $0x3  }
0x99: {  	_ =	strace s6  }
0x9a: {  	_ =	strace $0x8FFFFFFF  }
0x9b: {  	s19 =	sld [smem:$0x3FDB];
	_ =	sdelay $0x1  }
0x9c: {  	s7 =	simm.s32 $_scs_section_size  }
0x9d: {  	s8 =	simm.s32 $_size__tile_overlayer_lowered;
	s9 =	simm.s32 $_tile_overlayer_lowered  }
0x9e: {  	s22 =	simm.s32 $0x1BFF;
	s21 =	sshll.u32 s9, $0x1;
	s6 =	sadd.s32 s7, s19  }
0x9f: {  	s10 =	simm.s32 $0x0;
	s20 =	sshll.u32 s8, $0x1;
	s8 =	sadd.s32 s21, s6  }
0xa0: {  	[timem:s10], [sflag:s22] =	dma.local [hbm:s8], s20  }
0xa1: {  	_ =	swait.ge [sflag:s22], s20  }
0xa2: {  	s7 =	ssub.s32 $0x0, s20;
	[sflag:s22] =	ssyncset.done $0x0  }
0xa3: {  	[sflag:s22] =	ssyncadd.s32 s7;
	_ =	sdelay $0x1  }
0xa4: {  	s23 =	simm.s32 $0x1B8B  }
0xa5: {  	_ =	swait.ge [sflag:s23], $0x1  }
0xa6: {  	[sflag:s23] =	ssyncset.done $0x0  }
0xa7: {  	s25 =	simm.s32 $0x1B8E;
	s24 =	sld [smem:$0x3FFE];
	[sflag:s23] =	ssyncadd.s32 $0xFFFFFFFF  }
0xa8: {  	s26 =	simm.s32 $execute0_lowered;
	[smem:$0x3FD2] =	sst s25  }
0xa9: {  	s8 =	sshll.u32 s26, $0x1;
	_ =	strace $0x80000046;
	[dreg:$0x1] =	wrdreg $0xFFFFFFFF  }
0xaa: {  	s28 =	simm.s32 $_size_execute0_lowered;
	s6 =	sadd.s32 s6, s8;
	[dreg:$0x0] =	wrdreg $0x0  }
0xab: {  	s8 =	sshll.u32 s28, $0x1;
	[dreg:$0x2] =	wrdreg s6  }
0xac: {  	[dreg:$0x3] =	wrdreg s8  }
0xad: {  	[dreg:$0x4] =	wrdreg $0xC0  }
0xae: {  	_ =	task [dreg:s10], $0x5FFFF  }
0xaf: {  	[dreg:$0x1] =	wrdreg $0xFFFFFFFF  }
0xb0: {  	[dreg:$0x0] =	wrdreg $0x60  }
0xb1: {  	[dreg:$0x2] =	wrdreg s2  }
0xb2: {  	[dreg:$0x3] =	wrdreg s18  }
0xb3: {  	[dreg:$0x4] =	wrdreg s5  }
0xb4: {  	[dreg:$0x5] =	wrdreg s4  }
0xb5: {  	[dreg:$0x6] =	wrdreg s24  }
0xb6: {  	[dreg:$0x7] =	wrdreg $0x9  }
0xb7: {  	_ =	task.clear_ibuf [dreg:s10], $0x8FFFF;
	_ =	strace $0x90000046  }
0xb8: {  	s29 =	simm.s32 $0x9;
	_ =	strace $0x80000048  }
0xb9: {  	_ =	swait.ge [sflag:s29], $0x1  }
0xba: {  	[sflag:s29] =	ssyncadd.s32 $0xFFFFFFFF  }
0xbb: {  	_ =	strace $0x90000048  }
0xbc: {  	_ =	sfence  }
0xbd: {  	s30 =	sld [smem:$0x0];
	_ =	sdelay $0x2  }
0xbe: {  	s31 =	sshll.u32 s1, $0xD;
	s1 =	sshrl.u32 s1, $0x2  }
0xbf: {  	s3 =	sand.u32 $0x4000, s31;
	s1 =	sadd.s32 s1, s30  }
0xc0: {  	s0 =	sor.u32 s3, s0;
	s1 =	sshll.u32 s1, $0x11  }
0xc1: {  	s0 =	sor.u32 s1, s0  }
0xc2: {  	s0 =	sadd.s32 $0x8F2B, s0  }
0xc3: {  	[sflag:s0] =	ssyncadd.remote.s32 $0x1  }
0xc4: {  	_ =	sfence.sel $0xFFFF  }
0xc5: {  	[dreg:$0x0] =	wrdreg $0xFFFFFFFF;
	(pc) =	sbr.abs _section_cstart, $3  }
0xc6: {  	[dreg:$0x1] =	wrdreg $0xFFFFFFFF  }
0xc7: {  	_ =	task.clear_ibuf [dreg:s10], $0x2FFFF;
	_ =	strace $0x9FFFFFFF  }
0xc8: {  	(tm) =	ssettm $0x7FFFFFFF  }
0xc9: {  	_ =	shalt  }
tec
execute0_lowered:
.L_overlay_start_1:
0x0: {  	(tag) =	ssettag $0x1  }
0x1: {  	v0 =	vimm.s32 $0xFEDCBA98;
	v1 =	vimm.s32 $0x76543210;
	v3 =	vimm.s32 $0x32107654  }
0x2: {  	v4 =	vimm.s32 $0xDCFE98BA;
	v5 =	vimm.s32 $0x54761032;
	v6 =	vimm.s32 $0xEFCDAB89  }
0x3: {  	v7 =	vimm.s32 $0x67452301;
	v0 =	vunpack.c.l.s4.s8 v0;
	v3 =	vunpack.c.l.s4.s8 v3  }
0x4: {  	s0 =	rddreg [dreg:$0x0];
	v4 =	vunpack.c.l.s4.s8 v4;
	v5 =	vunpack.c.l.s4.s8 v5;
	v6 =	vunpack.c.l.s4.s8 v6  }
0x5: {  	s2 =	rddreg [dreg:$0x1];
	s1 =	srdreg.scid;
	v7 =	vunpack.c.l.s4.s8 v7;
	v2 =	vunpack.c.0.s8.s32 v0;
	v0 =	vimm.s32 $0xBA98FEDC  }
0x6: {  	s3 =	stileid.u32;
	s30 =	rddreg [dreg:$0x4];
	s7 =	simm.s32 $0x0;
	v4 =	vunpack.c.0.s8.s32 v4;
	v5 =	vunpack.c.0.s8.s32 v5;
	v0 =	vunpack.c.l.s4.s8 v0  }
0x7: {  	s9 =	simm.s32 $0x3;
	s1 =	sand.u32 $0x1, s1;
	s3 =	sshll.u32 s3, $0x1;
	v1 =	vunpack.c.l.s4.s8 v1;
	v6 =	vunpack.c.0.s8.s32 v6;
	v7 =	vunpack.c.0.s8.s32 v7  }
0x8: {  	s14 =	simm.s32 $0x1;
	s5 =	sor.u32 s1, s3;
	s1 =	ssub.s32 $0x2, s1;
	v3 =	vunpack.c.0.s8.s32 v3;
	v28 =	vcombine.low v5, v4;
	v0 =	vunpack.c.0.s8.s32 v0  }
0x9: {  	[smem:$0x7FF] =	sst s7;
	s4 =	smul.u32 $0x1400, s5;
	s31 =	sshrl.u32 s1, $0x1;
	v29 =	vcombine.low v7, v6  }
0xa: {  	s16 =	simm.s32 $0x14000;
	_ =	strace $0x80000047;
	v8 =	vunpack.c.0.s8.s32 v1;
	s1 =	ssub.s32 s1, s31;
	[tilespmem:$0x1FFE0] =	vst v28;
	v63 =	vcombine.low v3, v0  }
0xb: {  	[dreg:$0x6] =	wrdreg s5;
	s3 =	sadd.s32 s4, s30;
	s1 =	smax.u32 s1, $0x1;
	v9 =	vand.u32 $0xF, v2;
	[tilespmem:$0x1FFF0] =	vst v29  }
0xc: {  	s19 =	simm.s32 $0x2;
	s3 =	sadd.s32 $0x600, s3;
	[dreg:$0x8] =	wrdreg s1;
	v4 =	vcombine.low v9, v8;
	v34 =	vand.u32 $0xF, v63;
	[tilespmem:$0x1FFD0] =	vst v63  }
0xd: {  	s8 =	smul.u32 $0x140, s5;
	[dreg:$0x7] =	wrdreg s3;
	v6 =	vand.u32 $0xF, v28;
	v7 =	vand.u32 $0xF, v29;
	s3 =	simm.s32 $0x0;
	v0 =	vimm.f32 $0.0e+00;
	[tilespmem:$0x1FFC0] =	vst v34  }
.LBB2_1:
0xe: {  	[dreg:$0x9] =	wrdreg s3  }
0xf: {  	s1 =	rddreg [dreg:$0x2];
	s28 =	simm.s32 $0x14300  }
0x10: {  	[tilespmem:s28], [sflag:$0x3] =	stream.linear.gather [hbm4b:s1+s7], $0x80, $0x38;
	[tilespmem:$0x1FC00] =	vst v63  }
0x11: {  	_ =	swait.ge [sflag:s9], $0x80  }
0x12: {  	[sflag:s9] =	ssyncset.done $0x0  }
0x13: {  	[sflag:s9] =	ssyncadd.s32 $0xFFFFFF80  }
0x14: {  	s30 =	simm.s32 $0x14380;
	s29 =	rddreg [dreg:$0x3]  }
0x15: {  	[tilespmem:s30], [sflag:$0x3] =	stream.linear.gather [hbm4b:s29+s7], $0x80, $0x38;
	[tilespmem:$0x1FC00] =	vst v63  }
0x16: {  	_ =	swait.ge [sflag:s9], $0x80  }
0x17: {  	[sflag:s9] =	ssyncset.done $0x0  }
0x18: {  	s3 =	simm.s32 $0x14440;
	s31 =	rddreg [dreg:$0x6];
	[sflag:s9] =	ssyncadd.s32 $0xFFFFFF80  }
0x19: {  	v8 =	vld [tilespmem:s31+$0x14300];
	[tilespmem:s3+$0xFFFFFFC0] =	vst v0  }
0x1a: {  	[tilespmem:s3+$0x30] =	vst v0  }
0x1b: {  	[tilespmem:s3+$0x20] =	vst v0  }
0x1c: {  	[tilespmem:s3+$0x10] =	vst v0  }
0x1d: {  	[tilespmem:s3+$0x0] =	vst v0  }
0x1e: {  	[tilespmem:s3+$0xFFFFFFF0] =	vst v0  }
0x1f: {  	s4 =	simm.s32 $0x0;
	[tilespmem:s3+$0xFFFFFFE0] =	vst v0  }
.LBB2_2:
0x20: {  	s4 =	sadd.s32 $0x8, s4;
	[tilespmem:s3+$0xFFFFFFD0] =	vst v0;
	s3 =	sadd.s32 $0x80, s3;
	s1 =	simm.s32 $0x1E440  }
0x21: {  	[tilespmem:s3+$0xFFFFFFC0] =	vst v0;
	p0 =	slt.u32 s4, $0x9F8  }
0x22: {  	[tilespmem:s3+$0x30] =	vst v0  }
.Ltmp0:
0x23: {  	[tilespmem:s3+$0x20] =	vst v0;
	(pc) =	sbr.rel @p0 .LBB2_2-.Ltmp0, $4  }
0x24: {  	[tilespmem:s3+$0x10] =	vst v0  }
0x25: {  	[tilespmem:s3+$0x0] =	vst v0  }
0x26: {  	[tilespmem:s3+$0xFFFFFFF0] =	vst v0  }
0x27: {  	[tilespmem:s3+$0xFFFFFFE0] =	vst v0  }
0x28: {  	[tilespmem:s3+$0xFFFFFFD0] =	vst v0  }
0x29: {  	[tilespmem:s1+$0xFFFFFFC0] =	vst v0  }
0x2a: {  	[tilespmem:s1+$0x30] =	vst v0  }
0x2b: {  	[tilespmem:s1+$0x20] =	vst v0  }
0x2c: {  	[tilespmem:s1+$0x10] =	vst v0  }
0x2d: {  	[tilespmem:s1+$0x0] =	vst v0  }
0x2e: {  	[tilespmem:s1+$0xFFFFFFF0] =	vst v0  }
0x2f: {  	s3 =	simm.s32 $0x0;
	[tilespmem:s1+$0xFFFFFFE0] =	vst v0  }
.LBB2_4:
0x30: {  	s3 =	sadd.s32 $0x8, s3;
	[tilespmem:s1+$0xFFFFFFD0] =	vst v0;
	s1 =	sadd.s32 $0x80, s1  }
0x31: {  	[tilespmem:s1+$0xFFFFFFC0] =	vst v0;
	p0 =	slt.u32 s3, $0x138  }
0x32: {  	[tilespmem:s1+$0x30] =	vst v0  }
.Ltmp1:
0x33: {  	[tilespmem:s1+$0x20] =	vst v0;
	(pc) =	sbr.rel @p0 .LBB2_4-.Ltmp1, $4  }
0x34: {  	[tilespmem:s1+$0x10] =	vst v0  }
0x35: {  	[tilespmem:s1+$0x0] =	vst v0  }
0x36: {  	[tilespmem:s1+$0xFFFFFFF0] =	vst v0  }
0x37: {  	[tilespmem:s1+$0xFFFFFFE0] =	vst v0  }
0x38: {  	(v2sf) =	vpush v8, $0x0;
	_ =	sdelay $0x8  }
0x39: {  	(v2sf) =	vpush v8, $0x1;
	_ =	sdelay $0x5  }
0x3a: {  	s22 =	spop (v2sf)  }
0x3b: {  	s3 =	sand.u32 $0x7, s22  }
0x3c: {  	s4 =	sshra.s32 s22, $0x1F;
	p0 =	slt.s32 s22, $0x1;
	p1 =	sne.s32 s3, $0x0  }
0x3d: {  	s17 =	sshrl.u32 s4, $0x1D;
	p0 =	por !p0, !p1  }
0x3e: {  	s3 =	simm.s32 $0x1;
	s18 =	sadd.s32 s17, s22;
	p0 =	por !p0, !p0  }
0x3f: {  	[tilespmem:s1+$0xFFFFFFD0] =	vst v0;
	s1 =	sshrl.u32 s18, $0x3;
	s3 =	simm.s32 @!p0 $0x0  }
0x40: {  	v8 =	vld [tilespmem:$0x14380];
	s1 =	ssub.s32 s1, s3  }
0x41: {  	v9 =	vld [tilespmem:$0x14390];
	s23 =	sshll.u32 s1, $0x3  }
0x42: {  	v10 =	vld [tilespmem:$0x143A0];
	p0 =	slt.s32 s23, $0x4E1F8;
	s1 =	smov.u32 s23  }
0x43: {  	v11 =	vld [tilespmem:$0x143B0];
	s24 =	spop (v2sf);
	s1 =	simm.s32 @!p0 $0x4E1F8  }
0x44: {  	v12 =	vld [tilespmem:$0x143C0];
	s20 =	ssub.s32 s24, s23;
	s21 =	sshll.u32 s1, $0x4  }
0x45: {  	v13 =	vld [tilespmem:$0x143D0];
	s5 =	sadd.s32 $0x13F, s20;
	s4 =	sand.u32 $0x1FFFFF80, s21  }
0x46: {  	s10 =	simm.s32 $0x1F800;
	v14 =	vld [tilespmem:$0x143E0];
	s6 =	smulhi.u32 $0x66666667, s5;
	s4 =	sadd.s32 s0, s4  }
0x47: {  	v15 =	vld [tilespmem:$0x143F0];
	[tilespmem:s10], [sflag:$0x3] =	stream.linear.gather [hbm4b:s4+s7], $0x400, $0x38  }
0x48: {  	s25 =	sshra.s32 s5, $0x1F;
	s1 =	ssub.s32 s22, s1;
	_ =	swait.ge [sflag:s9], $0x400  }
0x49: {  	s1 =	sshll.u32 s1, $0x9;
	s4 =	smul.u32 $0x66666667, s25;
	[sflag:s9] =	ssyncset.done $0x0  }
0x4a: {  	s1 =	sshra.s32 s1, $0x2;
	[sflag:s9] =	ssyncadd.s32 $0xFFFFFC00  }
0x4b: {  	s4 =	sadd.s32 s4, s6;
	v16 =	vld [tilespmem:s1+$0x1F800]  }
0x4c: {  	s6 =	sshrl.u32 s4, $0x1F;
	s4 =	sshra.s32 s4, $0x7;
	v17 =	vld [tilespmem:s1+$0x1F810]  }
0x4d: {  	s4 =	sadd.s32 s6, s4;
	v18 =	vld [tilespmem:s1+$0x1F820]  }
0x4e: {  	p0 =	slt.s32 s23, $0x4E0C0;
	s9 =	smov.u32 s23;
	v19 =	vld [tilespmem:s1+$0x1F830];
	s6 =	smul.u32 $0xFFFFFEC0, s4  }
0x4f: {  	s3 =	ssub.s32 $0xFFFFFEC1, s20;
	v20 =	vld [tilespmem:s1+$0x1F840];
	s9 =	simm.s32 @!p0 $0x4E0C0  }
0x50: {  	p4 =	slt.s32 s5, $0x1;
	v21 =	vld [tilespmem:s1+$0x1F850];
	s26 =	sshll.u32 s9, $0x4;
	p3 =	sne.s32 s6, s3  }
0x51: {  	v22 =	vld [tilespmem:s1+$0x1F860];
	s3 =	sand.u32 $0x1FFFFF80, s26;
	p0 =	por !p4, !p3  }
0x52: {  	v23 =	vld [tilespmem:s1+$0x1F870];
	s1 =	simm.s32 $0x1;
	s3 =	sadd.s32 s0, s3;
	p0 =	por !p0, !p0  }
0x53: {  	[tilespmem:s7], [sflag:$0x1] =	stream.linear.gather [hbm4b:s3+s7], $0xA000, $0x38;
	[tilespmem:$0x1FC00] =	vst v63  }
0x54: {  	s28 =	sshrl.u32 s9, $0x3;
	s1 =	simm.s32 @!p0 $0x0  }
0x55: {  	s3 =	sadd.s32 s2, s28;
	s1 =	ssub.s32 s4, s1  }
0x56: {  	[tilespmem:s16], [sflag:$0x1] =	stream.linear.gather [hbm4b:s3+s7], $0x140, $0x38;
	[tilespmem:$0x1FC00] =	vst v63  }
0x57: {  	s29 =	sadd.s32 $0x1, s1  }
0x58: {  	s30 =	sand.u32 $0x1, s29  }
0x59: {  	p5 =	slt.s32 s1, $0x0;
	p6 =	seq.s32 s30, $0x1  }
0x5a: {  	s31 =	sshrl.u32 s29, $0x1F;
	p0 =	por !p5, !p6  }
0x5b: {  	s3 =	simm.s32 $0x1;
	s1 =	sadd.s32 s31, s29;
	p0 =	por !p0, !p0  }
0x5c: {  	s1 =	sshra.s32 s1, $0x1;
	s3 =	simm.s32 @!p0 $0x0  }
0x5d: {  	s25 =	ssub.s32 s1, s3  }
0x5e: {  	p0 =	slt.s32 s25, $0x1  }
.Ltmp2:
0x5f: {  	_ = 	snop;
	(pc) =	sbr.rel @p0 .LBB2_20-.Ltmp2, $1  }
0x60: {  	_ =	sdelay $0x3  }
0x61: {  	v16 =	vmul.f32 v16, v8;
	v17 =	vmul.f32 v17, v9  }
0x62: {  	v18 =	vmul.f32 v18, v10;
	v19 =	vmul.f32 v19, v11  }
0x63: {  	v20 =	vmul.f32 v20, v12;
	v21 =	vmul.f32 v21, v13  }
0x64: {  	v22 =	vmul.f32 v22, v14;
	v23 =	vmul.f32 v23, v15  }
0x65: {  	v16 =	vadd.f32 v17, v16;
	v17 =	vadd.f32 v19, v18  }
0x66: {  	v18 =	vadd.f32 v21, v20;
	v19 =	vadd.f32 v23, v22;
	_ =	sdelay $0x1  }
0x67: {  	v16 =	vadd.f32 v17, v16;
	v17 =	vadd.f32 v19, v18;
	_ =	sdelay $0x1  }
0x68: {  	v16 =	vadd.f32 v17, v16;
	_ =	sdelay $0x1  }
0x69: {  	v17 =	vperm.xlane v16, v4;
	_ =	sdelay $0x1  }
0x6a: {  	v16 =	vadd.f32 v16, v17;
	_ =	sdelay $0x1  }
0x6b: {  	v17 =	vperm.xlane v16, v63;
	_ =	sdelay $0x1  }
0x6c: {  	v16 =	vadd.f32 v16, v17;
	_ =	sdelay $0x1  }
0x6d: {  	v17 =	vperm.xlane v16, v28;
	_ =	sdelay $0x1  }
.Ltmp3:
0x6e: {  	v16 =	vadd.f32 v16, v17;
	(pc) =	sbr.rel .LBB2_7-.Ltmp3, $4  }
0x6f: {  	_ = 	snop  }
0x70: {  	v17 =	vperm.xlane v16, v29  }
0x71: {  	s6 =	sadd.s32 $0x140, s23;
	s28 =	sadd.s32 $0x280, s23;
	s29 =	simm.s32 $0x0  }
0x72: {  	s20 =	smov.u32 s23;
	s30 =	smov.u32 s28;
	s26 =	smov.u32 s6;
	v16 =	vadd.f32 v16, v17  }
.LBB2_19:
0x73: {  	s29 =	sadd.s32 $0x1, s29  }
0x74: {  	p0 =	sne.s32 s29, s25  }
.Ltmp4:
0x75: {  	_ = 	snop;
	(pc) =	sbr.rel @!p0 .LBB2_20-.Ltmp4, $2  }
0x76: {  	_ =	sdelay $0x2  }
0x77: {  	s26 =	sadd.s32 $0x280, s26;
	s20 =	sadd.s32 $0x280, s20;
	s30 =	sadd.s32 $0x280, s30  }
.LBB2_7:
0x78: {  	s3 =	smul.u32 $0x280, s29;
	_ =	sdelay $0x1  }
0x79: {  	s1 =	sadd.s32 s3, s6  }
0x7a: {  	p0 =	slt.s32 s1, $0x4E0C0;
	s4 =	smov.u32 s1  }
0x7b: {  	s4 =	simm.s32 @!p0 $0x4E0C0  }
0x7c: {  	s5 =	sshll.u32 s4, $0x4  }
0x7d: {  	s5 =	sand.u32 $0x1FFFFF80, s5  }
0x7e: {  	s9 =	simm.s32 $0xA000;
	s4 =	sshrl.u32 s4, $0x3;
	s5 =	sadd.s32 s0, s5  }
0x7f: {  	[tilespmem:s9], [sflag:$0x2] =	stream.linear.gather [hbm4b:s5+s7], $0xA000, $0x38;
	[tilespmem:$0x1FC00] =	vst v63  }
0x80: {  	s18 =	simm.s32 $0x14180;
	s11 =	sadd.s32 s23, s3;
	s4 =	sadd.s32 s2, s4  }
0x81: {  	[tilespmem:s18], [sflag:$0x2] =	stream.linear.gather [hbm4b:s4+s7], $0x140, $0x38;
	[tilespmem:$0x1FC00] =	vst v63  }
0x82: {  	s4 =	sadd.s32 $0x140, s11  }
0x83: {  	p0 =	sgt.s32 s22, s11;
	s5 =	smov.u32 s24;
	p1 =	slt.s32 s4, s24  }
0x84: {  	s11 =	smov.u32 @p0 s22;
	s5 =	smov.u32 @p1 s4  }
0x85: {  	s13 =	smov.u32 s11;
	p0 =	sgt.s32 s5, s11  }
0x86: {  	s13 =	smov.u32 @p0 s5  }
0x87: {  	s4 =	ssub.s32 s13, s11  }
0x88: {  	s21 =	sshra.s32 s4, $0x1F  }
0x89: {  	s5 =	sshrl.u32 s21, $0x1C  }
0x8a: {  	s5 =	sadd.s32 s5, s4  }
0x8b: {  	s15 =	sand.u32 $0xFFFFFFF0, s5  }
0x8c: {  	s10 =	sadd.s32 s11, s15  }
0x8d: {  	_ =	swait.ge [sflag:s14], $0xA000;
	p2 =	sge.s32 s11, s10  }
.Ltmp5:
0x8e: {  	[sflag:s14] =	ssyncset.done $0x0;
	(pc) =	sbr.rel @p2 .LBB2_10-.Ltmp5, $4  }
0x8f: {  	[sflag:s14] =	ssyncadd.s32 $0xFFFF6000  }
0x90: {  	s31 =	smov.u32 s20;
	s9 =	smov.u32 s20;
	_ =	swait.ge [sflag:s14], $0x140  }
0x91: {  	p1 =	slt.s32 s20, $0x4E0C0;
	p0 =	sgt.s32 s22, s20;
	[sflag:s14] =	ssyncset.done $0x0  }
0x92: {  	s9 =	simm.s32 @!p1 $0x4E0C0;
	s31 =	smov.u32 @p0 s22;
	[sflag:s14] =	ssyncadd.s32 $0xFFFFFEC0  }
0x93: {  	s5 =	sshll.u32 s31, $0x2  }
0x94: {  	s12 =	sshll.u32 s9, $0x2;
	s21 =	sshll.u32 s31, $0x9;
	s17 =	sshll.u32 s9, $0x9  }
0x95: {  	s5 =	ssub.s32 s5, s12;
	s21 =	ssub.s32 s21, s17  }
0x96: {  	s5 =	sshra.s32 s5, $0x2;
	s12 =	sshra.s32 s21, $0x2  }
0x97: {  	s5 =	sadd.s32 $0x14008, s5;
	s12 =	sadd.s32 $0x400, s12  }
.LBB2_9:
0x98: {  	v25 =	vld [tilespmem:s12+$0xFFFFFC00]  }
0x99: {  	v26 =	vld [tilespmem:s12+$0xFFFFFC10]  }
0x9a: {  	v27 =	vld [tilespmem:s12+$0xFFFFFC20]  }
0x9b: {  	v30 =	vld [tilespmem:s12+$0xFFFFFC30]  }
0x9c: {  	v31 =	vld [tilespmem:s12+$0xFFFFFC40]  }
0x9d: {  	v32 =	vld [tilespmem:s12+$0xFFFFFC50]  }
0x9e: {  	v33 =	vld [tilespmem:s12+$0xFFFFFC60]  }
0x9f: {  	v28 =	vld [tilespmem:s12+$0xFFFFFC70];
	_ =	sdelay $0x1  }
0xa0: {  	v17 =	vmul.f32 v25, v8;
	v18 =	vmul.f32 v26, v9  }
0xa1: {  	v19 =	vmul.f32 v27, v10;
	v20 =	vmul.f32 v30, v11  }
0xa2: {  	v21 =	vmul.f32 v31, v12;
	v22 =	vmul.f32 v32, v13  }
0xa3: {  	v23 =	vmul.f32 v33, v14;
	v24 =	vmul.f32 v28, v15  }
0xa4: {  	v17 =	vadd.f32 v18, v17;
	v18 =	vadd.f32 v20, v19  }
0xa5: {  	v19 =	vadd.f32 v22, v21;
	v48 =	vadd.f32 v24, v23;
	_ =	sdelay $0x1  }
0xa6: {  	v39 =	vld [tilespmem:s12+$0xFFFFFC80];
	v17 =	vadd.f32 v18, v17;
	v18 =	vadd.f32 v48, v19  }
0xa7: {  	v29 =	vld [tilespmem:s12+$0xFFFFFC90]  }
0xa8: {  	v21 =	vld [tilespmem:s12+$0xFFFFFCA0];
	v19 =	vadd.f32 v18, v17  }
0xa9: {  	v23 =	vld [tilespmem:s12+$0xFFFFFCB0]  }
0xaa: {  	v20 =	vld [tilespmem:s12+$0xFFFFFCF0];
	v49 =	vperm.xlane v19, v4  }
0xab: {  	v17 =	vld [tilespmem:s12+$0xFFFFFCC0]  }
0xac: {  	v18 =	vld [tilespmem:s12+$0xFFFFFCD0];
	v50 =	vadd.f32 v19, v49  }
0xad: {  	v19 =	vld [tilespmem:s12+$0xFFFFFCE0]  }
0xae: {  	v52 =	vmul.f32 v39, v8;
	v51 =	vperm.xlane v50, v34  }
0xaf: {  	v35 =	vmul.f32 v29, v9;
	v36 =	vmul.f32 v21, v10  }
0xb0: {  	v37 =	vmul.f32 v23, v11;
	v41 =	vmul.f32 v20, v15;
	v22 =	vadd.f32 v50, v51  }
0xb1: {  	v38 =	vmul.f32 v17, v12;
	v40 =	vmul.f32 v18, v13  }
0xb2: {  	v58 =	vld [tilespmem:s5+$0xFFFFFFF8];
	v54 =	vadd.f32 v37, v36;
	v53 =	vmul.f32 v19, v14;
	v56 =	vperm.xlane v22, v6  }
0xb3: {  	v34 =	vadd.f32 v35, v52;
	v55 =	vadd.f32 v40, v38  }
0xb4: {  	v43 =	vld [tilespmem:s12+$0xFFFFFD10];
	v24 =	vadd.f32 v41, v53;
	v57 =	vadd.f32 v22, v56  }
0xb5: {  	v44 =	vld [tilespmem:s12+$0xFFFFFD20]  }
0xb6: {  	v42 =	vld [tilespmem:s12+$0xFFFFFD30];
	v34 =	vadd.f32 v54, v34;
	v24 =	vadd.f32 v24, v55;
	v60 =	vperm.xlane v57, v7  }
0xb7: {  	v0 =	vld [tilespmem:$0x1FFC0];
	(v2sf) =	vpush v58, $0x0  }
0xb8: {  	v36 =	vld [tilespmem:s12+$0xFFFFFD50];
	v24 =	vadd.f32 v24, v34;
	v34 =	vadd.f32 v57, v60  }
0xb9: {  	v35 =	vld [tilespmem:s12+$0xFFFFFD70]  }
0xba: {  	v38 =	vld [tilespmem:s12+$0xFFFFFD40];
	v34 =	vsub.f32 v34, v16  }
0xbb: {  	v22 =	vld [tilespmem:s12+$0xFFFFFD00]  }
0xbc: {  	v45 =	vmul.f32 v43, v9;
	v63 =	vmul.f32 $1.442695020e+00, v34;
	v34 =	vld [tilespmem:s12+$0xFFFFFD60]  }
0xbd: {  	v46 =	vmul.f32 v44, v10;
	v61 =	vperm.xlane v24, v4  }
0xbe: {  	v47 =	vmul.f32 v42, v11;
	(erf) = vpow2.f32 v63  }
0xbf: {  	v48 =	vmul.f32 v36, v13;
	v49 =	vmul.f32 v35, v15;
	v24 =	vadd.f32 v24, v61  }
0xc0: {  	v2 =	vmul.f32 v38, v12;
	v1 =	vmul.f32 v22, v8  }
0xc1: {  	v53 =	vadd.f32 v47, v46;
	v62 =	vperm.xlane v24, v0;
	v52 =	vmul.f32 v34, v14  }
0xc2: {  	v59 =	vld [tilespmem:s5+$0xFFFFFFF9];
	v40 =	vadd.f32 v48, v2;
	v41 =	vadd.f32 v45, v1  }
0xc3: {  	v58 =	vld [tilespmem:$0x1FFC0];
	v24 =	vadd.f32 v24, v62;
	v37 =	vadd.f32 v49, v52  }
0xc4: {  	v46 =	vld [tilespmem:s12+$0xFFFFFD80]  }
0xc5: {  	v45 =	vadd.f32 v53, v41;
	v41 =	vld [tilespmem:s12+$0xFFFFFD90];
	v0 =	vperm.xlane v24, v6;
	v37 =	vadd.f32 v37, v40  }
0xc6: {  	v40 =	vld [tilespmem:s12+$0xFFFFFDB0]  }
0xc7: {  	s17 =	spop (v2sf);
	v24 =	vadd.f32 v24, v0;
	v45 =	vadd.f32 v37, v45;
	v37 =	vld [tilespmem:s12+$0xFFFFFDA0];
	v48 =	vpop (erf)  }
0xc8: {  	s17 =	ssub.s32 s17, s8;
	v56 =	vmul.f32 v48, v25;
	v25 =	vld [tilespmem:s12+$0xFFFFFDD0]  }
0xc9: {  	(v2sf) =	vpush v59, $0x0;
	s21 =	sshll.u32 s17, $0x6;
	v50 =	vperm.xlane v24, v7;
	v57 =	vmul.f32 v48, v26;
	v26 =	vld [tilespmem:s12+$0xFFFFFDE0]  }
0xca: {  	s21 =	sshra.s32 s21, $0x2;
	v51 =	vmul.f32 v48, v27;
	v30 =	vmul.f32 v48, v30;
	v27 =	vld [tilespmem:s12+$0xFFFFFDF0]  }
0xcb: {  	s17 =	sshll.u32 s17, $0x9;
	v31 =	vmul.f32 v48, v31;
	[tilespmem:s21+$0x1E400] =	vst.add.f32.msk $0xffff, v48;
	v32 =	vmul.f32 v48, v32  }
0xcc: {  	s17 =	sshra.s32 s17, $0x2;
	v24 =	vadd.f32 v24, v50;
	v1 =	vmul.f32 v48, v33;
	v28 =	vmul.f32 v48, v28;
	v48 =	vld [tilespmem:s12+$0xFFFFFE00]  }
0xcd: {  	[tilespmem:s17+$0x14400] =	vst.add.f32.msk $0xffff, v56  }
0xce: {  	v24 =	vsub.f32 v24, v16;
	[tilespmem:s17+$0x14410] =	vst.add.f32.msk $0xffff, v57  }
0xcf: {  	v55 =	vperm.xlane v45, v4;
	[tilespmem:s17+$0x14420] =	vst.add.f32.msk $0xffff, v51  }
0xd0: {  	v54 =	vmul.f32 $1.442695020e+00, v24;
	v24 =	vld [tilespmem:s12+$0xFFFFFDC0]  }
0xd1: {  	v59 =	vmul.f32 v46, v8;
	v52 =	vmul.f32 v41, v9;
	[tilespmem:s17+$0x14430] =	vst.add.f32.msk $0xffff, v30;
	v45 =	vadd.f32 v45, v55  }
0xd2: {  	v53 =	vmul.f32 v40, v11;
	[tilespmem:s17+$0x14440] =	vst.add.f32.msk $0xffff, v31;
	(erf) = vpow2.f32 v54  }
0xd3: {  	[tilespmem:s17+$0x14450] =	vst.add.f32.msk $0xffff, v32;
	v60 =	vmul.f32 v37, v10;
	v49 =	vperm.xlane v45, v58  }
0xd4: {  	[tilespmem:s17+$0x14460] =	vst.add.f32.msk $0xffff, v1;
	v54 =	vmul.f32 v25, v13;
	v63 =	vmul.f32 v26, v14  }
0xd5: {  	v2 =	vadd.f32 v52, v59;
	[tilespmem:s17+$0x14470] =	vst.add.f32.msk $0xffff, v28;
	v0 =	vmul.f32 v27, v15;
	v61 =	vmul.f32 v24, v12  }
0xd6: {  	v30 =	vld [tilespmem:s12+$0xFFFFFE30];
	v47 =	vadd.f32 v53, v60;
	v62 =	vadd.f32 v45, v49  }
0xd7: {  	v45 =	vadd.f32 v0, v63;
	v49 =	vld [tilespmem:s12+$0xFFFFFE10];
	v51 =	vadd.f32 v54, v61  }
0xd8: {  	s18 =	spop (v2sf);
	v31 =	vld [tilespmem:s12+$0xFFFFFE50]  }
0xd9: {  	s21 =	ssub.s32 s18, s8;
	v55 =	vld [tilespmem:s5+$0xFFFFFFFA];
	v33 =	vadd.f32 v47, v2;
	v53 =	vperm.xlane v62, v6;
	v32 =	vadd.f32 v45, v51  }
0xda: {  	s18 =	sshll.u32 s21, $0x6;
	v58 =	vld [tilespmem:$0x1FFC0]  }
0xdb: {  	s18 =	sshra.s32 s18, $0x2;
	v28 =	vadd.f32 v62, v53;
	v50 =	vpop (erf);
	v54 =	vadd.f32 v32, v33;
	v32 =	vld [tilespmem:s12+$0xFFFFFE20]  }
0xdc: {  	v62 =	vmul.f32 v48, v8;
	v63 =	vmul.f32 v49, v9;
	[tilespmem:s18+$0x1E400] =	vst.add.f32.msk $0xffff, v50  }
0xdd: {  	v56 =	vperm.xlane v28, v7;
	v60 =	vmul.f32 v50, v29;
	v29 =	vld [tilespmem:s12+$0xFFFFFE70]  }
0xde: {  	s21 =	sshll.u32 s21, $0x9;
	v47 =	vadd.f32 v63, v62;
	v52 =	vmul.f32 v50, v39;
	v62 =	vmul.f32 v50, v17;
	v17 =	vld [tilespmem:s12+$0xFFFFFEB0]  }
0xdf: {  	s21 =	sshra.s32 s21, $0x2;
	(v2sf) =	vpush v55, $0x0;
	v28 =	vadd.f32 v28, v56;
	v63 =	vmul.f32 v50, v18;
	v18 =	vld [tilespmem:s12+$0xFFFFFEC0]  }
0xe0: {  	[tilespmem:s21+$0x14400] =	vst.add.f32.msk $0xffff, v52  }
0xe1: {  	v21 =	vmul.f32 v50, v21;
	v57 =	vsub.f32 v28, v16;
	v28 =	vld [tilespmem:s12+$0xFFFFFE40]  }
0xe2: {  	v23 =	vmul.f32 v50, v23;
	[tilespmem:s21+$0x14410] =	vst.add.f32.msk $0xffff, v60  }
0xe3: {  	[tilespmem:s21+$0x14420] =	vst.add.f32.msk $0xffff, v21  }
0xe4: {  	[tilespmem:s21+$0x14430] =	vst.add.f32.msk $0xffff, v23  }
0xe5: {  	v33 =	vperm.xlane v54, v4;
	v52 =	vld [tilespmem:s5+$0xFFFFFFFB]  }
0xe6: {  	v23 =	vld [tilespmem:s12+$0xFFFFFE90];
	v39 =	vmul.f32 $1.442695020e+00, v57  }
0xe7: {  	v21 =	vld [tilespmem:s12+$0xFFFFFEA0];
	v33 =	vadd.f32 v54, v33  }
0xe8: {  	[tilespmem:s21+$0x14440] =	vst.add.f32.msk $0xffff, v62;
	(erf) = vpow2.f32 v39  }
0xe9: {  	[tilespmem:s21+$0x14450] =	vst.add.f32.msk $0xffff, v63;
	v59 =	vperm.xlane v33, v58  }
0xea: {  	v1 =	vmul.f32 v30, v11;
	v63 =	vld [tilespmem:$0x1FFC0];
	v0 =	vmul.f32 v32, v10  }
0xeb: {  	v39 =	vld [tilespmem:s12+$0xFFFFFE80];
	v45 =	vadd.f32 v33, v59  }
0xec: {  	v60 =	vmul.f32 v31, v13;
	v51 =	vadd.f32 v1, v0;
	v1 =	vmul.f32 v50, v19;
	v19 =	vld [tilespmem:s12+$0xFFFFFED0]  }
0xed: {  	v33 =	vld [tilespmem:s12+$0xFFFFFE60];
	v2 =	vmul.f32 v28, v12;
	v61 =	vperm.xlane v45, v6  }
0xee: {  	v50 =	vmul.f32 v50, v20;
	v20 =	vld [tilespmem:s12+$0xFFFFFEF0];
	s18 =	spop (v2sf);
	(v2sf) =	vpush v52, $0x0;
	v52 =	vmul.f32 v21, v10  }
0xef: {  	[tilespmem:s21+$0x14460] =	vst.add.f32.msk $0xffff, v1;
	v53 =	vadd.f32 v60, v2;
	v60 =	vmul.f32 v17, v11;
	v45 =	vadd.f32 v45, v61  }
0xf0: {  	[tilespmem:s21+$0x14470] =	vst.add.f32.msk $0xffff, v50;
	s17 =	ssub.s32 s18, s8  }
0xf1: {  	v56 =	vmul.f32 v29, v15;
	s18 =	sshll.u32 s17, $0x6;
	v52 =	vadd.f32 v60, v52;
	v60 =	vld [tilespmem:s5+$0xFFFFFFFC];
	v57 =	vperm.xlane v45, v7;
	v54 =	vpop (erf)  }
0xf2: {  	v47 =	vadd.f32 v51, v47;
	s17 =	sshll.u32 s17, $0x9;
	s18 =	sshra.s32 s18, $0x2;
	v55 =	vmul.f32 v33, v14;
	v2 =	vmul.f32 v54, v22;
	v22 =	vld [tilespmem:s12+$0xFFFFFEE0]  }
0xf3: {  	v62 =	vmul.f32 v19, v13;
	s17 =	sshra.s32 s17, $0x2;
	v45 =	vadd.f32 v45, v57;
	v43 =	vmul.f32 v54, v43;
	[tilespmem:s18+$0x1E400] =	vst.add.f32.msk $0xffff, v54  }
0xf4: {  	v59 =	vmul.f32 v20, v15;
	v61 =	vadd.f32 v56, v55;
	v44 =	vmul.f32 v54, v44;
	[tilespmem:s17+$0x14400] =	vst.add.f32.msk $0xffff, v2  }
0xf5: {  	v55 =	vmul.f32 v39, v8;
	v42 =	vmul.f32 v54, v42;
	v45 =	vsub.f32 v45, v16;
	[tilespmem:s17+$0x14410] =	vst.add.f32.msk $0xffff, v43  }
0xf6: {  	v56 =	vmul.f32 v23, v9;
	v0 =	vadd.f32 v61, v53;
	v38 =	vmul.f32 v54, v38;
	[tilespmem:s17+$0x14420] =	vst.add.f32.msk $0xffff, v44  }
0xf7: {  	v36 =	vmul.f32 v54, v36;
	[tilespmem:s17+$0x14430] =	vst.add.f32.msk $0xffff, v42;
	v45 =	vmul.f32 $1.442695020e+00, v45  }
0xf8: {  	v61 =	vmul.f32 v18, v12;
	v47 =	vadd.f32 v0, v47;
	[tilespmem:s17+$0x14440] =	vst.add.f32.msk $0xffff, v38;
	v58 =	vmul.f32 v22, v14  }
0xf9: {  	v55 =	vadd.f32 v56, v55;
	v35 =	vmul.f32 v54, v35;
	[tilespmem:s17+$0x14450] =	vst.add.f32.msk $0xffff, v36;
	(erf) = vpow2.f32 v45  }
0xfa: {  	v2 =	vadd.f32 v62, v61;
	v44 =	vld [tilespmem:s12+$0xFFFFFF10];
	v51 =	vperm.xlane v47, v4;
	v53 =	vadd.f32 v59, v58  }
0xfb: {  	v57 =	vadd.f32 v52, v55;
	v62 =	vmul.f32 v54, v34;
	v34 =	vld [tilespmem:s12+$0xFFFFFF40]  }
0xfc: {  	[tilespmem:s17+$0x14470] =	vst.add.f32.msk $0xffff, v35;
	v47 =	vadd.f32 v47, v51;
	v43 =	vadd.f32 v53, v2  }
0xfd: {  	[tilespmem:s17+$0x14460] =	vst.add.f32.msk $0xffff, v62  }
0xfe: {  	v45 =	vld [tilespmem:s12+$0xFFFFFF20];
	v1 =	vperm.xlane v47, v63;
	v59 =	vadd.f32 v43, v57  }
0xff: {  	v51 =	vld [tilespmem:s12+$0xFFFFFF80]  }
0x100: {  	s21 =	spop (v2sf);
	v63 =	vld [tilespmem:$0x1FFC0];
	v56 =	vadd.f32 v47, v1;
	v43 =	vperm.xlane v59, v4  }
0x101: {  	s18 =	ssub.s32 s21, s8;
	v47 =	vld [tilespmem:s12+$0xFFFFFF00]  }
0x102: {  	s21 =	sshll.u32 s18, $0x6;
	v58 =	vperm.xlane v56, v6;
	v53 =	vpop (erf);
	v38 =	vadd.f32 v59, v43;
	v43 =	vld [tilespmem:s12+$0xFFFFFF30]  }
0x103: {  	s18 =	sshll.u32 s18, $0x9;
	s21 =	sshra.s32 s21, $0x2;
	v46 =	vmul.f32 v53, v46;
	v1 =	vmul.f32 v53, v41;
	v41 =	vld [tilespmem:s12+$0xFFFFFF70]  }
0x104: {  	s17 =	sshra.s32 s18, $0x2;
	v36 =	vadd.f32 v56, v58;
	[tilespmem:s21+$0x1E400] =	vst.add.f32.msk $0xffff, v53  }
0x105: {  	v37 =	vmul.f32 v53, v37;
	[tilespmem:s17+$0x14400] =	vst.add.f32.msk $0xffff, v46  }
0x106: {  	(v2sf) =	vpush v60, $0x0;
	v61 =	vperm.xlane v36, v7;
	[tilespmem:s17+$0x14410] =	vst.add.f32.msk $0xffff, v1  }
0x107: {  	v0 =	vperm.xlane v38, v63;
	[tilespmem:s17+$0x14420] =	vst.add.f32.msk $0xffff, v37  }
0x108: {  	v42 =	vmul.f32 v44, v9;
	v62 =	vmul.f32 v34, v12;
	v50 =	vadd.f32 v36, v61;
	v36 =	vld [tilespmem:s12+$0xFFFFFF50]  }
0x109: {  	v60 =	vmul.f32 v45, v10;
	v40 =	vmul.f32 v53, v40;
	v52 =	vadd.f32 v38, v0;
	v38 =	vld [tilespmem:s12+$0xFFFFFF60]  }
0x10a: {  	v35 =	vmul.f32 v47, v8;
	v24 =	vmul.f32 v53, v24;
	v46 =	vld [tilespmem:s5+$0xFFFFFFFD]  }
0x10b: {  	v26 =	vmul.f32 v53, v26;
	v27 =	vmul.f32 v53, v27;
	[tilespmem:s17+$0x14430] =	vst.add.f32.msk $0xffff, v40;
	v50 =	vsub.f32 v50, v16  }
0x10c: {  	v37 =	vld [tilespmem:s12+$0xFFFFFFC0];
	v61 =	vmul.f32 v43, v11;
	v2 =	vperm.xlane v52, v6  }
0x10d: {  	v35 =	vadd.f32 v42, v35;
	[tilespmem:s17+$0x14440] =	vst.add.f32.msk $0xffff, v24;
	v50 =	vmul.f32 $1.442695020e+00, v50;
	v63 =	vmul.f32 v36, v13  }
0x10e: {  	[tilespmem:s17+$0x14460] =	vst.add.f32.msk $0xffff, v26;
	v0 =	vadd.f32 v52, v2;
	v2 =	vmul.f32 v41, v15;
	v1 =	vmul.f32 v38, v14  }
0x10f: {  	[tilespmem:s17+$0x14470] =	vst.add.f32.msk $0xffff, v27;
	v56 =	vadd.f32 v61, v60;
	(v2sf) =	vpush v46, $0x0;
	(erf) = vpow2.f32 v50  }
0x110: {  	v46 =	vld [tilespmem:s12+$0x20];
	v57 =	vadd.f32 v63, v62;
	v58 =	vadd.f32 v2, v1  }
0x111: {  	v52 =	vld [tilespmem:s12+$0xFFFFFF90];
	v59 =	vperm.xlane v0, v7  }
0x112: {  	v35 =	vadd.f32 v56, v35;
	v50 =	vld [tilespmem:s12+$0xFFFFFFA0];
	v63 =	vmul.f32 v53, v25;
	v60 =	vadd.f32 v58, v57  }
0x113: {  	v25 =	vld [tilespmem:s12+$0xFFFFFFD0];
	v61 =	vadd.f32 v0, v59  }
0x114: {  	[tilespmem:s17+$0x14450] =	vst.add.f32.msk $0xffff, v63;
	v42 =	vadd.f32 v60, v35  }
0x115: {  	s21 =	spop (v2sf);
	v40 =	vsub.f32 v61, v16;
	v61 =	vld [tilespmem:$0x1FFC0]  }
0x116: {  	s18 =	ssub.s32 s21, s8;
	v35 =	vld [tilespmem:s12+$0xFFFFFFB0];
	v62 =	vperm.xlane v42, v4  }
0x117: {  	s21 =	sshll.u32 s18, $0x6;
	v60 =	vmul.f32 $1.442695020e+00, v40;
	v40 =	vld [tilespmem:s12+$0xFFFFFFF0]  }
0x118: {  	s21 =	sshra.s32 s21, $0x2;
	v1 =	vmul.f32 v37, v12;
	v2 =	vmul.f32 v25, v13;
	v53 =	vpop (erf);
	v54 =	vadd.f32 v42, v62;
	v42 =	vld [tilespmem:s12+$0xFFFFFFE0]  }
0x119: {  	[tilespmem:s21+$0x1E400] =	vst.add.f32.msk $0xffff, v53  }
0x11a: {  	s18 =	sshll.u32 s18, $0x9;
	v27 =	vadd.f32 v2, v1;
	v48 =	vmul.f32 v53, v48;
	v2 =	vmul.f32 v53, v32;
	v32 =	vld [tilespmem:s12+$0x30]  }
0x11b: {  	s17 =	sshra.s32 s18, $0x2;
	v49 =	vmul.f32 v53, v49;
	v57 =	vmul.f32 v53, v30;
	v30 =	vld [tilespmem:s12+$0x40]  }
0x11c: {  	[tilespmem:s17+$0x14400] =	vst.add.f32.msk $0xffff, v48  }
0x11d: {  	[tilespmem:s17+$0x14410] =	vst.add.f32.msk $0xffff, v49  }
0x11e: {  	v55 =	vmul.f32 v51, v8;
	v56 =	vmul.f32 v52, v9;
	v49 =	vld [tilespmem:s12+$0x0]  }
0x11f: {  	v63 =	vmul.f32 v50, v10;
	(erf) = vpow2.f32 v60;
	v48 =	vld [tilespmem:s12+$0x10]  }
0x120: {  	v28 =	vmul.f32 v53, v28;
	v31 =	vmul.f32 v53, v31;
	[tilespmem:s17+$0x14420] =	vst.add.f32.msk $0xffff, v2  }
0x121: {  	v0 =	vmul.f32 v35, v11;
	v62 =	vperm.xlane v54, v61;
	[tilespmem:s17+$0x14430] =	vst.add.f32.msk $0xffff, v57  }
0x122: {  	v33 =	vmul.f32 v53, v33;
	v29 =	vmul.f32 v53, v29;
	[tilespmem:s17+$0x14440] =	vst.add.f32.msk $0xffff, v28  }
0x123: {  	v61 =	vmul.f32 v40, v15;
	v26 =	vadd.f32 v0, v63;
	v0 =	vld [tilespmem:s5+$0xFFFFFFFE];
	v24 =	vadd.f32 v54, v62  }
0x124: {  	v55 =	vadd.f32 v56, v55;
	v28 =	vmul.f32 v46, v10;
	[tilespmem:s17+$0x14450] =	vst.add.f32.msk $0xffff, v31;
	v60 =	vmul.f32 v42, v14  }
0x125: {  	[tilespmem:s17+$0x14460] =	vst.add.f32.msk $0xffff, v33;
	v59 =	vmul.f32 v32, v11;
	v62 =	vperm.xlane v24, v6  }
0x126: {  	[tilespmem:s17+$0x14470] =	vst.add.f32.msk $0xffff, v29;
	s21 =	spop (v2sf);
	v26 =	vadd.f32 v26, v55;
	v63 =	vadd.f32 v61, v60  }
0x127: {  	v29 =	vld [tilespmem:s12+$0x90];
	s18 =	ssub.s32 s21, s8;
	v28 =	vadd.f32 v59, v28;
	v24 =	vadd.f32 v24, v62  }
0x128: {  	s21 =	sshll.u32 s18, $0x6;
	v59 =	vld [tilespmem:s5+$0xFFFFFFFF];
	(v2sf) =	vpush v0, $0x0;
	v27 =	vadd.f32 v63, v27  }
0x129: {  	s21 =	sshra.s32 s21, $0x2;
	v54 =	vpop (erf);
	v63 =	vld [tilespmem:$0x1FFC0];
	v1 =	vperm.xlane v24, v7  }
0x12a: {  	s18 =	sshll.u32 s18, $0x9;
	v39 =	vmul.f32 v54, v39;
	[tilespmem:s21+$0x1E400] =	vst.add.f32.msk $0xffff, v54;
	v26 =	vadd.f32 v27, v26  }
0x12b: {  	s17 =	sshra.s32 s18, $0x2;
	v27 =	vld [tilespmem:s12+$0x70];
	v60 =	vadd.f32 v24, v1  }
0x12c: {  	v2 =	vmul.f32 v30, v12;
	[tilespmem:s17+$0x14400] =	vst.add.f32.msk $0xffff, v39;
	v61 =	vperm.xlane v26, v4  }
0x12d: {  	v57 =	vmul.f32 v49, v8;
	v23 =	vmul.f32 v54, v23;
	v24 =	vld [tilespmem:s12+$0x50];
	v62 =	vsub.f32 v60, v16  }
0x12e: {  	v21 =	vmul.f32 v54, v21;
	v17 =	vmul.f32 v54, v17;
	v55 =	vadd.f32 v26, v61;
	v26 =	vld [tilespmem:s12+$0x60]  }
0x12f: {  	v18 =	vmul.f32 v54, v18;
	[tilespmem:s17+$0x14410] =	vst.add.f32.msk $0xffff, v23;
	v53 =	vmul.f32 $1.442695020e+00, v62  }
0x130: {  	[tilespmem:s17+$0x14430] =	vst.add.f32.msk $0xffff, v17;
	v17 =	vmul.f32 v54, v19;
	v0 =	vperm.xlane v55, v63  }
0x131: {  	[tilespmem:s17+$0x14440] =	vst.add.f32.msk $0xffff, v18;
	v18 =	vmul.f32 v54, v22;
	(erf) = vpow2.f32 v53  }
0x132: {  	[tilespmem:s17+$0x14420] =	vst.add.f32.msk $0xffff, v21;
	v1 =	vmul.f32 v48, v9;
	v60 =	vmul.f32 v24, v13;
	v62 =	vadd.f32 v55, v0  }
0x133: {  	v21 =	vld [tilespmem:s12+$0x130];
	v0 =	vmul.f32 v27, v15;
	v63 =	vmul.f32 v26, v14  }
0x134: {  	[tilespmem:s17+$0x14450] =	vst.add.f32.msk $0xffff, v17;
	v1 =	vadd.f32 v1, v57;
	v55 =	vperm.xlane v62, v6  }
0x135: {  	v17 =	vmul.f32 v54, v20;
	[tilespmem:s17+$0x14460] =	vst.add.f32.msk $0xffff, v18;
	v31 =	vadd.f32 v60, v2;
	v2 =	vadd.f32 v0, v63  }
0x136: {  	v54 =	vld [tilespmem:s12+$0xB0];
	v58 =	vadd.f32 v62, v55  }
0x137: {  	[tilespmem:s17+$0x14470] =	vst.add.f32.msk $0xffff, v17;
	v56 =	vadd.f32 v28, v1;
	s21 =	spop (v2sf);
	v57 =	vadd.f32 v2, v31  }
0x138: {  	v53 =	vld [tilespmem:s12+$0xC0];
	s18 =	ssub.s32 s21, s8;
	v19 =	vperm.xlane v58, v7  }
0x139: {  	v63 =	vld [tilespmem:$0x1FFC0];
	s21 =	sshll.u32 s18, $0x6;
	v23 =	vadd.f32 v57, v56  }
0x13a: {  	(v2sf) =	vpush v59, $0x0;
	v31 =	vld [tilespmem:s12+$0xA0];
	s21 =	sshra.s32 s21, $0x2;
	v19 =	vadd.f32 v58, v19;
	v18 =	vpop (erf)  }
0x13b: {  	v60 =	vperm.xlane v23, v4;
	[tilespmem:s21+$0x1E400] =	vst.add.f32.msk $0xffff, v18  }
0x13c: {  	v17 =	vmul.f32 v18, v47;
	v47 =	vld [tilespmem:s12+$0xD0];
	v19 =	vsub.f32 v19, v16  }
0x13d: {  	v62 =	vmul.f32 v18, v44;
	v56 =	vmul.f32 v18, v38;
	v38 =	vld [tilespmem:s12+$0xE0];
	v61 =	vadd.f32 v23, v60  }
0x13e: {  	s18 =	sshll.u32 s18, $0x9;
	v1 =	vmul.f32 v18, v43;
	v44 =	vld [tilespmem:s12+$0xF0];
	v19 =	vmul.f32 $1.442695020e+00, v19  }
0x13f: {  	s17 =	sshra.s32 s18, $0x2;
	v2 =	vmul.f32 v18, v34;
	v43 =	vld [tilespmem:s12+$0x110];
	v22 =	vperm.xlane v61, v63  }
0x140: {  	[tilespmem:s17+$0x14400] =	vst.add.f32.msk $0xffff, v17;
	v17 =	vmul.f32 v18, v45;
	(erf) = vpow2.f32 v19  }
0x141: {  	v55 =	vmul.f32 v18, v36;
	[tilespmem:s17+$0x14430] =	vst.add.f32.msk $0xffff, v1;
	v18 =	vmul.f32 v18, v41;
	v20 =	vadd.f32 v61, v22  }
0x142: {  	[tilespmem:s17+$0x14420] =	vst.add.f32.msk $0xffff, v17  }
0x143: {  	[tilespmem:s17+$0x14470] =	vst.add.f32.msk $0xffff, v18;
	v17 =	vperm.xlane v20, v6  }
0x144: {  	v19 =	vld [tilespmem:s5+$0x0]  }
0x145: {  	v18 =	vmul.f32 v53, v12;
	v0 =	vmul.f32 v47, v13;
	v22 =	vld [tilespmem:s12+$0x80];
	v17 =	vadd.f32 v20, v17  }
0x146: {  	[tilespmem:s17+$0x14440] =	vst.add.f32.msk $0xffff, v2;
	v1 =	vmul.f32 v38, v14;
	v2 =	vmul.f32 v44, v15  }
0x147: {  	[tilespmem:s17+$0x14410] =	vst.add.f32.msk $0xffff, v62;
	v62 =	vmul.f32 v29, v9;
	v20 =	vperm.xlane v17, v7  }
0x148: {  	[tilespmem:s17+$0x14450] =	vst.add.f32.msk $0xffff, v55;
	v63 =	vmul.f32 v54, v11;
	v18 =	vadd.f32 v0, v18;
	v39 =	vadd.f32 v2, v1  }
0x149: {  	[tilespmem:s17+$0x14460] =	vst.add.f32.msk $0xffff, v56;
	s21 =	spop (v2sf);
	(v2sf) =	vpush v19, $0x0;
	v19 =	vmul.f32 v31, v10;
	v17 =	vadd.f32 v17, v20;
	v57 =	vpop (erf)  }
0x14a: {  	v45 =	vld [tilespmem:s12+$0x100];
	v18 =	vadd.f32 v39, v18;
	s18 =	ssub.s32 s21, s8;
	v61 =	vmul.f32 v22, v8;
	v58 =	vmul.f32 v57, v51  }
0x14b: {  	v39 =	vld [tilespmem:s12+$0x120];
	s21 =	sshll.u32 s18, $0x6;
	v59 =	vmul.f32 v57, v52;
	v60 =	vmul.f32 v57, v50;
	v17 =	vsub.f32 v17, v16  }
0x14c: {  	s21 =	sshra.s32 s21, $0x2;
	v20 =	vld [tilespmem:s12+$0x170];
	v50 =	vmul.f32 v57, v35;
	v51 =	vmul.f32 v57, v37  }
0x14d: {  	[tilespmem:s21+$0x1E400] =	vst.add.f32.msk $0xffff, v57;
	v25 =	vmul.f32 v57, v25;
	v17 =	vmul.f32 $1.442695020e+00, v17  }
0x14e: {  	s18 =	sshll.u32 s18, $0x9;
	v52 =	vmul.f32 v57, v42;
	v28 =	vmul.f32 v57, v40;
	v57 =	vld [tilespmem:$0x1FFC0]  }
0x14f: {  	v19 =	vadd.f32 v63, v19;
	s17 =	sshra.s32 s18, $0x2;
	v42 =	vld [tilespmem:s12+$0x2C0];
	(erf) = vpow2.f32 v17;
	v17 =	vadd.f32 v62, v61  }
0x150: {  	[tilespmem:s17+$0x14400] =	vst.add.f32.msk $0xffff, v58  }
0x151: {  	[tilespmem:s17+$0x14410] =	vst.add.f32.msk $0xffff, v59;
	v17 =	vadd.f32 v19, v17  }
0x152: {  	[tilespmem:s17+$0x14420] =	vst.add.f32.msk $0xffff, v60  }
0x153: {  	[tilespmem:s17+$0x14430] =	vst.add.f32.msk $0xffff, v50;
	v19 =	vadd.f32 v18, v17  }
0x154: {  	[tilespmem:s17+$0x14440] =	vst.add.f32.msk $0xffff, v51  }
0x155: {  	v18 =	vld [tilespmem:s12+$0x140];
	v41 =	vperm.xlane v19, v4  }
0x156: {  	v17 =	vld [tilespmem:s12+$0x150]  }
0x157: {  	v59 =	vmul.f32 v45, v8;
	v55 =	vadd.f32 v19, v41;
	v19 =	vld [tilespmem:s12+$0x160]  }
0x158: {  	v60 =	vmul.f32 v43, v9;
	[tilespmem:s17+$0x14450] =	vst.add.f32.msk $0xffff, v25;
	v61 =	vmul.f32 v39, v10  }
0x159: {  	[tilespmem:s17+$0x14460] =	vst.add.f32.msk $0xffff, v52;
	v62 =	vmul.f32 v21, v11;
	v58 =	vperm.xlane v55, v57  }
0x15a: {  	[tilespmem:s17+$0x14470] =	vst.add.f32.msk $0xffff, v28;
	v52 =	vmul.f32 v20, v15;
	v33 =	vadd.f32 v60, v59  }
0x15b: {  	v51 =	vld [tilespmem:s12+$0x180];
	v25 =	vadd.f32 v62, v61;
	v0 =	vmul.f32 v18, v12;
	v63 =	vadd.f32 v55, v58  }
0x15c: {  	v62 =	vld [tilespmem:$0x1FFC0];
	s21 =	spop (v2sf);
	v1 =	vmul.f32 v17, v13;
	v2 =	vmul.f32 v19, v14  }
0x15d: {  	v25 =	vadd.f32 v25, v33;
	v33 =	vld [tilespmem:s12+$0x1A0];
	s18 =	ssub.s32 s21, s8;
	v55 =	vperm.xlane v63, v6  }
0x15e: {  	s21 =	sshll.u32 s18, $0x6;
	v41 =	vld [tilespmem:s5+$0x2];
	v36 =	vadd.f32 v1, v0;
	v28 =	vadd.f32 v52, v2  }
0x15f: {  	s21 =	sshra.s32 s21, $0x2;
	v35 =	vpop (erf);
	v57 =	vld [tilespmem:s5+$0x1];
	v34 =	vadd.f32 v63, v55  }
0x160: {  	s18 =	sshll.u32 s18, $0x9;
	v56 =	vmul.f32 v35, v48;
	[tilespmem:s21+$0x1E400] =	vst.add.f32.msk $0xffff, v35;
	v28 =	vadd.f32 v28, v36  }
0x161: {  	s21 =	sshra.s32 s18, $0x2;
	v0 =	vmul.f32 v35, v24;
	v24 =	vld [tilespmem:s12+$0x1F0];
	v59 =	vperm.xlane v34, v7  }
0x162: {  	[tilespmem:s21+$0x14410] =	vst.add.f32.msk $0xffff, v56;
	v25 =	vadd.f32 v28, v25  }
0x163: {  	v58 =	vmul.f32 v35, v30;
	v30 =	vld [tilespmem:s12+$0x1E0];
	v60 =	vadd.f32 v34, v59  }
0x164: {  	(v2sf) =	vpush v57, $0x0;
	v36 =	vld [tilespmem:s12+$0x190];
	v28 =	vperm.xlane v25, v4  }
0x165: {  	v37 =	vmul.f32 v35, v49;
	v32 =	vmul.f32 v35, v32;
	v34 =	vld [tilespmem:s12+$0x1B0];
	v23 =	vsub.f32 v60, v16  }
0x166: {  	v26 =	vmul.f32 v35, v26;
	v27 =	vmul.f32 v35, v27;
	v28 =	vadd.f32 v25, v28;
	v25 =	vld [tilespmem:s12+$0x1D0]  }
0x167: {  	v56 =	vmul.f32 v35, v46;
	v61 =	vmul.f32 $1.442695020e+00, v23;
	v23 =	vld [tilespmem:s12+$0x1C0]  }
0x168: {  	[tilespmem:s21+$0x14400] =	vst.add.f32.msk $0xffff, v37;
	v2 =	vmul.f32 v51, v8;
	v55 =	vmul.f32 v33, v10  }
0x169: {  	[tilespmem:s21+$0x14430] =	vst.add.f32.msk $0xffff, v32;
	v59 =	vmul.f32 v30, v14;
	v52 =	vmul.f32 v36, v9  }
0x16a: {  	[tilespmem:s21+$0x14460] =	vst.add.f32.msk $0xffff, v26;
	v60 =	vmul.f32 v24, v15;
	(erf) = vpow2.f32 v61  }
0x16b: {  	[tilespmem:s21+$0x14420] =	vst.add.f32.msk $0xffff, v56;
	v63 =	vperm.xlane v28, v62;
	v56 =	vmul.f32 v34, v11  }
0x16c: {  	[tilespmem:s21+$0x14440] =	vst.add.f32.msk $0xffff, v58;
	v35 =	vadd.f32 v52, v2;
	v58 =	vmul.f32 v25, v13;
	v57 =	vmul.f32 v23, v12  }
0x16d: {  	[tilespmem:s21+$0x14450] =	vst.add.f32.msk $0xffff, v0;
	v0 =	vadd.f32 v60, v59;
	v28 =	vadd.f32 v28, v63  }
0x16e: {  	[tilespmem:s21+$0x14470] =	vst.add.f32.msk $0xffff, v27;
	v62 =	vadd.f32 v56, v55;
	v63 =	vadd.f32 v58, v57  }
0x16f: {  	v27 =	vld [tilespmem:s12+$0x210];
	v1 =	vperm.xlane v28, v6  }
0x170: {  	v26 =	vld [tilespmem:s12+$0x200];
	v35 =	vadd.f32 v62, v35;
	v56 =	vadd.f32 v0, v63  }
0x171: {  	v32 =	vadd.f32 v28, v1;
	v28 =	vld [tilespmem:s12+$0x220]  }
0x172: {  	v37 =	vadd.f32 v56, v35;
	v35 =	vld [tilespmem:s12+$0x270]  }
0x173: {  	s18 =	spop (v2sf);
	v61 =	vperm.xlane v32, v7;
	v50 =	vpop (erf);
	v56 =	vld [tilespmem:s5+$0x3]  }
0x174: {  	v62 =	vmul.f32 v27, v9;
	s17 =	ssub.s32 s18, s8;
	v1 =	vmul.f32 v50, v22;
	v22 =	vld [tilespmem:s12+$0x230]  }
0x175: {  	s21 =	sshll.u32 s17, $0x6;
	v32 =	vadd.f32 v32, v61;
	v61 =	vmul.f32 v26, v8;
	v2 =	vmul.f32 v50, v29;
	v29 =	vld [tilespmem:s12+$0x240]  }
0x176: {  	s18 =	sshra.s32 s21, $0x2;
	v57 =	vmul.f32 v50, v31;
	v58 =	vmul.f32 v50, v54;
	v31 =	vld [tilespmem:s12+$0x250]  }
0x177: {  	(v2sf) =	vpush v41, $0x0;
	v52 =	vmul.f32 v50, v53;
	v41 =	vmul.f32 v50, v47;
	[tilespmem:s18+$0x1E400] =	vst.add.f32.msk $0xffff, v50  }
0x178: {  	v38 =	vmul.f32 v50, v38;
	v50 =	vmul.f32 v50, v44;
	v44 =	vld [tilespmem:s12+$0x2E0]  }
0x179: {  	s17 =	sshll.u32 s17, $0x9;
	v49 =	vsub.f32 v32, v16;
	v32 =	vld [tilespmem:s12+$0x260]  }
0x17a: {  	s17 =	sshra.s32 s17, $0x2;
	v46 =	vadd.f32 v62, v61;
	v61 =	vld [tilespmem:$0x1FFC0]  }
0x17b: {  	[tilespmem:s17+$0x14400] =	vst.add.f32.msk $0xffff, v1  }
0x17c: {  	v63 =	vmul.f32 v28, v10;
	[tilespmem:s17+$0x14410] =	vst.add.f32.msk $0xffff, v2  }
0x17d: {  	v60 =	vperm.xlane v37, v4;
	[tilespmem:s17+$0x14420] =	vst.add.f32.msk $0xffff, v57;
	v59 =	vmul.f32 $1.442695020e+00, v49  }
0x17e: {  	[tilespmem:s17+$0x14430] =	vst.add.f32.msk $0xffff, v58;
	v58 =	vmul.f32 v35, v15;
	v0 =	vmul.f32 v22, v11  }
0x17f: {  	[tilespmem:s17+$0x14440] =	vst.add.f32.msk $0xffff, v52;
	v37 =	vadd.f32 v37, v60;
	v1 =	vmul.f32 v29, v12;
	(erf) = vpow2.f32 v59  }
0x180: {  	[tilespmem:s17+$0x14450] =	vst.add.f32.msk $0xffff, v41;
	v2 =	vmul.f32 v31, v13;
	v57 =	vmul.f32 v32, v14  }
0x181: {  	[tilespmem:s17+$0x14460] =	vst.add.f32.msk $0xffff, v38;
	v62 =	vperm.xlane v37, v61;
	v59 =	vadd.f32 v0, v63  }
0x182: {  	v38 =	vld [tilespmem:s12+$0x2D0];
	v40 =	vadd.f32 v2, v1;
	v60 =	vadd.f32 v58, v57  }
0x183: {  	[tilespmem:s17+$0x14470] =	vst.add.f32.msk $0xffff, v50;
	v0 =	vadd.f32 v37, v62  }
0x184: {  	v37 =	vld [tilespmem:s12+$0x2B0];
	v63 =	vadd.f32 v59, v46;
	v41 =	vadd.f32 v60, v40  }
0x185: {  	v46 =	vld [tilespmem:s12+$0x280];
	v2 =	vperm.xlane v0, v6  }
0x186: {  	s21 =	spop (v2sf);
	v40 =	vld [tilespmem:s12+$0x290];
	v1 =	vadd.f32 v41, v63  }
0x187: {  	s18 =	ssub.s32 s21, s8;
	v41 =	vld [tilespmem:s12+$0x2A0];
	v47 =	vadd.f32 v0, v2;
	v0 =	vmul.f32 v42, v12  }
0x188: {  	s21 =	sshll.u32 s18, $0x6;
	v63 =	vld [tilespmem:$0x1FFC0];
	v2 =	vmul.f32 v44, v14;
	v60 =	vperm.xlane v1, v4;
	v57 =	vpop (erf)  }
0x189: {  	s21 =	sshra.s32 s21, $0x2;
	v62 =	vperm.xlane v47, v7;
	v61 =	vmul.f32 v57, v45;
	v45 =	vld [tilespmem:s12+$0x2F0]  }
0x18a: {  	v55 =	vmul.f32 v37, v11;
	v53 =	vmul.f32 v46, v8;
	[tilespmem:s21+$0x1E400] =	vst.add.f32.msk $0xffff, v57  }
0x18b: {  	s18 =	sshll.u32 s18, $0x9;
	v54 =	vmul.f32 v40, v9;
	v48 =	vadd.f32 v1, v60;
	v50 =	vadd.f32 v47, v62;
	v47 =	vld [tilespmem:s12+$0x310]  }
0x18c: {  	s21 =	sshra.s32 s18, $0x2;
	v62 =	vmul.f32 v57, v39;
	v39 =	vld [tilespmem:s12+$0x370];
	v49 =	vmul.f32 v41, v10  }
0x18d: {  	v1 =	vmul.f32 v38, v13;
	[tilespmem:s21+$0x14400] =	vst.add.f32.msk $0xffff, v61;
	v52 =	vperm.xlane v48, v63  }
0x18e: {  	v53 =	vadd.f32 v54, v53;
	[tilespmem:s21+$0x14420] =	vst.add.f32.msk $0xffff, v62;
	v63 =	vadd.f32 v55, v49;
	v61 =	vmul.f32 v45, v15  }
0x18f: {  	v0 =	vadd.f32 v1, v0;
	v62 =	vld [tilespmem:s5+$0x4];
	v60 =	vadd.f32 v48, v52  }
0x190: {  	v54 =	vadd.f32 v63, v53;
	v53 =	vld [tilespmem:s12+$0x350];
	v52 =	vadd.f32 v61, v2  }
0x191: {  	v1 =	vsub.f32 v50, v16;
	v61 =	vmul.f32 v57, v43;
	v43 =	vld [tilespmem:s12+$0x360]  }
0x192: {  	v55 =	vadd.f32 v52, v0;
	v52 =	vld [tilespmem:s12+$0x340]  }
0x193: {  	v49 =	vld [tilespmem:s12+$0x320];
	v58 =	vmul.f32 $1.442695020e+00, v1  }
0x194: {  	(v2sf) =	vpush v56, $0x0;
	v50 =	vld [tilespmem:s12+$0x330];
	v2 =	vperm.xlane v60, v6  }
0x195: {  	v48 =	vld [tilespmem:s12+$0x300];
	v5 =	vmul.f32 v39, v15;
	(erf) = vpow2.f32 v58;
	(v2sf) =	vpush v62, $0x0  }
0x196: {  	v62 =	vmul.f32 v57, v18;
	v59 =	vadd.f32 v60, v2;
	v2 =	vmul.f32 v53, v13  }
0x197: {  	v3 =	vmul.f32 v43, v14;
	v1 =	vmul.f32 v52, v12  }
0x198: {  	[tilespmem:s21+$0x14410] =	vst.add.f32.msk $0xffff, v61;
	v61 =	vmul.f32 v47, v9;
	v63 =	vmul.f32 v49, v10;
	v54 =	vadd.f32 v55, v54  }
0x199: {  	v0 =	vmul.f32 v50, v11;
	v1 =	vadd.f32 v2, v1;
	v2 =	vadd.f32 v5, v3;
	v5 =	vld [tilespmem:$0x1FFC0]  }
0x19a: {  	v18 =	vld [tilespmem:s12+$0x3C0];
	v60 =	vmul.f32 v48, v8;
	v58 =	vperm.xlane v54, v4  }
0x19b: {  	v56 =	vperm.xlane v59, v7;
	v55 =	vld [tilespmem:s12+$0x380];
	v0 =	vadd.f32 v0, v63  }
0x19c: {  	v60 =	vadd.f32 v61, v60;
	v61 =	vmul.f32 v57, v21;
	v21 =	vld [tilespmem:s12+$0x3A0];
	v58 =	vadd.f32 v54, v58  }
0x19d: {  	v56 =	vadd.f32 v59, v56;
	v59 =	vld [tilespmem:s5+$0x5]  }
0x19e: {  	v0 =	vadd.f32 v0, v60;
	v60 =	vmul.f32 v57, v19;
	v19 =	vld [tilespmem:s12+$0x3E0];
	v5 =	vperm.xlane v58, v5  }
0x19f: {  	v54 =	vld [tilespmem:s12+$0x390]  }
0x1a0: {  	v3 =	vsub.f32 v56, v16;
	v56 =	vld [tilespmem:s12+$0x3B0];
	v5 =	vadd.f32 v58, v5  }
0x1a1: {  	[tilespmem:s21+$0x14430] =	vst.add.f32.msk $0xffff, v61  }
0x1a2: {  	v1 =	vadd.f32 v2, v1;
	v2 =	vmul.f32 v57, v17;
	v17 =	vld [tilespmem:s12+$0x3D0];
	v63 =	vperm.xlane v5, v6  }
0x1a3: {  	s18 =	spop (v2sf);
	v57 =	vmul.f32 v57, v20;
	v3 =	vmul.f32 $1.442695020e+00, v3;
	v20 =	vld [tilespmem:s12+$0x3F0];
	(v2sf) =	vpush v59, $0x0  }
0x1a4: {  	v61 =	vmul.f32 v54, v9;
	[tilespmem:s21+$0x14450] =	vst.add.f32.msk $0xffff, v2;
	v2 =	vmul.f32 v21, v10;
	v5 =	vadd.f32 v5, v63  }
0x1a5: {  	v0 =	vadd.f32 v1, v0;
	[tilespmem:s21+$0x14470] =	vst.add.f32.msk $0xffff, v57;
	v57 =	vmul.f32 v19, v14;
	v59 =	vmul.f32 v56, v11  }
0x1a6: {  	s17 =	ssub.s32 s18, s8;
	[tilespmem:s21+$0x14440] =	vst.add.f32.msk $0xffff, v62;
	v58 =	vpop (erf);
	(erf) = vpow2.f32 v3;
	v63 =	vperm.xlane v5, v7  }
0x1a7: {  	s18 =	sshll.u32 s17, $0x6;
	[tilespmem:s21+$0x14460] =	vst.add.f32.msk $0xffff, v60;
	v3 =	vperm.xlane v0, v4;
	v60 =	vmul.f32 v17, v13  }
0x1a8: {  	s17 =	sshll.u32 s17, $0x9;
	s18 =	sshra.s32 s18, $0x2;
	v1 =	vmul.f32 v58, v51;
	v51 =	vmul.f32 v55, v8;
	v5 =	vadd.f32 v5, v63;
	v63 =	vld [tilespmem:$0x1FFC0]  }
0x1a9: {  	s17 =	sshra.s32 s17, $0x2;
	[tilespmem:s18+$0x1E400] =	vst.add.f32.msk $0xffff, v58;
	v36 =	vmul.f32 v58, v36;
	v33 =	vmul.f32 v58, v33;
	v0 =	vadd.f32 v0, v3  }
0x1aa: {  	v3 =	vmul.f32 v18, v12;
	v51 =	vadd.f32 v61, v51;
	v61 =	vmul.f32 v20, v15;
	[tilespmem:s17+$0x14400] =	vst.add.f32.msk $0xffff, v1  }
0x1ab: {  	v2 =	vadd.f32 v59, v2;
	v34 =	vmul.f32 v58, v34;
	[tilespmem:s17+$0x14410] =	vst.add.f32.msk $0xffff, v36  }
0x1ac: {  	[tilespmem:s17+$0x14420] =	vst.add.f32.msk $0xffff, v33;
	v62 =	vadd.f32 v60, v3;
	v3 =	vadd.f32 v61, v57  }
0x1ad: {  	v59 =	vmul.f32 v58, v30;
	[tilespmem:s17+$0x14430] =	vst.add.f32.msk $0xffff, v34;
	v36 =	vperm.xlane v0, v63  }
0x1ae: {  	v34 =	vld [tilespmem:$0x1FFC0];
	v2 =	vadd.f32 v2, v51;
	v1 =	vadd.f32 v3, v62  }
0x1af: {  	[tilespmem:s17+$0x14460] =	vst.add.f32.msk $0xffff, v59;
	v3 =	vmul.f32 v58, v23;
	v0 =	vadd.f32 v0, v36  }
0x1b0: {  	s21 =	spop (v2sf);
	v60 =	vld [tilespmem:s5+$0x6];
	v57 =	vmul.f32 v58, v25;
	v1 =	vadd.f32 v1, v2;
	v5 =	vsub.f32 v5, v16  }
0x1b1: {  	s18 =	ssub.s32 s21, s8;
	[tilespmem:s17+$0x14440] =	vst.add.f32.msk $0xffff, v3;
	v3 =	vmul.f32 v58, v24;
	v61 =	vperm.xlane v0, v6  }
0x1b2: {  	s21 =	sshll.u32 s18, $0x6;
	[tilespmem:s17+$0x14450] =	vst.add.f32.msk $0xffff, v57;
	v62 =	vperm.xlane v1, v4;
	v5 =	vmul.f32 $1.442695020e+00, v5;
	v63 =	vpop (erf)  }
0x1b3: {  	s18 =	sshll.u32 s18, $0x9;
	s21 =	sshra.s32 s21, $0x2;
	[tilespmem:s17+$0x14470] =	vst.add.f32.msk $0xffff, v3;
	v3 =	vmul.f32 v63, v26;
	v0 =	vadd.f32 v0, v61  }
0x1b4: {  	s17 =	sshra.s32 s18, $0x2;
	v1 =	vadd.f32 v1, v62;
	(erf) = vpow2.f32 v5;
	[tilespmem:s21+$0x1E400] =	vst.add.f32.msk $0xffff, v63;
	v5 =	vmul.f32 v63, v27  }
0x1b5: {  	(v2sf) =	vpush v60, $0x0;
	[tilespmem:s17+$0x14400] =	vst.add.f32.msk $0xffff, v3;
	v3 =	vmul.f32 v63, v28;
	v27 =	vperm.xlane v0, v7  }
0x1b6: {  	v23 =	vperm.xlane v1, v34;
	[tilespmem:s17+$0x14410] =	vst.add.f32.msk $0xffff, v5  }
0x1b7: {  	[tilespmem:s17+$0x14420] =	vst.add.f32.msk $0xffff, v3;
	v3 =	vmul.f32 v63, v29;
	v0 =	vadd.f32 v0, v27  }
0x1b8: {  	v5 =	vld [tilespmem:s5+$0x7];
	v1 =	vadd.f32 v1, v23  }
0x1b9: {  	v28 =	vmul.f32 v63, v22;
	[tilespmem:s17+$0x14440] =	vst.add.f32.msk $0xffff, v3;
	v3 =	vmul.f32 v63, v32;
	v0 =	vsub.f32 v0, v16  }
0x1ba: {  	v29 =	vmul.f32 v63, v31;
	v30 =	vperm.xlane v1, v6  }
0x1bb: {  	s21 =	spop (v2sf);
	[tilespmem:s17+$0x14430] =	vst.add.f32.msk $0xffff, v28;
	v0 =	vmul.f32 $1.442695020e+00, v0  }
0x1bc: {  	s18 =	ssub.s32 s21, s8;
	v31 =	vmul.f32 v63, v35;
	[tilespmem:s17+$0x14450] =	vst.add.f32.msk $0xffff, v29;
	v1 =	vadd.f32 v1, v30  }
0x1bd: {  	s21 =	sshll.u32 s18, $0x6;
	[tilespmem:s17+$0x14460] =	vst.add.f32.msk $0xffff, v3;
	v3 =	vpop (erf);
	(erf) = vpow2.f32 v0  }
0x1be: {  	s18 =	sshll.u32 s18, $0x9;
	s21 =	sshra.s32 s21, $0x2;
	[tilespmem:s17+$0x14470] =	vst.add.f32.msk $0xffff, v31;
	(v2sf) =	vpush v5, $0x0;
	v33 =	vperm.xlane v1, v7;
	v32 =	vmul.f32 v3, v46  }
0x1bf: {  	s17 =	sshra.s32 s18, $0x2;
	[tilespmem:s21+$0x1E400] =	vst.add.f32.msk $0xffff, v3;
	v5 =	vmul.f32 v3, v40  }
0x1c0: {  	v35 =	vadd.f32 v1, v33;
	v36 =	vmul.f32 v3, v41;
	[tilespmem:s17+$0x14400] =	vst.add.f32.msk $0xffff, v32  }
0x1c1: {  	v37 =	vmul.f32 v3, v37;
	[tilespmem:s17+$0x14410] =	vst.add.f32.msk $0xffff, v5  }
0x1c2: {  	v40 =	vmul.f32 v3, v42;
	[tilespmem:s17+$0x14420] =	vst.add.f32.msk $0xffff, v36;
	v0 =	vsub.f32 v35, v16  }
0x1c3: {  	v41 =	vmul.f32 v3, v38;
	[tilespmem:s17+$0x14430] =	vst.add.f32.msk $0xffff, v37  }
0x1c4: {  	s21 =	spop (v2sf);
	v42 =	vmul.f32 v3, v44;
	[tilespmem:s17+$0x14440] =	vst.add.f32.msk $0xffff, v40;
	v0 =	vmul.f32 $1.442695020e+00, v0  }
0x1c5: {  	v44 =	vmul.f32 v3, v45;
	s18 =	ssub.s32 s21, s8;
	[tilespmem:s17+$0x14450] =	vst.add.f32.msk $0xffff, v41  }
0x1c6: {  	[tilespmem:s17+$0x14460] =	vst.add.f32.msk $0xffff, v42;
	s21 =	sshll.u32 s18, $0x6;
	v45 =	vpop (erf);
	(erf) = vpow2.f32 v0  }
0x1c7: {  	[tilespmem:s17+$0x14470] =	vst.add.f32.msk $0xffff, v44;
	s18 =	sshll.u32 s18, $0x9;
	s21 =	sshra.s32 s21, $0x2;
	v46 =	vmul.f32 v45, v48  }
0x1c8: {  	s17 =	sshra.s32 s18, $0x2;
	[tilespmem:s21+$0x1E400] =	vst.add.f32.msk $0xffff, v45;
	v47 =	vmul.f32 v45, v47  }
0x1c9: {  	v48 =	vmul.f32 v45, v49;
	[tilespmem:s17+$0x14400] =	vst.add.f32.msk $0xffff, v46  }
0x1ca: {  	v49 =	vmul.f32 v45, v50;
	[tilespmem:s17+$0x14410] =	vst.add.f32.msk $0xffff, v47  }
0x1cb: {  	v50 =	vmul.f32 v45, v52;
	[tilespmem:s17+$0x14420] =	vst.add.f32.msk $0xffff, v48  }
0x1cc: {  	v51 =	vmul.f32 v45, v53;
	[tilespmem:s17+$0x14430] =	vst.add.f32.msk $0xffff, v49  }
0x1cd: {  	v52 =	vmul.f32 v45, v43;
	s21 =	spop (v2sf);
	[tilespmem:s17+$0x14440] =	vst.add.f32.msk $0xffff, v50  }
0x1ce: {  	v1 =	vmul.f32 v45, v39;
	s18 =	ssub.s32 s21, s8;
	[tilespmem:s17+$0x14450] =	vst.add.f32.msk $0xffff, v51  }
0x1cf: {  	[tilespmem:s17+$0x14460] =	vst.add.f32.msk $0xffff, v52;
	s21 =	sshll.u32 s18, $0x6;
	v53 =	vpop (erf)  }
0x1d0: {  	[tilespmem:s17+$0x14470] =	vst.add.f32.msk $0xffff, v1;
	s18 =	sshll.u32 s18, $0x9;
	s21 =	sshra.s32 s21, $0x2;
	v57 =	vmul.f32 v53, v55  }
0x1d1: {  	[tilespmem:s21+$0x1E400] =	vst.add.f32.msk $0xffff, v53;
	s21 =	sshra.s32 s18, $0x2;
	v58 =	vmul.f32 v53, v54  }
0x1d2: {  	v59 =	vmul.f32 v53, v21;
	[tilespmem:s21+$0x14400] =	vst.add.f32.msk $0xffff, v57  }
0x1d3: {  	s11 =	sadd.s32 $0x10, s11;
	v60 =	vmul.f32 v53, v56;
	[tilespmem:s21+$0x14410] =	vst.add.f32.msk $0xffff, v58  }
0x1d4: {  	p0 =	slt.s32 s11, s10;
	v61 =	vmul.f32 v53, v18;
	[tilespmem:s21+$0x14420] =	vst.add.f32.msk $0xffff, v59  }
.Ltmp6:
0x1d5: {  	v62 =	vmul.f32 v53, v17;
	[tilespmem:s21+$0x14430] =	vst.add.f32.msk $0xffff, v60;
	(pc) =	sbr.rel @p0 .LBB2_9-.Ltmp6, $4  }
0x1d6: {  	v63 =	vmul.f32 v53, v19;
	[tilespmem:s21+$0x14440] =	vst.add.f32.msk $0xffff, v61  }
0x1d7: {  	v0 =	vmul.f32 v53, v20;
	[tilespmem:s21+$0x14450] =	vst.add.f32.msk $0xffff, v62  }
0x1d8: {  	[tilespmem:s21+$0x14460] =	vst.add.f32.msk $0xffff, v63  }
0x1d9: {  	s12 =	sadd.s32 $0x800, s12;
	s5 =	sadd.s32 $0x10, s5;
	[tilespmem:s21+$0x14470] =	vst.add.f32.msk $0xffff, v0  }
.LBB2_10:
0x1da: {  	p0 =	sge.s32 s10, s13  }
.Ltmp7:
0x1db: {  	_ = 	snop;
	(pc) =	sbr.rel @p0 .LBB2_13-.Ltmp7, $4  }
0x1dc: {  	_ = 	snop  }
0x1dd: {  	v63 =	vld [tilespmem:$0x1FFD0]  }
0x1de: {  	v28 =	vld [tilespmem:$0x1FFE0]  }
0x1df: {  	v29 =	vld [tilespmem:$0x1FFF0]  }
0x1e0: {  	p0 =	slt.s32 s24, s26;
	s5 =	smov.u32 s26  }
0x1e1: {  	s5 =	smov.u32 @p0 s24  }
0x1e2: {  	p0 =	sgt.s32 s31, s5  }
0x1e3: {  	s4 =	ssub.s32 s4, s15;
	s5 =	smov.u32 @p0 s31  }
0x1e4: {  	s5 =	ssub.s32 s5, s4  }
0x1e5: {  	s5 =	ssub.s32 s5, s9  }
0x1e6: {  	s9 =	sshll.u32 s5, $0x2;
	s5 =	sshll.u32 s5, $0x9  }
0x1e7: {  	s9 =	sshra.s32 s9, $0x2;
	s10 =	sshra.s32 s5, $0x2  }
0x1e8: {  	s5 =	sadd.s32 $0x14000, s9;
	s9 =	sor.u32 $0x40, s10  }
.LBB2_12:
0x1e9: {  	v0 =	vld [tilespmem:s9+$0xFFFFFFC0]  }
0x1ea: {  	v1 =	vld [tilespmem:s9+$0xFFFFFFD0]  }
0x1eb: {  	v2 =	vld [tilespmem:s9+$0xFFFFFFE0]  }
0x1ec: {  	v3 =	vld [tilespmem:s9+$0xFFFFFFF0]  }
0x1ed: {  	v5 =	vld [tilespmem:s9+$0x0]  }
0x1ee: {  	v17 =	vld [tilespmem:s9+$0x10]  }
0x1ef: {  	v18 =	vld [tilespmem:s9+$0x20]  }
0x1f0: {  	v19 =	vld [tilespmem:s9+$0x30];
	_ =	sdelay $0x1  }
0x1f1: {  	v20 =	vmul.f32 v0, v8;
	v21 =	vmul.f32 v1, v9  }
0x1f2: {  	v22 =	vmul.f32 v2, v10;
	v23 =	vmul.f32 v3, v11  }
0x1f3: {  	v24 =	vmul.f32 v5, v12;
	v25 =	vmul.f32 v17, v13  }
0x1f4: {  	v26 =	vmul.f32 v18, v14;
	v27 =	vmul.f32 v19, v15  }
0x1f5: {  	v20 =	vadd.f32 v21, v20;
	v51 =	vadd.f32 v23, v22  }
0x1f6: {  	v52 =	vadd.f32 v25, v24;
	v53 =	vadd.f32 v27, v26;
	_ =	sdelay $0x1  }
0x1f7: {  	v20 =	vadd.f32 v51, v20;
	v54 =	vadd.f32 v53, v52;
	_ =	sdelay $0x1  }
0x1f8: {  	v20 =	vadd.f32 v54, v20;
	_ =	sdelay $0x1  }
0x1f9: {  	v21 =	vperm.xlane v20, v4;
	_ =	sdelay $0x1  }
0x1fa: {  	v20 =	vadd.f32 v20, v21;
	_ =	sdelay $0x1  }
0x1fb: {  	v21 =	vperm.xlane v20, v63;
	_ =	sdelay $0x1  }
0x1fc: {  	v20 =	vadd.f32 v20, v21  }
0x1fd: {  	v55 =	vld [tilespmem:s5+$0x0]  }
0x1fe: {  	v56 =	vperm.xlane v20, v28;
	_ =	sdelay $0x1  }
0x1ff: {  	v20 =	vadd.f32 v20, v56;
	_ =	sdelay $0x1  }
0x200: {  	(v2sf) =	vpush v55, $0x0;
	v22 =	vperm.xlane v20, v29;
	_ =	sdelay $0x1  }
0x201: {  	v20 =	vadd.f32 v20, v22;
	_ =	sdelay $0x1  }
0x202: {  	v20 =	vsub.f32 v20, v16;
	_ =	sdelay $0x1  }
0x203: {  	v20 =	vmul.f32 $1.442695020e+00, v20;
	_ =	sdelay $0x1  }
0x204: {  	(erf) = vpow2.f32 v20;
	_ =	sdelay $0x6  }
0x205: {  	s10 =	spop (v2sf)  }
0x206: {  	s10 =	ssub.s32 s10, s8  }
0x207: {  	s11 =	sshll.u32 s10, $0x6;
	v20 =	vpop (erf)  }
0x208: {  	s10 =	sshll.u32 s10, $0x9;
	s11 =	sshra.s32 s11, $0x2;
	v0 =	vmul.f32 v20, v0  }
0x209: {  	s10 =	sshra.s32 s10, $0x2;
	[tilespmem:s11+$0x1E400] =	vst.add.f32.msk $0xffff, v20;
	v1 =	vmul.f32 v20, v1  }
0x20a: {  	v57 =	vmul.f32 v20, v2;
	[tilespmem:s10+$0x14400] =	vst.add.f32.msk $0xffff, v0  }
0x20b: {  	v58 =	vmul.f32 v20, v3;
	[tilespmem:s10+$0x14410] =	vst.add.f32.msk $0xffff, v1  }
0x20c: {  	p0 =	sne.s32 s4, $0x1;
	v59 =	vmul.f32 v20, v5;
	[tilespmem:s10+$0x14420] =	vst.add.f32.msk $0xffff, v57  }
.Ltmp8:
0x20d: {  	v60 =	vmul.f32 v20, v17;
	[tilespmem:s10+$0x14430] =	vst.add.f32.msk $0xffff, v58;
	(pc) =	sbr.rel @p0 .LBB2_12-.Ltmp8, $4  }
0x20e: {  	v61 =	vmul.f32 v20, v18;
	[tilespmem:s10+$0x14440] =	vst.add.f32.msk $0xffff, v59  }
0x20f: {  	v62 =	vmul.f32 v20, v19;
	[tilespmem:s10+$0x14450] =	vst.add.f32.msk $0xffff, v60  }
0x210: {  	[tilespmem:s10+$0x14460] =	vst.add.f32.msk $0xffff, v61  }
0x211: {  	s5 =	sadd.s32 $0x1, s5;
	s9 =	sadd.s32 $0x80, s9;
	s4 =	sadd.s32 $0xFFFFFFFF, s4;
	[tilespmem:s10+$0x14470] =	vst.add.f32.msk $0xffff, v62  }
.LBB2_13:
0x212: {  	s3 =	sadd.s32 s3, s28  }
0x213: {  	p0 =	slt.s32 s3, $0x4E0C0  }
0x214: {  	s3 =	simm.s32 @!p0 $0x4E0C0  }
0x215: {  	s4 =	sshll.u32 s3, $0x4  }
0x216: {  	s4 =	sand.u32 $0x1FFFFF80, s4  }
0x217: {  	s3 =	sshrl.u32 s3, $0x3;
	s4 =	sadd.s32 s0, s4  }
0x218: {  	[tilespmem:s7], [sflag:$0x1] =	stream.linear.gather [hbm4b:s4+s7], $0xA000, $0x38;
	[tilespmem:$0x1FC00] =	vst v63  }
0x219: {  	s3 =	sadd.s32 s2, s3  }
0x21a: {  	[tilespmem:s16], [sflag:$0x1] =	stream.linear.gather [hbm4b:s3+s7], $0x140, $0x38;
	[tilespmem:$0x1FC00] =	vst v63  }
0x21b: {  	s3 =	sadd.s32 $0x140, s1  }
0x21c: {  	s5 =	smov.u32 s24;
	p0 =	sgt.s32 s22, s1;
	p1 =	slt.s32 s3, s24  }
0x21d: {  	s1 =	smov.u32 @p0 s22;
	s5 =	smov.u32 @p1 s3  }
0x21e: {  	s4 =	smov.u32 s1;
	p0 =	sgt.s32 s5, s1  }
0x21f: {  	s4 =	smov.u32 @p0 s5  }
0x220: {  	s3 =	ssub.s32 s4, s1  }
0x221: {  	s31 =	sshra.s32 s3, $0x1F  }
0x222: {  	s5 =	sshrl.u32 s31, $0x1C  }
0x223: {  	s5 =	sadd.s32 s5, s3  }
0x224: {  	s11 =	sand.u32 $0xFFFFFFF0, s5  }
0x225: {  	s9 =	sadd.s32 s1, s11  }
0x226: {  	_ =	swait.ge [sflag:s19], $0xA000;
	p2 =	sge.s32 s1, s9  }
.Ltmp9:
0x227: {  	[sflag:s19] =	ssyncset.done $0x0;
	(pc) =	sbr.rel @p2 .LBB2_16-.Ltmp9, $4  }
0x228: {  	[sflag:s19] =	ssyncadd.s32 $0xFFFF6000  }
0x229: {  	s15 =	smov.u32 s26;
	s13 =	smov.u32 s26;
	_ =	swait.ge [sflag:s19], $0x140  }
0x22a: {  	p1 =	slt.s32 s26, $0x4E0C0;
	p0 =	sgt.s32 s22, s26;
	[sflag:s19] =	ssyncset.done $0x0  }
0x22b: {  	s13 =	simm.s32 @!p1 $0x4E0C0;
	s15 =	smov.u32 @p0 s22;
	[sflag:s19] =	ssyncadd.s32 $0xFFFFFEC0  }
0x22c: {  	s5 =	sshll.u32 s15, $0x2  }
0x22d: {  	s10 =	sshll.u32 s13, $0x2;
	s12 =	sshll.u32 s15, $0x9;
	s17 =	sshll.u32 s13, $0x9  }
0x22e: {  	s5 =	ssub.s32 s5, s10;
	s31 =	ssub.s32 s12, s17  }
0x22f: {  	s5 =	sshra.s32 s5, $0x2;
	s10 =	sshra.s32 s31, $0x2  }
0x230: {  	s5 =	sadd.s32 $0x14188, s5;
	s10 =	sadd.s32 $0xA400, s10  }
.LBB2_15:
0x231: {  	v0 =	vld [tilespmem:s10+$0xFFFFFC00]  }
0x232: {  	v1 =	vld [tilespmem:s10+$0xFFFFFC10]  }
0x233: {  	v2 =	vld [tilespmem:s10+$0xFFFFFC20]  }
0x234: {  	v3 =	vld [tilespmem:s10+$0xFFFFFC30]  }
0x235: {  	v5 =	vld [tilespmem:s10+$0xFFFFFC40]  }
0x236: {  	v30 =	vld [tilespmem:s10+$0xFFFFFC50]  }
0x237: {  	v31 =	vld [tilespmem:s10+$0xFFFFFC60]  }
0x238: {  	v28 =	vld [tilespmem:s10+$0xFFFFFC70];
	_ =	sdelay $0x1  }
0x239: {  	v17 =	vmul.f32 v0, v8;
	v18 =	vmul.f32 v1, v9  }
0x23a: {  	v19 =	vmul.f32 v2, v10;
	v20 =	vmul.f32 v3, v11  }
0x23b: {  	v21 =	vmul.f32 v5, v12;
	v22 =	vmul.f32 v30, v13  }
0x23c: {  	v23 =	vmul.f32 v31, v14;
	v24 =	vmul.f32 v28, v15  }
0x23d: {  	v17 =	vadd.f32 v18, v17;
	v18 =	vadd.f32 v20, v19  }
0x23e: {  	v19 =	vadd.f32 v22, v21;
	v52 =	vadd.f32 v24, v23;
	_ =	sdelay $0x1  }
0x23f: {  	v17 =	vadd.f32 v18, v17;
	v18 =	vadd.f32 v52, v19  }
0x240: {  	v32 =	vld [tilespmem:s10+$0xFFFFFC80]  }
0x241: {  	v29 =	vld [tilespmem:s10+$0xFFFFFC90];
	v19 =	vadd.f32 v18, v17  }
0x242: {  	v62 =	vld [tilespmem:s5+$0xFFFFFFF8]  }
0x243: {  	v21 =	vld [tilespmem:s10+$0xFFFFFCA0];
	v53 =	vperm.xlane v19, v4  }
0x244: {  	v23 =	vld [tilespmem:s10+$0xFFFFFCB0]  }
0x245: {  	v20 =	vld [tilespmem:s10+$0xFFFFFCF0];
	v54 =	vadd.f32 v19, v53  }
0x246: {  	v17 =	vld [tilespmem:s10+$0xFFFFFCC0]  }
0x247: {  	v18 =	vld [tilespmem:s10+$0xFFFFFCD0];
	v55 =	vperm.xlane v54, v34  }
0x248: {  	v19 =	vld [tilespmem:s10+$0xFFFFFCE0]  }
0x249: {  	v25 =	vmul.f32 v32, v8;
	v22 =	vadd.f32 v54, v55  }
0x24a: {  	v43 =	vld [tilespmem:s10+$0xFFFFFD10];
	v26 =	vmul.f32 v29, v9;
	v27 =	vmul.f32 v21, v10  }
0x24b: {  	v44 =	vld [tilespmem:s10+$0xFFFFFD20];
	v33 =	vmul.f32 v23, v11;
	v60 =	vperm.xlane v22, v6  }
0x24c: {  	v42 =	vld [tilespmem:s10+$0xFFFFFD30];
	(v2sf) =	vpush v62, $0x0;
	v36 =	vmul.f32 v20, v15;
	v56 =	vmul.f32 v17, v12  }
0x24d: {  	v38 =	vld [tilespmem:s10+$0xFFFFFD40];
	v35 =	vmul.f32 v18, v13;
	v57 =	vmul.f32 v19, v14;
	v61 =	vadd.f32 v22, v60  }
0x24e: {  	v25 =	vadd.f32 v26, v25;
	v58 =	vadd.f32 v33, v27;
	v34 =	vld [tilespmem:s10+$0xFFFFFD60]  }
0x24f: {  	v59 =	vadd.f32 v35, v56;
	v35 =	vld [tilespmem:s10+$0xFFFFFD70];
	v24 =	vadd.f32 v36, v57;
	v33 =	vperm.xlane v61, v7  }
0x250: {  	v25 =	vadd.f32 v58, v25;
	v36 =	vld [tilespmem:s10+$0xFFFFFD50]  }
0x251: {  	v37 =	vmul.f32 v44, v10;
	v22 =	vld [tilespmem:s10+$0xFFFFFD00];
	v24 =	vadd.f32 v24, v59;
	v26 =	vadd.f32 v61, v33  }
0x252: {  	v39 =	vmul.f32 v42, v11;
	v53 =	vmul.f32 v43, v9  }
0x253: {  	v54 =	vmul.f32 v38, v12;
	v24 =	vadd.f32 v24, v25;
	v26 =	vsub.f32 v26, v16  }
0x254: {  	v55 =	vmul.f32 v34, v14;
	v41 =	vmul.f32 v35, v15  }
0x255: {  	v50 =	vld [tilespmem:$0x1FFC0];
	v49 =	vperm.xlane v24, v4;
	v26 =	vmul.f32 $1.442695020e+00, v26  }
0x256: {  	v56 =	vadd.f32 v39, v37;
	v40 =	vmul.f32 v36, v13;
	v52 =	vmul.f32 v22, v8  }
0x257: {  	v48 =	vld [tilespmem:s5+$0xFFFFFFF9];
	v25 =	vadd.f32 v41, v55;
	v24 =	vadd.f32 v24, v49;
	(erf) = vpow2.f32 v26  }
0x258: {  	v46 =	vld [tilespmem:s10+$0xFFFFFD80];
	v27 =	vadd.f32 v53, v52;
	v26 =	vadd.f32 v40, v54  }
0x259: {  	v37 =	vld [tilespmem:s10+$0xFFFFFDA0]  }
0x25a: {  	v39 =	vld [tilespmem:s10+$0xFFFFFE80];
	v33 =	vperm.xlane v24, v50;
	v27 =	vadd.f32 v56, v27;
	v25 =	vadd.f32 v25, v26  }
0x25b: {  	v60 =	vld [tilespmem:$0x1FFC0]  }
0x25c: {  	v41 =	vld [tilespmem:s10+$0xFFFFFD90];
	v24 =	vadd.f32 v24, v33;
	v26 =	vadd.f32 v25, v27  }
0x25d: {  	v40 =	vld [tilespmem:s10+$0xFFFFFDB0]  }
0x25e: {  	s12 =	spop (v2sf);
	v33 =	vld [tilespmem:s10+$0xFFFFFE60];
	v51 =	vperm.xlane v24, v6;
	v27 =	vperm.xlane v26, v4  }
0x25f: {  	s12 =	ssub.s32 s12, s8;
	v25 =	vld [tilespmem:s10+$0xFFFFFDD0]  }
0x260: {  	s17 =	sshll.u32 s12, $0x6;
	v24 =	vadd.f32 v24, v51;
	v59 =	vadd.f32 v26, v27;
	v26 =	vld [tilespmem:s10+$0xFFFFFDE0];
	v58 =	vpop (erf)  }
0x261: {  	(v2sf) =	vpush v48, $0x0;
	s12 =	sshll.u32 s12, $0x9;
	s17 =	sshra.s32 s17, $0x2;
	v27 =	vld [tilespmem:s10+$0xFFFFFDF0];
	v0 =	vmul.f32 v58, v0  }
0x262: {  	s12 =	sshra.s32 s12, $0x2;
	v45 =	vperm.xlane v24, v7;
	v1 =	vmul.f32 v58, v1;
	[tilespmem:s17+$0x1E400] =	vst.add.f32.msk $0xffff, v58  }
0x263: {  	v2 =	vmul.f32 v58, v2;
	[tilespmem:s12+$0x14400] =	vst.add.f32.msk $0xffff, v0  }
0x264: {  	v24 =	vadd.f32 v24, v45;
	v3 =	vmul.f32 v58, v3;
	[tilespmem:s12+$0x14410] =	vst.add.f32.msk $0xffff, v1  }
0x265: {  	v5 =	vmul.f32 v58, v5;
	[tilespmem:s12+$0x14420] =	vst.add.f32.msk $0xffff, v2  }
0x266: {  	v30 =	vmul.f32 v58, v30;
	v24 =	vsub.f32 v24, v16;
	[tilespmem:s12+$0x14430] =	vst.add.f32.msk $0xffff, v3  }
0x267: {  	v45 =	vperm.xlane v59, v60;
	[tilespmem:s12+$0x14440] =	vst.add.f32.msk $0xffff, v5  }
0x268: {  	v28 =	vmul.f32 v58, v28;
	[tilespmem:s12+$0x14450] =	vst.add.f32.msk $0xffff, v30;
	v57 =	vmul.f32 $1.442695020e+00, v24  }
0x269: {  	v62 =	vmul.f32 v37, v10;
	v24 =	vld [tilespmem:s10+$0xFFFFFDC0]  }
0x26a: {  	v48 =	vmul.f32 v40, v11;
	v3 =	vadd.f32 v59, v45;
	[tilespmem:s12+$0x14470] =	vst.add.f32.msk $0xffff, v28;
	(erf) = vpow2.f32 v57  }
0x26b: {  	v61 =	vmul.f32 v46, v8;
	v47 =	vmul.f32 v41, v9;
	v59 =	vld [tilespmem:s5+$0xFFFFFFFA]  }
0x26c: {  	v49 =	vmul.f32 v25, v13;
	v1 =	vadd.f32 v48, v62;
	v48 =	vld [tilespmem:s10+$0xFFFFFE00];
	v56 =	vperm.xlane v3, v6  }
0x26d: {  	v5 =	vmul.f32 v58, v31;
	v30 =	vld [tilespmem:s10+$0xFFFFFE30];
	v53 =	vmul.f32 v26, v14  }
0x26e: {  	v28 =	vld [tilespmem:s10+$0xFFFFFE40];
	v54 =	vmul.f32 v27, v15;
	v58 =	vadd.f32 v3, v56;
	v52 =	vmul.f32 v24, v12  }
0x26f: {  	v0 =	vadd.f32 v47, v61;
	v31 =	vld [tilespmem:s10+$0xFFFFFE50]  }
0x270: {  	s18 =	spop (v2sf);
	[tilespmem:s12+$0x14460] =	vst.add.f32.msk $0xffff, v5;
	v55 =	vadd.f32 v54, v53;
	v3 =	vperm.xlane v58, v7;
	v2 =	vadd.f32 v49, v52  }
0x271: {  	s17 =	ssub.s32 s18, s8;
	v0 =	vadd.f32 v1, v0;
	v1 =	vld [tilespmem:s5+$0xFFFFFFFB]  }
0x272: {  	s18 =	sshll.u32 s17, $0x6;
	v49 =	vld [tilespmem:s10+$0xFFFFFE10];
	v57 =	vadd.f32 v55, v2;
	v2 =	vadd.f32 v58, v3  }
0x273: {  	s21 =	sshra.s32 s18, $0x2;
	v3 =	vld [tilespmem:$0x1FFC0];
	v47 =	vpop (erf)  }
0x274: {  	s17 =	sshll.u32 s17, $0x9;
	v0 =	vadd.f32 v57, v0;
	v2 =	vsub.f32 v2, v16;
	v5 =	vmul.f32 v47, v32;
	[tilespmem:s21+$0x1E400] =	vst.add.f32.msk $0xffff, v47  }
0x275: {  	s31 =	sshra.s32 s17, $0x2;
	(v2sf) =	vpush v59, $0x0;
	v32 =	vld [tilespmem:s10+$0xFFFFFE20]  }
0x276: {  	v2 =	vmul.f32 $1.442695020e+00, v2;
	[tilespmem:s31+$0x14400] =	vst.add.f32.msk $0xffff, v5;
	v5 =	vperm.xlane v0, v4  }
0x277: {  	v60 =	vmul.f32 v47, v29;
	v29 =	vld [tilespmem:s10+$0xFFFFFE70]  }
0x278: {  	v59 =	vmul.f32 v47, v17;
	v17 =	vld [tilespmem:s10+$0xFFFFFEB0];
	(erf) = vpow2.f32 v2;
	v0 =	vadd.f32 v0, v5  }
0x279: {  	v51 =	vmul.f32 v33, v14;
	[tilespmem:s31+$0x14410] =	vst.add.f32.msk $0xffff, v60  }
0x27a: {  	v60 =	vmul.f32 v47, v18;
	v18 =	vld [tilespmem:s10+$0xFFFFFEC0];
	v3 =	vperm.xlane v0, v3  }
0x27b: {  	v62 =	vmul.f32 v48, v8;
	v56 =	vmul.f32 v30, v11;
	[tilespmem:s31+$0x14440] =	vst.add.f32.msk $0xffff, v59  }
0x27c: {  	v5 =	vmul.f32 v47, v23;
	v23 =	vld [tilespmem:s10+$0xFFFFFE90];
	v0 =	vadd.f32 v0, v3;
	v3 =	vmul.f32 v47, v21  }
0x27d: {  	v50 =	vmul.f32 v31, v13;
	[tilespmem:s31+$0x14450] =	vst.add.f32.msk $0xffff, v60;
	v52 =	vmul.f32 v29, v15  }
0x27e: {  	v61 =	vperm.xlane v0, v6;
	[tilespmem:s31+$0x14420] =	vst.add.f32.msk $0xffff, v3;
	v3 =	vmul.f32 v49, v9  }
0x27f: {  	v57 =	vmul.f32 v28, v12;
	[tilespmem:s31+$0x14430] =	vst.add.f32.msk $0xffff, v5;
	v5 =	vmul.f32 v32, v10;
	v58 =	vadd.f32 v52, v51  }
0x280: {  	v21 =	vld [tilespmem:s10+$0xFFFFFEA0];
	v0 =	vadd.f32 v0, v61;
	v2 =	vadd.f32 v3, v62  }
0x281: {  	v3 =	vadd.f32 v56, v5;
	v5 =	vadd.f32 v50, v57;
	v61 =	vmul.f32 v47, v20;
	v52 =	vpop (erf);
	v20 =	vld [tilespmem:s10+$0xFFFFFEF0]  }
0x282: {  	v62 =	vmul.f32 v52, v22;
	v22 =	vld [tilespmem:s10+$0xFFFFFEE0]  }
0x283: {  	v2 =	vadd.f32 v3, v2;
	v3 =	vadd.f32 v58, v5;
	v5 =	vmul.f32 v47, v19;
	v19 =	vld [tilespmem:s10+$0xFFFFFED0]  }
0x284: {  	s18 =	spop (v2sf);
	[tilespmem:s31+$0x14470] =	vst.add.f32.msk $0xffff, v61  }
0x285: {  	s17 =	ssub.s32 s18, s8;
	v53 =	vperm.xlane v0, v7;
	[tilespmem:s31+$0x14460] =	vst.add.f32.msk $0xffff, v5  }
0x286: {  	s21 =	sshll.u32 s17, $0x6;
	v2 =	vadd.f32 v3, v2;
	v3 =	vmul.f32 v52, v43;
	v43 =	vmul.f32 v52, v44;
	v44 =	vld [tilespmem:s10+$0xFFFFFF10]  }
0x287: {  	s17 =	sshll.u32 s17, $0x9;
	v0 =	vadd.f32 v0, v53;
	s31 =	sshra.s32 s21, $0x2;
	v53 =	vmul.f32 v52, v36;
	v36 =	vld [tilespmem:s10+$0xFFFFFF50]  }
0x288: {  	s18 =	sshra.s32 s17, $0x2;
	[tilespmem:s31+$0x1E400] =	vst.add.f32.msk $0xffff, v52  }
0x289: {  	[tilespmem:s18+$0x14400] =	vst.add.f32.msk $0xffff, v62  }
0x28a: {  	v62 =	vld [tilespmem:$0x1FFC0]  }
0x28b: {  	v38 =	vmul.f32 v52, v38;
	[tilespmem:s18+$0x14410] =	vst.add.f32.msk $0xffff, v3  }
0x28c: {  	(v2sf) =	vpush v1, $0x0;
	v59 =	vmul.f32 v18, v12;
	v50 =	vmul.f32 v39, v8;
	[tilespmem:s18+$0x14420] =	vst.add.f32.msk $0xffff, v43  }
0x28d: {  	v57 =	vmul.f32 v23, v9;
	v35 =	vmul.f32 v52, v35;
	[tilespmem:s18+$0x14440] =	vst.add.f32.msk $0xffff, v38  }
0x28e: {  	v58 =	vmul.f32 v21, v10;
	v56 =	vperm.xlane v2, v4;
	[tilespmem:s18+$0x14450] =	vst.add.f32.msk $0xffff, v53  }
0x28f: {  	v5 =	vmul.f32 v17, v11;
	v54 =	vmul.f32 v20, v15;
	v43 =	vld [tilespmem:s10+$0xFFFFFF30]  }
0x290: {  	v0 =	vsub.f32 v0, v16;
	v61 =	vmul.f32 v22, v14;
	v38 =	vld [tilespmem:s10+$0xFFFFFF60];
	v2 =	vadd.f32 v2, v56  }
0x291: {  	v3 =	vmul.f32 v52, v42;
	[tilespmem:s18+$0x14470] =	vst.add.f32.msk $0xffff, v35;
	v60 =	vmul.f32 v19, v13  }
0x292: {  	v50 =	vadd.f32 v57, v50;
	v35 =	vld [tilespmem:s10+$0xFFFFFFB0];
	v0 =	vmul.f32 $1.442695020e+00, v0;
	v47 =	vperm.xlane v2, v62  }
0x293: {  	v1 =	vadd.f32 v5, v58;
	v45 =	vadd.f32 v54, v61;
	[tilespmem:s18+$0x14430] =	vst.add.f32.msk $0xffff, v3;
	v56 =	vmul.f32 v52, v34  }
0x294: {  	v34 =	vld [tilespmem:s10+$0xFFFFFF40];
	v5 =	vadd.f32 v60, v59;
	(erf) = vpow2.f32 v0;
	v51 =	vadd.f32 v2, v47  }
0x295: {  	v52 =	vld [tilespmem:s10+$0xFFFFFF90]  }
0x296: {  	v1 =	vadd.f32 v1, v50;
	v50 =	vld [tilespmem:s10+$0xFFFFFFA0];
	v3 =	vadd.f32 v45, v5;
	v54 =	vperm.xlane v51, v6  }
0x297: {  	v45 =	vld [tilespmem:s10+$0xFFFFFF20]  }
0x298: {  	v1 =	vadd.f32 v3, v1;
	v3 =	vld [tilespmem:s5+$0xFFFFFFFC];
	v0 =	vadd.f32 v51, v54  }
0x299: {  	v47 =	vld [tilespmem:s10+$0xFFFFFF00]  }
0x29a: {  	[tilespmem:s18+$0x14460] =	vst.add.f32.msk $0xffff, v56;
	v5 =	vperm.xlane v0, v7  }
0x29b: {  	s21 =	spop (v2sf);
	v55 =	vperm.xlane v1, v4;
	v51 =	vld [tilespmem:s10+$0xFFFFFF80]  }
0x29c: {  	v59 =	vmul.f32 v44, v9;
	s17 =	ssub.s32 s21, s8;
	v0 =	vadd.f32 v0, v5;
	v5 =	vld [tilespmem:$0x1FFC0]  }
0x29d: {  	v61 =	vmul.f32 v43, v11;
	s31 =	sshll.u32 s17, $0x6;
	v60 =	vmul.f32 v45, v10;
	v1 =	vadd.f32 v1, v55;
	v55 =	vld [tilespmem:$0x1FFC0];
	v42 =	vpop (erf)  }
0x29e: {  	s21 =	sshra.s32 s31, $0x2;
	(v2sf) =	vpush v3, $0x0;
	v3 =	vmul.f32 v47, v8;
	v57 =	vmul.f32 v42, v41;
	v41 =	vld [tilespmem:s10+$0xFFFFFF70]  }
0x29f: {  	[tilespmem:s21+$0x1E400] =	vst.add.f32.msk $0xffff, v42  }
0x2a0: {  	s17 =	sshll.u32 s17, $0x9;
	v46 =	vmul.f32 v42, v46;
	v59 =	vadd.f32 v59, v3;
	v3 =	vadd.f32 v61, v60;
	v60 =	vld [tilespmem:s5+$0xFFFFFFFD]  }
0x2a1: {  	s31 =	sshra.s32 s17, $0x2;
	v53 =	vmul.f32 v42, v26;
	v26 =	vld [tilespmem:s10+$0x60];
	v5 =	vperm.xlane v1, v5  }
0x2a2: {  	[tilespmem:s31+$0x14400] =	vst.add.f32.msk $0xffff, v46;
	v0 =	vsub.f32 v0, v16  }
0x2a3: {  	v56 =	vmul.f32 v36, v13;
	v54 =	vmul.f32 v42, v27;
	[tilespmem:s31+$0x14410] =	vst.add.f32.msk $0xffff, v57;
	v1 =	vadd.f32 v1, v5  }
0x2a4: {  	v62 =	vmul.f32 v34, v12;
	[tilespmem:s31+$0x14460] =	vst.add.f32.msk $0xffff, v53;
	v0 =	vmul.f32 $1.442695020e+00, v0  }
0x2a5: {  	v57 =	vmul.f32 v38, v14;
	[tilespmem:s31+$0x14470] =	vst.add.f32.msk $0xffff, v54;
	v58 =	vperm.xlane v1, v6  }
0x2a6: {  	v46 =	vld [tilespmem:s10+$0x20];
	(erf) = vpow2.f32 v0;
	v5 =	vmul.f32 v42, v37  }
0x2a7: {  	v37 =	vmul.f32 v42, v40;
	v40 =	vld [tilespmem:s10+$0xFFFFFFF0];
	v1 =	vadd.f32 v1, v58;
	v58 =	vmul.f32 v41, v15  }
0x2a8: {  	[tilespmem:s31+$0x14420] =	vst.add.f32.msk $0xffff, v5  }
0x2a9: {  	[tilespmem:s31+$0x14430] =	vst.add.f32.msk $0xffff, v37;
	v5 =	vadd.f32 v56, v62;
	v2 =	vadd.f32 v58, v57  }
0x2aa: {  	v62 =	vmul.f32 v42, v24;
	v37 =	vld [tilespmem:s10+$0xFFFFFFC0]  }
0x2ab: {  	v54 =	vld [tilespmem:s10+$0xB0];
	v0 =	vadd.f32 v3, v59;
	v61 =	vperm.xlane v1, v7;
	v2 =	vadd.f32 v2, v5  }
0x2ac: {  	(v2sf) =	vpush v60, $0x0;
	v56 =	vmul.f32 v51, v8;
	[tilespmem:s31+$0x14440] =	vst.add.f32.msk $0xffff, v62;
	v62 =	vmul.f32 v40, v15  }
0x2ad: {  	v53 =	vld [tilespmem:s10+$0xC0];
	v57 =	vmul.f32 v50, v10;
	v1 =	vadd.f32 v1, v61;
	v0 =	vadd.f32 v2, v0  }
0x2ae: {  	s18 =	spop (v2sf);
	v58 =	vmul.f32 v35, v11;
	v5 =	vmul.f32 v42, v25;
	v25 =	vld [tilespmem:s10+$0xFFFFFFD0]  }
0x2af: {  	s17 =	ssub.s32 s18, s8;
	v59 =	vmul.f32 v37, v12;
	v27 =	vpop (erf);
	v42 =	vld [tilespmem:s10+$0xFFFFFFE0];
	v1 =	vsub.f32 v1, v16;
	v3 =	vperm.xlane v0, v4  }
0x2b0: {  	s21 =	sshll.u32 s17, $0x6;
	v28 =	vmul.f32 v27, v28;
	[tilespmem:s31+$0x14450] =	vst.add.f32.msk $0xffff, v5;
	v5 =	vmul.f32 v52, v9  }
0x2b1: {  	v24 =	vld [tilespmem:s10+$0x50];
	v31 =	vmul.f32 v27, v31;
	s31 =	sshra.s32 s21, $0x2;
	v1 =	vmul.f32 $1.442695020e+00, v1;
	v0 =	vadd.f32 v0, v3  }
0x2b2: {  	[tilespmem:s31+$0x1E400] =	vst.add.f32.msk $0xffff, v27;
	v2 =	vadd.f32 v5, v56;
	v5 =	vadd.f32 v58, v57;
	v57 =	vmul.f32 v27, v32  }
0x2b3: {  	s17 =	sshll.u32 s17, $0x9;
	v32 =	vld [tilespmem:s10+$0x30];
	(erf) = vpow2.f32 v1;
	v1 =	vperm.xlane v0, v55  }
0x2b4: {  	s18 =	sshra.s32 s17, $0x2;
	v58 =	vmul.f32 v27, v30;
	v30 =	vld [tilespmem:s10+$0x40];
	v60 =	vmul.f32 v25, v13  }
0x2b5: {  	[tilespmem:s18+$0x14440] =	vst.add.f32.msk $0xffff, v28;
	v61 =	vmul.f32 v42, v14;
	v3 =	vmul.f32 v27, v48;
	v0 =	vadd.f32 v0, v1  }
0x2b6: {  	[tilespmem:s18+$0x14450] =	vst.add.f32.msk $0xffff, v31  }
0x2b7: {  	v56 =	vadd.f32 v62, v61;
	[tilespmem:s18+$0x14400] =	vst.add.f32.msk $0xffff, v3;
	v1 =	vadd.f32 v60, v59;
	v3 =	vperm.xlane v0, v6  }
0x2b8: {  	v48 =	vmul.f32 v27, v49;
	v2 =	vadd.f32 v5, v2;
	v49 =	vld [tilespmem:s10+$0x0]  }
0x2b9: {  	v1 =	vadd.f32 v56, v1;
	v0 =	vadd.f32 v0, v3;
	v3 =	vld [tilespmem:s5+$0xFFFFFFFE]  }
0x2ba: {  	[tilespmem:s18+$0x14420] =	vst.add.f32.msk $0xffff, v57  }
0x2bb: {  	[tilespmem:s18+$0x14430] =	vst.add.f32.msk $0xffff, v58;
	v1 =	vadd.f32 v1, v2;
	v5 =	vperm.xlane v0, v7  }
0x2bc: {  	s21 =	spop (v2sf);
	[tilespmem:s18+$0x14410] =	vst.add.f32.msk $0xffff, v48  }
0x2bd: {  	s17 =	ssub.s32 s21, s8;
	v48 =	vld [tilespmem:s10+$0x10];
	v0 =	vadd.f32 v0, v5;
	v5 =	vperm.xlane v1, v4  }
0x2be: {  	s31 =	sshll.u32 s17, $0x6;
	v59 =	vld [tilespmem:$0x1FFC0];
	(v2sf) =	vpush v3, $0x0  }
0x2bf: {  	s21 =	sshra.s32 s31, $0x2;
	v3 =	vmul.f32 v27, v33;
	v33 =	vpop (erf);
	v1 =	vadd.f32 v1, v5;
	v5 =	vmul.f32 v27, v29;
	v27 =	vld [tilespmem:s10+$0x70]  }
0x2c0: {  	v62 =	vmul.f32 v46, v10;
	v57 =	vmul.f32 v32, v11;
	[tilespmem:s21+$0x1E400] =	vst.add.f32.msk $0xffff, v33  }
0x2c1: {  	v60 =	vmul.f32 v49, v8;
	v0 =	vsub.f32 v0, v16;
	v29 =	vmul.f32 v33, v39;
	v39 =	vld [tilespmem:s10+$0x120]  }
0x2c2: {  	s17 =	sshll.u32 s17, $0x9;
	v61 =	vmul.f32 v48, v9;
	v23 =	vmul.f32 v33, v23;
	[tilespmem:s18+$0x14460] =	vst.add.f32.msk $0xffff, v3  }
0x2c3: {  	s31 =	sshra.s32 s17, $0x2;
	v0 =	vmul.f32 $1.442695020e+00, v0;
	v2 =	vperm.xlane v1, v59;
	[tilespmem:s18+$0x14470] =	vst.add.f32.msk $0xffff, v5  }
0x2c4: {  	v60 =	vadd.f32 v61, v60;
	v59 =	vmul.f32 v26, v14;
	v5 =	vadd.f32 v57, v62;
	[tilespmem:s31+$0x14400] =	vst.add.f32.msk $0xffff, v29  }
0x2c5: {  	[tilespmem:s31+$0x14410] =	vst.add.f32.msk $0xffff, v23;
	v23 =	vmul.f32 v33, v20;
	v1 =	vadd.f32 v1, v2;
	(erf) = vpow2.f32 v0  }
0x2c6: {  	v20 =	vld [tilespmem:s10+$0x170];
	v0 =	vadd.f32 v5, v60;
	v5 =	vmul.f32 v33, v18;
	v3 =	vmul.f32 v27, v15  }
0x2c7: {  	[tilespmem:s31+$0x14470] =	vst.add.f32.msk $0xffff, v23  }
0x2c8: {  	v62 =	vperm.xlane v1, v6;
	[tilespmem:s31+$0x14440] =	vst.add.f32.msk $0xffff, v5;
	v2 =	vadd.f32 v3, v59;
	v3 =	vmul.f32 v33, v21  }
0x2c9: {  	v5 =	vmul.f32 v33, v22;
	v22 =	vld [tilespmem:s10+$0x80]  }
0x2ca: {  	v1 =	vadd.f32 v1, v62;
	[tilespmem:s31+$0x14420] =	vst.add.f32.msk $0xffff, v3;
	v3 =	vmul.f32 v33, v17  }
0x2cb: {  	v55 =	vmul.f32 v24, v13;
	v58 =	vmul.f32 v30, v12;
	v17 =	vld [tilespmem:s5+$0xFFFFFFFF]  }
0x2cc: {  	v21 =	vmul.f32 v33, v19;
	[tilespmem:s31+$0x14430] =	vst.add.f32.msk $0xffff, v3;
	v3 =	vperm.xlane v1, v7  }
0x2cd: {  	v61 =	vadd.f32 v55, v58;
	[tilespmem:s31+$0x14460] =	vst.add.f32.msk $0xffff, v5  }
0x2ce: {  	[tilespmem:s31+$0x14450] =	vst.add.f32.msk $0xffff, v21  }
0x2cf: {  	v2 =	vadd.f32 v2, v61;
	v33 =	vld [tilespmem:s5+$0x0]  }
0x2d0: {  	v1 =	vadd.f32 v1, v3;
	s18 =	spop (v2sf);
	(v2sf) =	vpush v17, $0x0;
	v17 =	vld [tilespmem:$0x1FFC0];
	v3 =	vpop (erf)  }
0x2d1: {  	s17 =	ssub.s32 s18, s8;
	v28 =	vmul.f32 v3, v47;
	v47 =	vld [tilespmem:s10+$0xD0]  }
0x2d2: {  	v0 =	vadd.f32 v2, v0;
	s21 =	sshll.u32 s17, $0x6;
	v5 =	vmul.f32 v3, v44;
	v44 =	vld [tilespmem:s10+$0xF0]  }
0x2d3: {  	s17 =	sshll.u32 s17, $0x9;
	v29 =	vmul.f32 v3, v45;
	v45 =	vld [tilespmem:s10+$0x100];
	s31 =	sshra.s32 s21, $0x2  }
0x2d4: {  	v18 =	vperm.xlane v0, v4;
	v1 =	vsub.f32 v1, v16;
	s18 =	sshra.s32 s17, $0x2;
	[tilespmem:s31+$0x1E400] =	vst.add.f32.msk $0xffff, v3  }
0x2d5: {  	[tilespmem:s18+$0x14400] =	vst.add.f32.msk $0xffff, v28  }
0x2d6: {  	v0 =	vadd.f32 v0, v18;
	v1 =	vmul.f32 $1.442695020e+00, v1;
	[tilespmem:s18+$0x14410] =	vst.add.f32.msk $0xffff, v5  }
0x2d7: {  	v55 =	vmul.f32 v3, v34;
	[tilespmem:s18+$0x14420] =	vst.add.f32.msk $0xffff, v29  }
0x2d8: {  	v17 =	vperm.xlane v0, v17;
	(erf) = vpow2.f32 v1;
	v29 =	vld [tilespmem:s10+$0x90]  }
0x2d9: {  	v5 =	vmul.f32 v3, v43;
	[tilespmem:s18+$0x14440] =	vst.add.f32.msk $0xffff, v55  }
0x2da: {  	v0 =	vadd.f32 v0, v17;
	v17 =	vmul.f32 v3, v38;
	v38 =	vld [tilespmem:s10+$0xE0]  }
0x2db: {  	[tilespmem:s18+$0x14430] =	vst.add.f32.msk $0xffff, v5;
	v5 =	vmul.f32 v3, v36  }
0x2dc: {  	v43 =	vld [tilespmem:s10+$0x110];
	v31 =	vperm.xlane v0, v6  }
0x2dd: {  	v3 =	vmul.f32 v3, v41;
	v60 =	vmul.f32 v47, v13;
	[tilespmem:s18+$0x14450] =	vst.add.f32.msk $0xffff, v5  }
0x2de: {  	v62 =	vmul.f32 v44, v15;
	v5 =	vmul.f32 v22, v8;
	v0 =	vadd.f32 v0, v31;
	v31 =	vld [tilespmem:s10+$0xA0]  }
0x2df: {  	[tilespmem:s18+$0x14460] =	vst.add.f32.msk $0xffff, v17;
	v58 =	vmul.f32 v29, v9;
	v61 =	vmul.f32 v38, v14  }
0x2e0: {  	[tilespmem:s18+$0x14470] =	vst.add.f32.msk $0xffff, v3;
	v3 =	vmul.f32 v53, v12;
	v1 =	vperm.xlane v0, v7  }
0x2e1: {  	v17 =	vmul.f32 v54, v11;
	v21 =	vadd.f32 v58, v5;
	v56 =	vpop (erf);
	v5 =	vadd.f32 v62, v61;
	v62 =	vld [tilespmem:s5+$0x1]  }
0x2e2: {  	v3 =	vadd.f32 v60, v3;
	v0 =	vadd.f32 v0, v1;
	s21 =	spop (v2sf);
	v57 =	vmul.f32 v56, v50;
	v50 =	vld [tilespmem:$0x1FFC0]  }
0x2e3: {  	v41 =	vmul.f32 v56, v40;
	v40 =	vld [tilespmem:$0x1FFC0];
	s17 =	ssub.s32 s21, s8;
	v59 =	vmul.f32 v31, v10  }
0x2e4: {  	v34 =	vadd.f32 v5, v3;
	v5 =	vmul.f32 v56, v25;
	v25 =	vld [tilespmem:s10+$0x1D0];
	v0 =	vsub.f32 v0, v16;
	s31 =	sshll.u32 s17, $0x6  }
0x2e5: {  	v18 =	vmul.f32 v56, v51;
	s17 =	sshll.u32 s17, $0x9;
	s21 =	sshra.s32 s31, $0x2;
	v2 =	vadd.f32 v17, v59;
	v17 =	vld [tilespmem:s10+$0x150]  }
0x2e6: {  	v19 =	vmul.f32 v56, v52;
	s31 =	sshra.s32 s17, $0x2;
	v0 =	vmul.f32 $1.442695020e+00, v0;
	[tilespmem:s21+$0x1E400] =	vst.add.f32.msk $0xffff, v56  }
0x2e7: {  	(v2sf) =	vpush v33, $0x0;
	[tilespmem:s31+$0x14400] =	vst.add.f32.msk $0xffff, v18  }
0x2e8: {  	[tilespmem:s31+$0x14410] =	vst.add.f32.msk $0xffff, v19;
	(erf) = vpow2.f32 v0;
	v0 =	vadd.f32 v2, v21  }
0x2e9: {  	[tilespmem:s31+$0x14420] =	vst.add.f32.msk $0xffff, v57  }
0x2ea: {  	v36 =	vmul.f32 v56, v35;
	v18 =	vld [tilespmem:s10+$0x140];
	v0 =	vadd.f32 v34, v0  }
0x2eb: {  	v3 =	vmul.f32 v56, v37;
	v19 =	vld [tilespmem:s10+$0x160]  }
0x2ec: {  	[tilespmem:s31+$0x14430] =	vst.add.f32.msk $0xffff, v36;
	v1 =	vperm.xlane v0, v4  }
0x2ed: {  	[tilespmem:s31+$0x14440] =	vst.add.f32.msk $0xffff, v3  }
0x2ee: {  	v37 =	vmul.f32 v56, v42;
	[tilespmem:s31+$0x14450] =	vst.add.f32.msk $0xffff, v5;
	v0 =	vadd.f32 v0, v1  }
0x2ef: {  	v58 =	vmul.f32 v20, v15;
	v21 =	vld [tilespmem:s10+$0x130]  }
0x2f0: {  	[tilespmem:s31+$0x14460] =	vst.add.f32.msk $0xffff, v37;
	v56 =	vmul.f32 v17, v13;
	v33 =	vperm.xlane v0, v50  }
0x2f1: {  	[tilespmem:s31+$0x14470] =	vst.add.f32.msk $0xffff, v41;
	v55 =	vmul.f32 v18, v12;
	v57 =	vmul.f32 v19, v14  }
0x2f2: {  	v51 =	vmul.f32 v43, v9;
	v3 =	vmul.f32 v45, v8;
	v36 =	vld [tilespmem:s10+$0x190];
	v0 =	vadd.f32 v0, v33  }
0x2f3: {  	v5 =	vmul.f32 v39, v10;
	v37 =	vld [tilespmem:s10+$0x2B0];
	v23 =	vadd.f32 v56, v55;
	v1 =	vadd.f32 v58, v57  }
0x2f4: {  	v3 =	vadd.f32 v51, v3;
	v51 =	vld [tilespmem:s10+$0x180];
	v52 =	vmul.f32 v21, v11;
	v59 =	vperm.xlane v0, v6  }
0x2f5: {  	v1 =	vadd.f32 v1, v23;
	v23 =	vld [tilespmem:s10+$0x1C0]  }
0x2f6: {  	v5 =	vadd.f32 v52, v5;
	v28 =	vpop (erf);
	s18 =	spop (v2sf);
	v33 =	vld [tilespmem:s10+$0x1A0];
	v0 =	vadd.f32 v0, v59  }
0x2f7: {  	v42 =	vmul.f32 v28, v49;
	s17 =	ssub.s32 s18, s8;
	v34 =	vmul.f32 v28, v30;
	v30 =	vld [tilespmem:s10+$0x1E0]  }
0x2f8: {  	v3 =	vadd.f32 v5, v3;
	v41 =	vmul.f32 v28, v24;
	v24 =	vld [tilespmem:s10+$0x1F0];
	s21 =	sshll.u32 s17, $0x6;
	v5 =	vperm.xlane v0, v7  }
0x2f9: {  	(v2sf) =	vpush v62, $0x0;
	v60 =	vmul.f32 v28, v46;
	v46 =	vmul.f32 v28, v27;
	v27 =	vld [tilespmem:s10+$0x210];
	s17 =	sshll.u32 s17, $0x9;
	s31 =	sshra.s32 s21, $0x2  }
0x2fa: {  	v49 =	vmul.f32 v28, v48;
	v1 =	vadd.f32 v1, v3;
	s18 =	sshra.s32 s17, $0x2;
	[tilespmem:s31+$0x1E400] =	vst.add.f32.msk $0xffff, v28;
	v0 =	vadd.f32 v0, v5  }
0x2fb: {  	[tilespmem:s18+$0x14400] =	vst.add.f32.msk $0xffff, v42  }
0x2fc: {  	v61 =	vmul.f32 v28, v32;
	v35 =	vperm.xlane v1, v4;
	[tilespmem:s18+$0x14410] =	vst.add.f32.msk $0xffff, v49;
	v0 =	vsub.f32 v0, v16  }
0x2fd: {  	[tilespmem:s18+$0x14420] =	vst.add.f32.msk $0xffff, v60  }
0x2fe: {  	[tilespmem:s18+$0x14430] =	vst.add.f32.msk $0xffff, v61;
	v1 =	vadd.f32 v1, v35;
	v0 =	vmul.f32 $1.442695020e+00, v0  }
0x2ff: {  	[tilespmem:s18+$0x14440] =	vst.add.f32.msk $0xffff, v34  }
0x300: {  	v34 =	vld [tilespmem:s10+$0x1B0];
	v2 =	vperm.xlane v1, v40;
	(erf) = vpow2.f32 v0  }
0x301: {  	v55 =	vmul.f32 v25, v13;
	[tilespmem:s18+$0x14450] =	vst.add.f32.msk $0xffff, v41  }
0x302: {  	v52 =	vmul.f32 v23, v12;
	v42 =	vmul.f32 v28, v26;
	[tilespmem:s18+$0x14470] =	vst.add.f32.msk $0xffff, v46;
	v1 =	vadd.f32 v1, v2  }
0x303: {  	v26 =	vld [tilespmem:s10+$0x200];
	v56 =	vmul.f32 v30, v14;
	v57 =	vmul.f32 v24, v15  }
0x304: {  	v28 =	vld [tilespmem:s10+$0x220];
	v3 =	vperm.xlane v1, v6  }
0x305: {  	v46 =	vld [tilespmem:s10+$0x280];
	v32 =	vadd.f32 v55, v52;
	v35 =	vadd.f32 v57, v56;
	v5 =	vmul.f32 v36, v9  }
0x306: {  	[tilespmem:s18+$0x14460] =	vst.add.f32.msk $0xffff, v42;
	v1 =	vadd.f32 v1, v3  }
0x307: {  	v48 =	vmul.f32 v51, v8;
	v61 =	vadd.f32 v35, v32;
	v32 =	vld [tilespmem:s10+$0x260]  }
0x308: {  	v35 =	vld [tilespmem:s10+$0x270];
	v58 =	vperm.xlane v1, v7  }
0x309: {  	v2 =	vadd.f32 v5, v48;
	v3 =	vld [tilespmem:s5+$0x2];
	s21 =	spop (v2sf);
	v5 =	vpop (erf)  }
0x30a: {  	v49 =	vmul.f32 v33, v10;
	s12 =	ssub.s32 s21, s8;
	v1 =	vadd.f32 v1, v58;
	v59 =	vmul.f32 v5, v22;
	v22 =	vld [tilespmem:s10+$0x230]  }
0x30b: {  	v50 =	vmul.f32 v34, v11;
	s31 =	sshll.u32 s12, $0x6;
	v60 =	vmul.f32 v5, v29;
	v29 =	vld [tilespmem:s10+$0x240]  }
0x30c: {  	s12 =	sshll.u32 s12, $0x9;
	s17 =	sshra.s32 s31, $0x2;
	v1 =	vsub.f32 v1, v16;
	v62 =	vmul.f32 v5, v31;
	v31 =	vld [tilespmem:s10+$0x250]  }
0x30d: {  	v57 =	vmul.f32 v27, v9;
	v56 =	vmul.f32 v26, v8;
	v0 =	vadd.f32 v50, v49;
	s12 =	sshra.s32 s12, $0x2;
	[tilespmem:s17+$0x1E400] =	vst.add.f32.msk $0xffff, v5  }
0x30e: {  	v50 =	vmul.f32 v35, v15;
	v1 =	vmul.f32 $1.442695020e+00, v1;
	[tilespmem:s12+$0x14400] =	vst.add.f32.msk $0xffff, v59  }
0x30f: {  	v0 =	vadd.f32 v0, v2;
	v58 =	vmul.f32 v28, v10;
	v52 =	vmul.f32 v5, v54;
	[tilespmem:s12+$0x14410] =	vst.add.f32.msk $0xffff, v60  }
0x310: {  	(v2sf) =	vpush v3, $0x0;
	(erf) = vpow2.f32 v1;
	v3 =	vmul.f32 v5, v38;
	[tilespmem:s12+$0x14420] =	vst.add.f32.msk $0xffff, v62  }
0x311: {  	v53 =	vmul.f32 v5, v53;
	v54 =	vmul.f32 v5, v47;
	[tilespmem:s12+$0x14430] =	vst.add.f32.msk $0xffff, v52  }
0x312: {  	v0 =	vadd.f32 v61, v0;
	v62 =	vmul.f32 v32, v14;
	[tilespmem:s12+$0x14460] =	vst.add.f32.msk $0xffff, v3;
	v59 =	vmul.f32 v22, v11  }
0x313: {  	v3 =	vld [tilespmem:$0x1FFC0];
	v60 =	vmul.f32 v29, v12;
	v61 =	vmul.f32 v31, v13  }
0x314: {  	v55 =	vperm.xlane v0, v4;
	[tilespmem:s12+$0x14440] =	vst.add.f32.msk $0xffff, v53;
	v52 =	vadd.f32 v57, v56;
	v38 =	vadd.f32 v50, v62  }
0x315: {  	[tilespmem:s12+$0x14450] =	vst.add.f32.msk $0xffff, v54;
	v53 =	vadd.f32 v59, v58;
	v54 =	vadd.f32 v61, v60  }
0x316: {  	v42 =	vld [tilespmem:s10+$0x2C0];
	v0 =	vadd.f32 v0, v55  }
0x317: {  	v40 =	vld [tilespmem:s10+$0x290];
	v5 =	vmul.f32 v5, v44;
	v1 =	vadd.f32 v53, v52;
	v2 =	vadd.f32 v38, v54  }
0x318: {  	v44 =	vld [tilespmem:s10+$0x2E0];
	v3 =	vperm.xlane v0, v3  }
0x319: {  	[tilespmem:s12+$0x14470] =	vst.add.f32.msk $0xffff, v5;
	v1 =	vadd.f32 v2, v1  }
0x31a: {  	v5 =	vld [tilespmem:$0x1FFC0];
	v0 =	vadd.f32 v0, v3  }
0x31b: {  	v57 =	vpop (erf);
	v38 =	vld [tilespmem:s10+$0x2D0];
	v3 =	vperm.xlane v1, v4  }
0x31c: {  	v56 =	vmul.f32 v57, v45;
	v45 =	vld [tilespmem:s10+$0x2F0];
	v55 =	vperm.xlane v0, v6  }
0x31d: {  	v41 =	vld [tilespmem:s10+$0x2A0];
	v47 =	vmul.f32 v46, v8;
	v1 =	vadd.f32 v1, v3  }
0x31e: {  	v58 =	vmul.f32 v40, v9;
	v59 =	vmul.f32 v37, v11;
	v0 =	vadd.f32 v0, v55  }
0x31f: {  	v48 =	vld [tilespmem:s10+$0x300];
	v60 =	vmul.f32 v42, v12;
	v5 =	vperm.xlane v1, v5  }
0x320: {  	v49 =	vld [tilespmem:s10+$0x320];
	v61 =	vmul.f32 v38, v13;
	v3 =	vperm.xlane v0, v7  }
0x321: {  	v50 =	vld [tilespmem:s10+$0x330];
	v62 =	vmul.f32 v45, v15;
	v1 =	vadd.f32 v1, v5;
	v5 =	vmul.f32 v44, v14  }
0x322: {  	s18 =	spop (v2sf);
	v58 =	vadd.f32 v58, v47;
	v2 =	vmul.f32 v41, v10;
	v0 =	vadd.f32 v0, v3;
	v3 =	vld [tilespmem:s5+$0x3]  }
0x323: {  	v47 =	vld [tilespmem:s10+$0x310];
	s17 =	ssub.s32 s18, s8;
	v52 =	vadd.f32 v61, v60;
	v5 =	vadd.f32 v62, v5  }
0x324: {  	v53 =	vld [tilespmem:s10+$0x350];
	s21 =	sshll.u32 s17, $0x6;
	v2 =	vadd.f32 v59, v2;
	v59 =	vperm.xlane v1, v6  }
0x325: {  	s31 =	sshra.s32 s21, $0x2;
	v5 =	vadd.f32 v5, v52;
	v52 =	vld [tilespmem:s10+$0x340]  }
0x326: {  	s17 =	sshll.u32 s17, $0x9;
	[tilespmem:s31+$0x1E400] =	vst.add.f32.msk $0xffff, v57;
	v0 =	vsub.f32 v0, v16;
	v1 =	vadd.f32 v1, v59  }
0x327: {  	s18 =	sshra.s32 s17, $0x2;
	v55 =	vld [tilespmem:s10+$0x380];
	(v2sf) =	vpush v3, $0x0  }
0x328: {  	[tilespmem:s18+$0x14400] =	vst.add.f32.msk $0xffff, v56;
	v0 =	vmul.f32 $1.442695020e+00, v0;
	v60 =	vperm.xlane v1, v7  }
0x329: {  	v56 =	vld [tilespmem:s5+$0x4];
	v2 =	vadd.f32 v2, v58;
	v61 =	vmul.f32 v53, v13;
	v3 =	vmul.f32 v57, v43  }
0x32a: {  	v43 =	vld [tilespmem:s10+$0x360];
	(erf) = vpow2.f32 v0;
	v0 =	vadd.f32 v1, v60;
	v60 =	vmul.f32 v52, v12  }
0x32b: {  	v2 =	vadd.f32 v5, v2;
	v5 =	vmul.f32 v57, v39;
	v39 =	vld [tilespmem:s10+$0x370]  }
0x32c: {  	v58 =	vmul.f32 v49, v10;
	v59 =	vmul.f32 v50, v11;
	v60 =	vadd.f32 v61, v60;
	v61 =	vld [tilespmem:$0x1FFC0]  }
0x32d: {  	[tilespmem:s18+$0x14410] =	vst.add.f32.msk $0xffff, v3;
	v3 =	vperm.xlane v2, v4  }
0x32e: {  	v54 =	vmul.f32 v47, v9;
	(v2sf) =	vpush v56, $0x0;
	v56 =	vld [tilespmem:s10+$0x3B0];
	v58 =	vadd.f32 v59, v58  }
0x32f: {  	v59 =	vmul.f32 v57, v21;
	[tilespmem:s18+$0x14420] =	vst.add.f32.msk $0xffff, v5;
	v5 =	vmul.f32 v48, v8;
	v2 =	vadd.f32 v2, v3  }
0x330: {  	v21 =	vld [tilespmem:s10+$0x3A0];
	v3 =	vmul.f32 v43, v14;
	v62 =	vmul.f32 v39, v15  }
0x331: {  	v1 =	vld [tilespmem:s5+$0x5];
	v5 =	vadd.f32 v54, v5;
	v61 =	vperm.xlane v2, v61  }
0x332: {  	[tilespmem:s18+$0x14430] =	vst.add.f32.msk $0xffff, v59;
	v3 =	vadd.f32 v62, v3  }
0x333: {  	v54 =	vld [tilespmem:s10+$0x390];
	v5 =	vadd.f32 v58, v5;
	v58 =	vmul.f32 v57, v17  }
0x334: {  	v3 =	vadd.f32 v3, v60;
	v60 =	vmul.f32 v57, v19;
	v19 =	vld [tilespmem:s10+$0x3E0];
	v2 =	vadd.f32 v2, v61  }
0x335: {  	v62 =	vmul.f32 v57, v18;
	v57 =	vmul.f32 v57, v20;
	v20 =	vld [tilespmem:s10+$0x3F0];
	v61 =	vpop (erf)  }
0x336: {  	v17 =	vld [tilespmem:s10+$0x3D0];
	v3 =	vadd.f32 v3, v5;
	s21 =	spop (v2sf);
	v5 =	vmul.f32 v61, v51;
	v51 =	vperm.xlane v2, v6  }
0x337: {  	v0 =	vsub.f32 v0, v16;
	v18 =	vld [tilespmem:s10+$0x3C0];
	s17 =	ssub.s32 s21, s8  }
0x338: {  	[tilespmem:s18+$0x14450] =	vst.add.f32.msk $0xffff, v58;
	v59 =	vmul.f32 v54, v9;
	s31 =	sshll.u32 s17, $0x6;
	v2 =	vadd.f32 v2, v51;
	v51 =	vmul.f32 v55, v8  }
0x339: {  	v0 =	vmul.f32 $1.442695020e+00, v0;
	[tilespmem:s18+$0x14470] =	vst.add.f32.msk $0xffff, v57;
	s17 =	sshll.u32 s17, $0x9;
	s21 =	sshra.s32 s31, $0x2  }
0x33a: {  	v57 =	vmul.f32 v19, v14;
	s31 =	sshra.s32 s17, $0x2;
	[tilespmem:s21+$0x1E400] =	vst.add.f32.msk $0xffff, v61;
	v51 =	vadd.f32 v59, v51;
	v59 =	vmul.f32 v20, v15  }
0x33b: {  	v58 =	vmul.f32 v56, v11;
	[tilespmem:s31+$0x14400] =	vst.add.f32.msk $0xffff, v5  }
0x33c: {  	(erf) = vpow2.f32 v0;
	v0 =	vperm.xlane v3, v4;
	v5 =	vadd.f32 v59, v57;
	v57 =	vld [tilespmem:$0x1FFC0]  }
0x33d: {  	[tilespmem:s18+$0x14460] =	vst.add.f32.msk $0xffff, v60;
	v60 =	vmul.f32 v17, v13;
	(v2sf) =	vpush v1, $0x0;
	v1 =	vmul.f32 v21, v10  }
0x33e: {  	v36 =	vmul.f32 v61, v36;
	v0 =	vadd.f32 v3, v0;
	v3 =	vmul.f32 v18, v12  }
0x33f: {  	[tilespmem:s18+$0x14440] =	vst.add.f32.msk $0xffff, v62;
	v33 =	vmul.f32 v61, v33;
	v62 =	vperm.xlane v2, v7  }
0x340: {  	v1 =	vadd.f32 v58, v1;
	v34 =	vmul.f32 v61, v34;
	[tilespmem:s31+$0x14410] =	vst.add.f32.msk $0xffff, v36;
	v3 =	vadd.f32 v60, v3  }
0x341: {  	[tilespmem:s31+$0x14420] =	vst.add.f32.msk $0xffff, v33;
	v2 =	vadd.f32 v2, v62;
	v36 =	vperm.xlane v0, v57  }
0x342: {  	[tilespmem:s31+$0x14430] =	vst.add.f32.msk $0xffff, v34;
	v1 =	vadd.f32 v1, v51;
	v3 =	vadd.f32 v5, v3  }
0x343: {  	v58 =	vmul.f32 v61, v25;
	v34 =	vld [tilespmem:$0x1FFC0];
	v5 =	vmul.f32 v61, v23;
	v0 =	vadd.f32 v0, v36  }
0x344: {  	v59 =	vmul.f32 v61, v30;
	v2 =	vsub.f32 v2, v16;
	v1 =	vadd.f32 v3, v1;
	v3 =	vld [tilespmem:s5+$0x6]  }
0x345: {  	s18 =	spop (v2sf);
	[tilespmem:s31+$0x14440] =	vst.add.f32.msk $0xffff, v5;
	v5 =	vmul.f32 v61, v24;
	v60 =	vperm.xlane v0, v6  }
0x346: {  	s17 =	ssub.s32 s18, s8;
	[tilespmem:s31+$0x14450] =	vst.add.f32.msk $0xffff, v58;
	v2 =	vmul.f32 $1.442695020e+00, v2;
	v61 =	vperm.xlane v1, v4  }
0x347: {  	s21 =	sshll.u32 s17, $0x6;
	[tilespmem:s31+$0x14460] =	vst.add.f32.msk $0xffff, v59;
	v62 =	vpop (erf);
	v0 =	vadd.f32 v0, v60  }
0x348: {  	s17 =	sshll.u32 s17, $0x9;
	v26 =	vmul.f32 v62, v26;
	[tilespmem:s31+$0x14470] =	vst.add.f32.msk $0xffff, v5;
	(erf) = vpow2.f32 v2;
	s31 =	sshra.s32 s21, $0x2;
	v1 =	vadd.f32 v1, v61  }
0x349: {  	s18 =	sshra.s32 s17, $0x2;
	v5 =	vmul.f32 v62, v27;
	[tilespmem:s31+$0x1E400] =	vst.add.f32.msk $0xffff, v62;
	(v2sf) =	vpush v3, $0x0;
	v3 =	vperm.xlane v0, v7  }
0x34a: {  	[tilespmem:s18+$0x14400] =	vst.add.f32.msk $0xffff, v26;
	v23 =	vperm.xlane v1, v34  }
0x34b: {  	[tilespmem:s18+$0x14410] =	vst.add.f32.msk $0xffff, v5;
	v0 =	vadd.f32 v0, v3;
	v3 =	vmul.f32 v62, v29  }
0x34c: {  	v27 =	vmul.f32 v62, v28;
	v5 =	vld [tilespmem:s5+$0x7];
	v1 =	vadd.f32 v1, v23  }
0x34d: {  	v28 =	vmul.f32 v62, v22;
	v0 =	vsub.f32 v0, v16;
	[tilespmem:s18+$0x14440] =	vst.add.f32.msk $0xffff, v3;
	v3 =	vmul.f32 v62, v32  }
0x34e: {  	[tilespmem:s18+$0x14420] =	vst.add.f32.msk $0xffff, v27;
	v30 =	vperm.xlane v1, v6;
	v29 =	vmul.f32 v62, v31  }
0x34f: {  	s21 =	spop (v2sf);
	[tilespmem:s18+$0x14430] =	vst.add.f32.msk $0xffff, v28;
	v0 =	vmul.f32 $1.442695020e+00, v0  }
0x350: {  	s17 =	ssub.s32 s21, s8;
	v31 =	vmul.f32 v62, v35;
	v1 =	vadd.f32 v1, v30;
	[tilespmem:s18+$0x14450] =	vst.add.f32.msk $0xffff, v29  }
0x351: {  	s31 =	sshll.u32 s17, $0x6;
	[tilespmem:s18+$0x14460] =	vst.add.f32.msk $0xffff, v3;
	v3 =	vpop (erf);
	(erf) = vpow2.f32 v0  }
0x352: {  	s17 =	sshll.u32 s17, $0x9;
	s21 =	sshra.s32 s31, $0x2;
	(v2sf) =	vpush v5, $0x0;
	[tilespmem:s18+$0x14470] =	vst.add.f32.msk $0xffff, v31;
	v33 =	vperm.xlane v1, v7;
	v32 =	vmul.f32 v3, v46  }
0x353: {  	s31 =	sshra.s32 s17, $0x2;
	[tilespmem:s21+$0x1E400] =	vst.add.f32.msk $0xffff, v3;
	v5 =	vmul.f32 v3, v40  }
0x354: {  	v35 =	vadd.f32 v1, v33;
	v36 =	vmul.f32 v3, v41;
	[tilespmem:s31+$0x14400] =	vst.add.f32.msk $0xffff, v32  }
0x355: {  	v37 =	vmul.f32 v3, v37;
	[tilespmem:s31+$0x14410] =	vst.add.f32.msk $0xffff, v5  }
0x356: {  	v40 =	vmul.f32 v3, v42;
	v0 =	vsub.f32 v35, v16;
	[tilespmem:s31+$0x14420] =	vst.add.f32.msk $0xffff, v36  }
0x357: {  	v41 =	vmul.f32 v3, v38;
	[tilespmem:s31+$0x14430] =	vst.add.f32.msk $0xffff, v37  }
0x358: {  	v42 =	vmul.f32 v3, v44;
	[tilespmem:s31+$0x14440] =	vst.add.f32.msk $0xffff, v40;
	s18 =	spop (v2sf);
	v0 =	vmul.f32 $1.442695020e+00, v0  }
0x359: {  	v44 =	vmul.f32 v3, v45;
	[tilespmem:s31+$0x14450] =	vst.add.f32.msk $0xffff, v41;
	s17 =	ssub.s32 s18, s8  }
0x35a: {  	[tilespmem:s31+$0x14460] =	vst.add.f32.msk $0xffff, v42;
	s21 =	sshll.u32 s17, $0x6;
	v45 =	vpop (erf);
	(erf) = vpow2.f32 v0  }
0x35b: {  	[tilespmem:s31+$0x14470] =	vst.add.f32.msk $0xffff, v44;
	s17 =	sshll.u32 s17, $0x9;
	s31 =	sshra.s32 s21, $0x2;
	v46 =	vmul.f32 v45, v48  }
0x35c: {  	s18 =	sshra.s32 s17, $0x2;
	[tilespmem:s31+$0x1E400] =	vst.add.f32.msk $0xffff, v45;
	v47 =	vmul.f32 v45, v47  }
0x35d: {  	v48 =	vmul.f32 v45, v49;
	[tilespmem:s18+$0x14400] =	vst.add.f32.msk $0xffff, v46  }
0x35e: {  	v49 =	vmul.f32 v45, v50;
	[tilespmem:s18+$0x14410] =	vst.add.f32.msk $0xffff, v47  }
0x35f: {  	v50 =	vmul.f32 v45, v52;
	[tilespmem:s18+$0x14420] =	vst.add.f32.msk $0xffff, v48  }
0x360: {  	v51 =	vmul.f32 v45, v53;
	[tilespmem:s18+$0x14430] =	vst.add.f32.msk $0xffff, v49  }
0x361: {  	s21 =	spop (v2sf);
	v52 =	vmul.f32 v45, v43;
	[tilespmem:s18+$0x14440] =	vst.add.f32.msk $0xffff, v50  }
0x362: {  	s17 =	ssub.s32 s21, s8;
	v1 =	vmul.f32 v45, v39;
	[tilespmem:s18+$0x14450] =	vst.add.f32.msk $0xffff, v51  }
0x363: {  	s31 =	sshll.u32 s17, $0x6;
	[tilespmem:s18+$0x14460] =	vst.add.f32.msk $0xffff, v52;
	v53 =	vpop (erf)  }
0x364: {  	s17 =	sshll.u32 s17, $0x9;
	s21 =	sshra.s32 s31, $0x2;
	[tilespmem:s18+$0x14470] =	vst.add.f32.msk $0xffff, v1;
	v55 =	vmul.f32 v53, v55  }
0x365: {  	s31 =	sshra.s32 s17, $0x2;
	[tilespmem:s21+$0x1E400] =	vst.add.f32.msk $0xffff, v53;
	v57 =	vmul.f32 v53, v54  }
0x366: {  	v58 =	vmul.f32 v53, v21;
	[tilespmem:s31+$0x14400] =	vst.add.f32.msk $0xffff, v55  }
0x367: {  	s1 =	sadd.s32 $0x10, s1;
	v59 =	vmul.f32 v53, v56;
	[tilespmem:s31+$0x14410] =	vst.add.f32.msk $0xffff, v57  }
0x368: {  	p0 =	slt.s32 s1, s9;
	v60 =	vmul.f32 v53, v18;
	[tilespmem:s31+$0x14420] =	vst.add.f32.msk $0xffff, v58  }
.Ltmp10:
0x369: {  	v61 =	vmul.f32 v53, v17;
	[tilespmem:s31+$0x14430] =	vst.add.f32.msk $0xffff, v59;
	(pc) =	sbr.rel @p0 .LBB2_15-.Ltmp10, $4  }
0x36a: {  	v62 =	vmul.f32 v53, v19;
	[tilespmem:s31+$0x14440] =	vst.add.f32.msk $0xffff, v60  }
0x36b: {  	v0 =	vmul.f32 v53, v20;
	[tilespmem:s31+$0x14450] =	vst.add.f32.msk $0xffff, v61  }
0x36c: {  	[tilespmem:s31+$0x14460] =	vst.add.f32.msk $0xffff, v62  }
0x36d: {  	s10 =	sadd.s32 $0x800, s10;
	s5 =	sadd.s32 $0x10, s5;
	[tilespmem:s31+$0x14470] =	vst.add.f32.msk $0xffff, v0  }
.LBB2_16:
0x36e: {  	p0 =	sge.s32 s9, s4  }
.Ltmp11:
0x36f: {  	_ = 	snop;
	(pc) =	sbr.rel @p0 .LBB2_19-.Ltmp11, $3  }
0x370: {  	_ =	sdelay $0x1  }
0x371: {  	v28 =	vld [tilespmem:$0x1FFE0]  }
0x372: {  	v29 =	vld [tilespmem:$0x1FFF0]  }
0x373: {  	p0 =	slt.s32 s24, s30;
	s4 =	smov.u32 s30  }
0x374: {  	s4 =	smov.u32 @p0 s24  }
0x375: {  	p0 =	sgt.s32 s15, s4  }
0x376: {  	s1 =	ssub.s32 s3, s11;
	s4 =	smov.u32 @p0 s15  }
0x377: {  	s3 =	ssub.s32 s4, s1  }
0x378: {  	s3 =	ssub.s32 s3, s13  }
0x379: {  	s31 =	sshll.u32 s3, $0x2;
	s3 =	sshll.u32 s3, $0x9  }
0x37a: {  	s4 =	sshra.s32 s31, $0x2;
	s5 =	sshra.s32 s3, $0x2  }
0x37b: {  	s3 =	sadd.s32 $0x14180, s4;
	s4 =	sadd.s32 $0xA040, s5  }
.LBB2_18:
0x37c: {  	v0 =	vld [tilespmem:s4+$0xFFFFFFC0]  }
0x37d: {  	v1 =	vld [tilespmem:s4+$0xFFFFFFD0]  }
0x37e: {  	v2 =	vld [tilespmem:s4+$0xFFFFFFE0]  }
0x37f: {  	v3 =	vld [tilespmem:s4+$0xFFFFFFF0]  }
0x380: {  	v5 =	vld [tilespmem:s4+$0x0]  }
0x381: {  	v17 =	vld [tilespmem:s4+$0x10]  }
0x382: {  	v18 =	vld [tilespmem:s4+$0x20]  }
0x383: {  	v19 =	vld [tilespmem:s4+$0x30];
	_ =	sdelay $0x1  }
0x384: {  	v20 =	vmul.f32 v0, v8;
	v21 =	vmul.f32 v1, v9  }
0x385: {  	v22 =	vmul.f32 v2, v10;
	v23 =	vmul.f32 v3, v11  }
0x386: {  	v24 =	vmul.f32 v5, v12;
	v25 =	vmul.f32 v17, v13  }
0x387: {  	v26 =	vmul.f32 v18, v14;
	v27 =	vmul.f32 v19, v15  }
0x388: {  	v20 =	vadd.f32 v21, v20;
	v51 =	vadd.f32 v23, v22  }
0x389: {  	v52 =	vadd.f32 v25, v24;
	v53 =	vadd.f32 v27, v26;
	_ =	sdelay $0x1  }
0x38a: {  	v20 =	vadd.f32 v51, v20;
	v54 =	vadd.f32 v53, v52;
	_ =	sdelay $0x1  }
0x38b: {  	v20 =	vadd.f32 v54, v20;
	_ =	sdelay $0x1  }
0x38c: {  	v21 =	vperm.xlane v20, v4;
	_ =	sdelay $0x1  }
0x38d: {  	v20 =	vadd.f32 v20, v21;
	_ =	sdelay $0x1  }
0x38e: {  	v21 =	vperm.xlane v20, v63;
	_ =	sdelay $0x1  }
0x38f: {  	v20 =	vadd.f32 v20, v21  }
0x390: {  	v55 =	vld [tilespmem:s3+$0x0]  }
0x391: {  	v56 =	vperm.xlane v20, v28;
	_ =	sdelay $0x1  }
0x392: {  	v20 =	vadd.f32 v20, v56;
	_ =	sdelay $0x1  }
0x393: {  	(v2sf) =	vpush v55, $0x0;
	v22 =	vperm.xlane v20, v29;
	_ =	sdelay $0x1  }
0x394: {  	v20 =	vadd.f32 v20, v22;
	_ =	sdelay $0x1  }
0x395: {  	v20 =	vsub.f32 v20, v16;
	_ =	sdelay $0x1  }
0x396: {  	v20 =	vmul.f32 $1.442695020e+00, v20;
	_ =	sdelay $0x1  }
0x397: {  	(erf) = vpow2.f32 v20;
	_ =	sdelay $0x6  }
0x398: {  	s5 =	spop (v2sf)  }
0x399: {  	s5 =	ssub.s32 s5, s8  }
0x39a: {  	s9 =	sshll.u32 s5, $0x6;
	v20 =	vpop (erf)  }
0x39b: {  	s5 =	sshll.u32 s5, $0x9;
	s9 =	sshra.s32 s9, $0x2;
	v0 =	vmul.f32 v20, v0  }
0x39c: {  	s5 =	sshra.s32 s5, $0x2;
	[tilespmem:s9+$0x1E400] =	vst.add.f32.msk $0xffff, v20;
	v1 =	vmul.f32 v20, v1  }
0x39d: {  	v57 =	vmul.f32 v20, v2;
	[tilespmem:s5+$0x14400] =	vst.add.f32.msk $0xffff, v0  }
0x39e: {  	v58 =	vmul.f32 v20, v3;
	[tilespmem:s5+$0x14410] =	vst.add.f32.msk $0xffff, v1  }
0x39f: {  	p0 =	sne.s32 s1, $0x1;
	v59 =	vmul.f32 v20, v5;
	[tilespmem:s5+$0x14420] =	vst.add.f32.msk $0xffff, v57  }
.Ltmp12:
0x3a0: {  	v60 =	vmul.f32 v20, v17;
	[tilespmem:s5+$0x14430] =	vst.add.f32.msk $0xffff, v58;
	(pc) =	sbr.rel @p0 .LBB2_18-.Ltmp12, $4  }
0x3a1: {  	v61 =	vmul.f32 v20, v18;
	[tilespmem:s5+$0x14440] =	vst.add.f32.msk $0xffff, v59  }
0x3a2: {  	v62 =	vmul.f32 v20, v19;
	[tilespmem:s5+$0x14450] =	vst.add.f32.msk $0xffff, v60  }
0x3a3: {  	[tilespmem:s5+$0x14460] =	vst.add.f32.msk $0xffff, v61  }
0x3a4: {  	s3 =	sadd.s32 $0x1, s3;
	s4 =	sadd.s32 $0x80, s4;
	s1 =	sadd.s32 $0xFFFFFFFF, s1;
	[tilespmem:s5+$0x14470] =	vst.add.f32.msk $0xffff, v62  }
.Ltmp13:
0x3a5: {  	_ = 	snop;
	(pc) =	sbr.rel .LBB2_19-.Ltmp13, $1  }
0x3a6: {  	_ =	sdelay $0x3  }
.LBB2_20:
0x3a7: {  	_ =	swait.ge [sflag:s14], $0xA000  }
0x3a8: {  	[sflag:s14] =	ssyncset.done $0x0  }
0x3a9: {  	[sflag:s14] =	ssyncadd.s32 $0xFFFF6000  }
0x3aa: {  	_ =	swait.ge [sflag:s14], $0x140  }
0x3ab: {  	[sflag:s14] =	ssyncset.done $0x0  }
0x3ac: {  	s1 =	simm.s32 $0x1E420;
	[sflag:s14] =	ssyncadd.s32 $0xFFFFFEC0  }
0x3ad: {  	v0 =	vld [tilespmem:s1+$0x10]  }
0x3ae: {  	v1 =	vld [tilespmem:s1+$0xFFFFFFF0]  }
0x3af: {  	v2 =	vld [tilespmem:s1+$0x0]  }
0x3b0: {  	v3 =	vld [tilespmem:s1+$0xFFFFFFE0];
	_ =	sdelay $0x1  }
0x3b1: {  	(erf) = vrcp.f32 v0  }
0x3b2: {  	(erf) = vrcp.f32 v1  }
0x3b3: {  	(erf) = vrcp.f32 v2  }
0x3b4: {  	(erf) = vrcp.f32 v3;
	_ =	sdelay $0x1  }
0x3b5: {  	s1 =	simm.s32 $0x14500  }
0x3b6: {  	v5 =	vld [tilespmem:s1+$0xF0]  }
0x3b7: {  	v9 =	vld [tilespmem:s1+$0xFFFFFF00]  }
0x3b8: {  	v10 =	vld [tilespmem:s1+$0xFFFFFF10]  }
0x3b9: {  	v11 =	vld [tilespmem:s1+$0xFFFFFF20];
	v8 =	vpop (erf)  }
0x3ba: {  	v12 =	vld [tilespmem:s1+$0xFFFFFF30];
	v13 =	vpop (erf)  }
0x3bb: {  	v58 =	vld [tilespmem:s1+$0xFFFFFF40];
	vm0 =	vgt.f32 v0, $0.0e+00;
	v14 =	vpop (erf)  }
0x3bc: {  	v16 =	vld [tilespmem:s1+$0xFFFFFF60];
	vm1 =	vgt.f32 v3, $0.0e+00;
	v8 =	vnsel vm0, $0x0, v8;
	v15 =	vpop (erf)  }
0x3bd: {  	v17 =	vld [tilespmem:s1+$0xFFFFFF70];
	v5 =	vmul.f32 v5, v8;
	v15 =	vnsel vm1, $0x0, v15  }
0x3be: {  	v3 =	vld [tilespmem:s1+$0xFFFFFF50];
	v9 =	vmul.f32 v15, v9  }
0x3bf: {  	v60 =	vld [tilespmem:s1+$0xFFFFFFD0];
	[tilespmem:s1+$0xF0] =	vst v5;
	v5 =	vmul.f32 v10, v15  }
0x3c0: {  	v61 =	vld [tilespmem:s1+$0xFFFFFFF0];
	v11 =	vmul.f32 v11, v15;
	[tilespmem:s1+$0xFFFFFF00] =	vst v9  }
0x3c1: {  	v19 =	vld [tilespmem:s1+$0x20];
	v12 =	vmul.f32 v12, v15;
	[tilespmem:s1+$0xFFFFFF10] =	vst v5  }
0x3c2: {  	v10 =	vld [tilespmem:s1+$0xFFFFFF80];
	v0 =	vmul.f32 v58, v15;
	[tilespmem:s1+$0xFFFFFF20] =	vst v11  }
0x3c3: {  	v3 =	vmul.f32 v3, v15;
	v9 =	vld [tilespmem:s1+$0xFFFFFF90];
	[tilespmem:s1+$0xFFFFFF30] =	vst v12  }
0x3c4: {  	vm14 =	vgt.f32 v1, $0.0e+00;
	v59 =	vmul.f32 v16, v15;
	v11 =	vld [tilespmem:s1+$0xFFFFFFB0];
	[tilespmem:s1+$0xFFFFFF40] =	vst v0  }
0x3c5: {  	v13 =	vnsel vm14, $0x0, v13;
	v15 =	vmul.f32 v17, v15;
	v12 =	vld [tilespmem:s1+$0xFFFFFFC0];
	[tilespmem:s1+$0xFFFFFF50] =	vst v3  }
0x3c6: {  	v5 =	vld [tilespmem:s1+$0xFFFFFFA0];
	[tilespmem:s1+$0xFFFFFF60] =	vst v59;
	v0 =	vmul.f32 v60, v13  }
0x3c7: {  	v3 =	vld [tilespmem:s1+$0xFFFFFFE0];
	[tilespmem:s1+$0xFFFFFF70] =	vst v15;
	v10 =	vmul.f32 v13, v10  }
0x3c8: {  	v15 =	vld [tilespmem:s1+$0x0];
	[tilespmem:s1+$0xFFFFFFD0] =	vst v0;
	v9 =	vmul.f32 v9, v13  }
0x3c9: {  	v17 =	vld [tilespmem:s1+$0x10];
	[tilespmem:s1+$0xFFFFFF80] =	vst v10;
	v11 =	vmul.f32 v11, v13  }
0x3ca: {  	v12 =	vmul.f32 v12, v13;
	v10 =	vld [tilespmem:s1+$0x30];
	[tilespmem:s1+$0xFFFFFF90] =	vst v9  }
0x3cb: {  	vm15 =	vgt.f32 v2, $0.0e+00;
	v5 =	vmul.f32 v5, v13;
	[tilespmem:s1+$0xFFFFFFB0] =	vst v11;
	v11 =	vld [tilespmem:s1+$0x40]  }
0x3cc: {  	v62 =	vmul.f32 v3, v13;
	v9 =	vnsel vm15, $0x0, v14;
	[tilespmem:s1+$0xFFFFFFC0] =	vst v12;
	v12 =	vld [tilespmem:s1+$0x50]  }
0x3cd: {  	v16 =	vmul.f32 v61, v13;
	v13 =	vld [tilespmem:s1+$0x60];
	[tilespmem:s1+$0xFFFFFFA0] =	vst v5;
	v15 =	vmul.f32 v9, v15  }
0x3ce: {  	s4 =	simm.s32 $0x0;
	s5 =	simm.s32 $0x1E460;
	s3 =	simm.s32 $0x14500;
	[tilespmem:s1+$0xFFFFFFE0] =	vst v62;
	v14 =	vld [tilespmem:s1+$0x70];
	v18 =	vmul.f32 v17, v9;
	v17 =	vmul.f32 v19, v9  }
.LBB2_21:
0x3cf: {  	v0 =	vld [tilespmem:s5+$0x10];
	s4 =	sadd.s32 $0x4, s4;
	[tilespmem:s1+$0xFFFFFFF0] =	vst v16;
	v1 =	vmul.f32 v10, v9  }
0x3d0: {  	v2 =	vld [tilespmem:s5+$0xFFFFFFF0];
	p0 =	slt.u32 s4, $0x13C;
	[tilespmem:s1+$0x0] =	vst v15;
	v3 =	vmul.f32 v11, v9  }
0x3d1: {  	v5 =	vld [tilespmem:s5+$0x0];
	[tilespmem:s1+$0x10] =	vst v18;
	v10 =	vmul.f32 v12, v9  }
0x3d2: {  	v11 =	vld [tilespmem:s5+$0xFFFFFFE0];
	[tilespmem:s1+$0x20] =	vst v17;
	v12 =	vmul.f32 v13, v9  }
0x3d3: {  	[tilespmem:s1+$0x30] =	vst v1;
	v1 =	vmul.f32 v14, v9;
	v9 =	vld [tilespmem:s1+$0x80]  }
0x3d4: {  	(erf) = vrcp.f32 v0;
	[tilespmem:s1+$0x40] =	vst v3;
	v3 =	vld [tilespmem:s1+$0x90]  }
0x3d5: {  	vm2 =	vgt.f32 v2, $0.0e+00;
	(erf) = vrcp.f32 v2;
	[tilespmem:s1+$0x50] =	vst v10;
	v2 =	vld [tilespmem:s1+$0xA0]  }
0x3d6: {  	vm1 =	vgt.f32 v5, $0.0e+00;
	(erf) = vrcp.f32 v5;
	[tilespmem:s1+$0x60] =	vst v12;
	v5 =	vld [tilespmem:s1+$0xB0]  }
0x3d7: {  	vm0 =	vgt.f32 v11, $0.0e+00;
	(erf) = vrcp.f32 v11;
	[tilespmem:s1+$0x70] =	vst v1;
	v1 =	vld [tilespmem:s1+$0xC0]  }
0x3d8: {  	v9 =	vmul.f32 v8, v9;
	v10 =	vld [tilespmem:s1+$0xD0]  }
0x3d9: {  	s1 =	sadd.s32 $0x200, s1;
	v3 =	vmul.f32 v3, v8;
	v11 =	vld [tilespmem:s3+$0xE0]  }
0x3da: {  	v12 =	vld [tilespmem:s1+$0xF0];
	[tilespmem:s3+$0x80] =	vst v9;
	v2 =	vmul.f32 v2, v8  }
0x3db: {  	v13 =	vld [tilespmem:s1+$0xFFFFFF00];
	[tilespmem:s3+$0x90] =	vst v3;
	v3 =	vmul.f32 v5, v8  }
0x3dc: {  	v5 =	vld [tilespmem:s1+$0xFFFFFF10];
	[tilespmem:s3+$0xA0] =	vst v2;
	v1 =	vmul.f32 v1, v8  }
0x3dd: {  	vm3 =	vgt.f32 v0, $0.0e+00;
	v2 =	vld [tilespmem:s1+$0xFFFFFF20];
	v0 =	vpop (erf);
	[tilespmem:s3+$0xB0] =	vst v3;
	v3 =	vmul.f32 v10, v8  }
0x3de: {  	v10 =	vld [tilespmem:s1+$0xFFFFFF30];
	v9 =	vpop (erf);
	[tilespmem:s3+$0xC0] =	vst v1;
	v1 =	vmul.f32 v11, v8;
	v8 =	vnsel vm3, $0x0, v0  }
0x3df: {  	v0 =	vld [tilespmem:s1+$0xFFFFFF40];
	v11 =	vnsel vm2, $0x0, v9;
	v12 =	vmul.f32 v12, v8;
	v9 =	vpop (erf);
	[tilespmem:s3+$0xD0] =	vst v3  }
0x3e0: {  	v3 =	vld [tilespmem:s1+$0xFFFFFF50];
	v9 =	vnsel vm1, $0x0, v9;
	v14 =	vpop (erf);
	[tilespmem:s3+$0xE0] =	vst v1;
	s3 =	smov.u32 s1  }
0x3e1: {  	v1 =	vnsel vm0, $0x0, v14;
	v14 =	vld [tilespmem:s1+$0xFFFFFF60];
	[tilespmem:s1+$0xF0] =	vst v12  }
0x3e2: {  	v12 =	vmul.f32 v1, v13;
	v5 =	vmul.f32 v5, v1;
	v13 =	vld [tilespmem:s1+$0xFFFFFF70]  }
0x3e3: {  	v2 =	vmul.f32 v2, v1;
	v10 =	vmul.f32 v10, v1;
	v15 =	vld [tilespmem:s1+$0xFFFFFF80]  }
0x3e4: {  	[tilespmem:s1+$0xFFFFFF00] =	vst v12;
	v0 =	vmul.f32 v0, v1;
	v12 =	vld [tilespmem:s1+$0xFFFFFF90]  }
0x3e5: {  	[tilespmem:s1+$0xFFFFFF10] =	vst v5;
	v3 =	vmul.f32 v3, v1;
	v5 =	vld [tilespmem:s1+$0xFFFFFFA0]  }
0x3e6: {  	[tilespmem:s1+$0xFFFFFF20] =	vst v2;
	v2 =	vmul.f32 v14, v1;
	v14 =	vld [tilespmem:s1+$0xFFFFFFB0]  }
0x3e7: {  	[tilespmem:s1+$0xFFFFFF30] =	vst v10;
	v1 =	vmul.f32 v13, v1;
	v10 =	vld [tilespmem:s1+$0xFFFFFFC0]  }
0x3e8: {  	[tilespmem:s1+$0xFFFFFF40] =	vst v0;
	v0 =	vmul.f32 v11, v15;
	v13 =	vld [tilespmem:s1+$0xFFFFFFD0]  }
0x3e9: {  	[tilespmem:s1+$0xFFFFFF50] =	vst v3;
	v3 =	vmul.f32 v12, v11;
	v12 =	vld [tilespmem:s1+$0xFFFFFFE0]  }
0x3ea: {  	[tilespmem:s1+$0xFFFFFF60] =	vst v2;
	v2 =	vmul.f32 v5, v11;
	v5 =	vld [tilespmem:s1+$0xFFFFFFF0]  }
0x3eb: {  	[tilespmem:s1+$0xFFFFFF70] =	vst v1;
	v1 =	vmul.f32 v14, v11;
	v14 =	vld [tilespmem:s1+$0x0]  }
0x3ec: {  	[tilespmem:s1+$0xFFFFFF80] =	vst v0;
	v0 =	vmul.f32 v10, v11;
	v17 =	vld [tilespmem:s1+$0x10]  }
0x3ed: {  	[tilespmem:s1+$0xFFFFFF90] =	vst v3;
	v3 =	vmul.f32 v13, v11;
	v19 =	vld [tilespmem:s1+$0x20]  }
.Ltmp14:
0x3ee: {  	[tilespmem:s1+$0xFFFFFFA0] =	vst v2;
	v2 =	vmul.f32 v12, v11;
	v10 =	vld [tilespmem:s1+$0x30];
	(pc) =	sbr.rel @p0 .LBB2_21-.Ltmp14, $4  }
0x3ef: {  	[tilespmem:s1+$0xFFFFFFB0] =	vst v1;
	v16 =	vmul.f32 v5, v11;
	v11 =	vld [tilespmem:s1+$0x40]  }
0x3f0: {  	[tilespmem:s1+$0xFFFFFFC0] =	vst v0;
	v15 =	vmul.f32 v9, v14;
	v12 =	vld [tilespmem:s1+$0x50]  }
0x3f1: {  	[tilespmem:s1+$0xFFFFFFD0] =	vst v3;
	v18 =	vmul.f32 v17, v9;
	v13 =	vld [tilespmem:s1+$0x60]  }
0x3f2: {  	s5 =	sadd.s32 $0x40, s5;
	[tilespmem:s1+$0xFFFFFFE0] =	vst v2;
	v17 =	vmul.f32 v19, v9;
	v14 =	vld [tilespmem:s1+$0x70]  }
0x3f3: {  	[tilespmem:s1+$0xFFFFFFF0] =	vst v16  }
0x3f4: {  	[tilespmem:s1+$0x0] =	vst v15  }
0x3f5: {  	v0 =	vmul.f32 v10, v9;
	[tilespmem:s1+$0x10] =	vst v18;
	v1 =	vld [tilespmem:s1+$0x80]  }
0x3f6: {  	v3 =	vld [tilespmem:s1+$0x90];
	v2 =	vmul.f32 v11, v9;
	[tilespmem:s1+$0x20] =	vst v17  }
0x3f7: {  	v5 =	vmul.f32 v12, v9;
	[tilespmem:s1+$0x30] =	vst v0;
	v0 =	vld [tilespmem:s1+$0xA0]  }
0x3f8: {  	v59 =	vmul.f32 v13, v9;
	[tilespmem:s1+$0x40] =	vst v2;
	v2 =	vld [tilespmem:s1+$0xB0]  }
0x3f9: {  	v60 =	vmul.f32 v14, v9;
	[tilespmem:s1+$0x50] =	vst v5;
	v5 =	vld [tilespmem:s1+$0xC0]  }
0x3fa: {  	v61 =	vld [tilespmem:s1+$0xD0];
	[tilespmem:s1+$0x60] =	vst v59;
	v1 =	vmul.f32 v8, v1  }
0x3fb: {  	v62 =	vld [tilespmem:s3+$0xE0];
	v3 =	vmul.f32 v3, v8;
	[tilespmem:s1+$0x70] =	vst v60  }
0x3fc: {  	[tilespmem:s3+$0x80] =	vst v1;
	v0 =	vmul.f32 v0, v8  }
0x3fd: {  	[tilespmem:s3+$0x90] =	vst v3;
	v1 =	vmul.f32 v2, v8  }
0x3fe: {  	[tilespmem:s3+$0xA0] =	vst v0;
	v0 =	vmul.f32 v5, v8  }
0x3ff: {  	[tilespmem:s3+$0xB0] =	vst v1;
	v1 =	vmul.f32 v61, v8  }
0x400: {  	[tilespmem:s3+$0xC0] =	vst v0;
	v0 =	vmul.f32 v62, v8  }
0x401: {  	[tilespmem:s3+$0xD0] =	vst v1  }
0x402: {  	[tilespmem:s3+$0xE0] =	vst v0  }
0x403: {  	s29 =	simm.s32 $0x14400;
	s9 =	simm.s32 $0x3;
	s1 =	rddreg [dreg:$0x7]  }
0x404: {  	[hbm4b:s1+s7] =	stream.linear.scatter [tilespmem:s29], [sflag:$0x3], $0xA000, $0x38;
	[tilespmem:$0x1FC00] =	vst v63  }
0x405: {  	_ =	swait.ge [sflag:s9], $0xA000  }
0x406: {  	s30 =	rddreg [dreg:$0x9]  }
0x407: {  	s31 =	rddreg [dreg:$0x8];
	s3 =	sadd.s32 $0x1, s30  }
0x408: {  	p0 =	sne.s32 s3, s31  }
.Ltmp15:
0x409: {  	_ = 	snop;
	(pc) =	sbr.rel @p0 .LBB2_1-.Ltmp15, $3  }
0x40a: {  	_ =	sdelay $0x1  }
0x40b: {  	[sflag:s9] =	ssyncset.done $0x0  }
0x40c: {  	v0 =	vimm.f32 $0.0e+00;
	[sflag:s9] =	ssyncadd.s32 $0xFFFF6000  }
0x40d: {  	_ =	sfence.sel $0x180000  }
0x40e: {  	[bflag:$0x0] =	sbarrier.arrive $0xFFFF  }
0x40f: {  	_ =	strace $0x90000047  }
0x410: {  	s0 =	stileid.u32;
	[bflag:$0x2] =	sbarrier.arrive $0xFFFF  }
0x411: {  	p0 =	sne.s32 s0, $0x0;
	s0 =	rddreg [dreg:$0x5]  }
0x412: {  	s0 =	sadd.s32 @!p0 $0x100000, s0  }
0x413: {  	[sflag:s0] =	ssyncadd.tile.s32 @!p0 $0x1;
	_ =	shalt  }
.Lfunc_end2:
_tile_overlayer_lowered:
.L_overlay_start_2:
0x414: {  	(tag) =	ssettag $0x2  }
0x415: {  	s0 =	rddreg [dreg:$0x0];
	s2 =	stileid.u32  }
0x416: {  	s1 =	rddreg [dreg:$0x1];
	p0 =	sne.s32 s2, $0x0  }
0x417: {  	s3 =	rddreg [dreg:$0x2];
	[bflag:$0x3] =	sbarrier.arrive $0xFFFF;
	s2 =	simm.s32 @!p0 $0x1C03  }
0x418: {  	[timem:s3], [sflag:s2] =	dma.local @!p0 [hbm:s0], s1  }
0x419: {  	s0 =	simm.s32 @!p0 $0x3  }
0x41a: {  	_ =	swait.ge @!p0 [sflag:s0], s1  }
0x41b: {  	s1 =	ssub.s32 @!p0 $0x0, s1;
	[sflag:s0] =	ssyncset.done @!p0 $0x0  }
0x41c: {  	[sflag:s0] =	ssyncadd.s32 @!p0 s1  }
0x41d: {  	[bflag:$0x3] =	sbarrier.arrive $0xFFFF  }
0x41e: {  	_ =	shalt  }

</sc_bundles>
